<compile_context>
chip_gen: v7x
topology: tpu7x:2x2x1
jax: 0.10.2.dev20260603
libtpu: 0.0.44.dev20260713+nightly
codegen_flags: <defaults>
</compile_context>

<pallas_src>
import functools

import jax
import jax.numpy as jnp
import numpy as np
from jax import lax
from jax.experimental import pallas as pl
from jax.experimental.pallas import tpu as pltpu
from jax.experimental.pallas import tpu_sc as plsc

N = 12800
BS = 128
N_AG = 50
N_TASK = 50
D = 128
E = 640000

NTILES = 32
CHUNK = 128
CHUNKS_PER_TILE = 160
WAVE = 40
RW = 8
E_PAD = NTILES * CHUNKS_PER_TILE * CHUNK
STRIPE = 808
ACC_ROWS = 16 * STRIPE


def _sc_segsum(locpad, src3, dst3, zeros_acc):
  mesh = plsc.VectorSubcoreMesh(core_axis_name="c", subcore_axis_name="s")

  @functools.partial(
      pl.kernel,
      mesh=mesh,
      compiler_params=pltpu.CompilerParams(use_tc_tiling_on_sc=False),
      out_type=jax.ShapeDtypeStruct((2, ACC_ROWS, RW), jnp.float32),
      scratch_types=[
          pltpu.VMEM((CHUNKS_PER_TILE, CHUNK), jnp.int32),
          pltpu.VMEM((CHUNKS_PER_TILE, CHUNK), jnp.int32),
          pltpu.VMEM((WAVE, CHUNK, RW), jnp.float32),
          pltpu.VMEM_SHARED((ACC_ROWS, RW), jnp.float32),
          pltpu.SemaphoreType.DMA,
          pltpu.SemaphoreType.DMA,
      ],
  )
  def k(loc_hbm, src_hbm, dst_hbm, z_hbm, out_hbm, src_v, dst_v, rows_v, acc,
        gsem, ssem):
    c = lax.axis_index("c")
    s = lax.axis_index("s")
    wid = c * 16 + s

    pltpu.sync_copy(src_hbm.at[wid], src_v)
    pltpu.sync_copy(dst_hbm.at[wid], dst_v)
    pltpu.sync_copy(z_hbm.at[pl.ds(s * STRIPE, STRIPE)],
                    acc.at[pl.ds(s * STRIPE, STRIPE)])

    plsc.subcore_barrier()

    for w in range(CHUNKS_PER_TILE // WAVE):
      base = w * WAVE

      def fire_gather(jj, carry):
        j = base + jj
        pltpu.async_copy(loc_hbm.at[src_v.at[j]], rows_v.at[jj], gsem)
        return carry
      lax.fori_loop(0, WAVE, fire_gather, 0)

      def wait_and_scatter(jj, carry):
        j = base + jj
        pltpu.make_async_copy(loc_hbm.at[src_v.at[j]], rows_v.at[jj],
                              gsem).wait()
        pltpu.async_copy(rows_v.at[jj], acc.at[dst_v.at[j]], ssem, add=True)
        return carry
      lax.fori_loop(0, WAVE, wait_and_scatter, 0)

      def drain_scatter(jj, carry):
        j = base + jj
        pltpu.make_async_copy(rows_v.at[jj], acc.at[dst_v.at[j]],
                              ssem).wait()
        return carry
      lax.fori_loop(0, WAVE, drain_scatter, 0)

    plsc.subcore_barrier()
    pltpu.sync_copy(acc.at[pl.ds(s * STRIPE, STRIPE)],
                    out_hbm.at[c, pl.ds(s * STRIPE, STRIPE)])

  return k(locpad, src3, dst3, zeros_acc)


BLK = 16
_SQRT_D = np.float32(np.sqrt(np.float64(D)))


def _tc_body(ll_ref, lk_ref, loc_ref, p_ref, ago_ref, g_ref, we_ref, be_ref,
             wg_ref, bg_ref, wa_ref, wt_ref, out_ref):
  f32 = jnp.float32
  bf = jnp.bfloat16
  we = we_ref[...].astype(f32)
  be = be_ref[...]
  lb = loc_ref[...].astype(f32)
  emb = lb[:, 0:1] * we[0:1, :] + lb[:, 1:2] * we[1:2, :] + be

  s4 = p_ref[0] + p_ref[1]
  deg = s4[:, 2:3]
  agg = s4[:, 0:1] * we[0:1, :] + s4[:, 1:2] * we[1:2, :] + deg * be
  aggn = agg / jnp.maximum(deg, f32(1.0))
  h = jnp.dot(aggn.astype(bf), wg_ref[...],
              preferred_element_type=f32) + bg_ref[...]
  nf = (jnp.maximum(h, f32(0.0)) + emb).astype(bf)

  nf3 = nf.reshape(BLK, 100, D)
  agf = nf3[:, :N_AG, :].reshape(BLK * N_AG, D)
  tkf = nf3[:, N_AG:, :].reshape(BLK * N_TASK, D)
  x = jnp.dot(agf, wa_ref[...],
              preferred_element_type=f32).astype(bf).reshape(BLK, N_AG, D)
  y = jnp.dot(tkf, wt_ref[...],
              preferred_element_type=f32).astype(bf).reshape(BLK, N_TASK, D)
  s = lax.dot_general(x, y, (((2,), (2,)), ((0,), (0,))),
                      preferred_element_type=f32)
  s = s / _SQRT_D

  m = jnp.maximum(jnp.max(s, axis=2, keepdims=True), f32(0.0))
  e = jnp.exp(s - m)
  el = jnp.exp(-m)
  z = jnp.sum(e, axis=2, keepdims=True) + el
  pol = e / z
  logp = jnp.log(pol + f32(1e-12))

  ll = ll_ref[0, 0]
  lk = lk_ref[0, 0]

  iota_ag = lax.broadcasted_iota(jnp.int32, (1, N_AG, 1), 1)
  iota_task = lax.broadcasted_iota(jnp.int32, (BLK, N_TASK), 1)

  killed = jnp.zeros((BLK, N_TASK), jnp.bool_)
  acts = jnp.zeros((BLK, N_AG), jnp.int32)
  for t in range(N_AG):
    ag_t = ago_ref[:, t:t + 1]
    sel = iota_ag == ag_t[:, :, None]
    row = jnp.sum(jnp.where(sel, logp, f32(0.0)), axis=1)
    tl = jnp.where(killed, lk, row) + g_ref[:, t, :N_TASK]
    lastv = ll + g_ref[:, t, N_TASK:]
    mx = jnp.max(tl, axis=1, keepdims=True)
    amax = jnp.min(jnp.where(tl == mx, iota_task, N_TASK + 1),
                   axis=1, keepdims=True)
    action = jnp.where(mx >= lastv, amax, N_TASK)
    killed = killed | (iota_task == action)
    acts = jnp.where(iota_task == t, action, acts)
  out_ref[...] = acts


def _tc_policy_sample(ll, lk, loc, partials, ag_order, gum, w_emb, b_emb,
                      w_gnn, b_gnn, w_ag, w_task):
  nprog = BS // BLK
  smem11 = pl.BlockSpec((1, 1), lambda i: (0, 0), memory_space=pltpu.SMEM)
  return pl.pallas_call(
      _tc_body,
      grid=(nprog,),
      in_specs=[
          smem11,
          smem11,
          pl.BlockSpec((BLK * 100, 2), lambda i: (i, 0)),
          pl.BlockSpec((2, BLK * 100, RW), lambda i: (0, i, 0)),
          pl.BlockSpec((BLK, N_AG), lambda i: (i, 0)),
          pl.BlockSpec((BLK, N_AG, N_TASK + 1), lambda i: (i, 0, 0)),
          pl.BlockSpec((2, D), lambda i: (0, 0)),
          pl.BlockSpec((1, D), lambda i: (0, 0)),
          pl.BlockSpec((D, D), lambda i: (0, 0)),
          pl.BlockSpec((1, D), lambda i: (0, 0)),
          pl.BlockSpec((D, D), lambda i: (0, 0)),
          pl.BlockSpec((D, D), lambda i: (0, 0)),
      ],
      out_specs=pl.BlockSpec((BLK, N_AG), lambda i: (i, 0)),
      out_shape=jax.ShapeDtypeStruct((BS, N_AG), jnp.int32),
  )(ll, lk, loc, partials, ag_order, gum, w_emb, b_emb, w_gnn, b_gnn, w_ag,
    w_task)


def kernel(loc, edge_index, ag_order, ag_node_idx, task_node_idx, W_emb,
           b_emb, W_gnn, b_gnn, W_ag, W_task):
  del ag_node_idx, task_node_idx
  f32 = jnp.float32

  src = edge_index[0].astype(jnp.int32)
  dst = edge_index[1].astype(jnp.int32)
  npad = E_PAD - E
  pad_dst = N + (jnp.arange(npad, dtype=jnp.int32) % (ACC_ROWS - N))
  src3 = jnp.concatenate([src, jnp.full((npad,), N, jnp.int32)]).reshape(
      NTILES, CHUNKS_PER_TILE, CHUNK)
  dst3 = jnp.concatenate([dst, pad_dst]).reshape(
      NTILES, CHUNKS_PER_TILE, CHUNK)
  loc16 = loc.astype(jnp.bfloat16)
  loc_r = jax.lax.optimization_barrier(loc16).astype(f32)
  locpad = jnp.concatenate(
      [loc_r, jnp.ones((N, 1), f32), jnp.zeros((N, RW - 3), f32)], axis=1)
  locpad = jnp.concatenate([locpad, jnp.zeros((1, RW), f32)], axis=0)
  zeros_acc = jnp.zeros((ACC_ROWS, RW), f32)
  partials = _sc_segsum(locpad, src3, dst3, zeros_acc)[:, :N, :]

  key = jax.random.key(1)
  subs = []
  for _ in range(N_AG):
    key, sub = jax.random.split(key)
    subs.append(sub)
  gum = jnp.stack(
      [jax.random.gumbel(k, (BS, N_TASK + 1), f32) for k in subs])
  gum = jnp.transpose(gum, (1, 0, 2))

  ll = jnp.log(jnp.asarray(1e-5, f32) + jnp.asarray(1e-12, f32)).reshape(1, 1)
  lk = jnp.log(jnp.asarray(0.0, f32) + jnp.asarray(1e-12, f32)).reshape(1, 1)

  acts = _tc_policy_sample(ll, lk, loc16, partials,
                           ag_order.astype(jnp.int32), gum,
                           W_emb.astype(jnp.bfloat16), b_emb.reshape(1, D),
                           W_gnn.astype(jnp.bfloat16),
                           b_gnn.reshape(1, D), W_ag.astype(jnp.bfloat16),
                           W_task.astype(jnp.bfloat16))
  return acts.T

# --- scband reference (transcript-rebuilt; emitter-appended) ---
"""Pipeline reference for scband-agent-86337432584273 (READ-ONLY COPY).

The authoritative reference and input builder live on the scoring server;
editing this copy changes nothing except your own understanding.
"""

import jax, jax.numpy as jnp
import numpy as np

N = 12800
BS = 128
N_AG = 50
N_TASK = 50
D = 128
E = 640000


def setup_inputs(seed: int = 0) -> dict:
    key = jax.random.key(seed)
    ks = jax.random.split(key, 8)
    loc = jax.random.uniform(ks[0], (N, 2), dtype=jnp.float32)
    edge_index = jax.random.randint(ks[1], (2, E), 0, N)
    ag_order = jnp.argsort(jax.random.uniform(ks[2], (BS, N_AG)), axis=-1)
    offs = jnp.arange(BS) * (N_AG + N_TASK)
    ag_node_idx = offs[:, None] + jnp.arange(N_AG)[None, :]
    task_node_idx = offs[:, None] + N_AG + jnp.arange(N_TASK)[None, :]
    W_emb = jax.random.normal(ks[3], (2, D), dtype=jnp.float32) * (1.0 / np.sqrt(2.0))
    b_emb = jnp.zeros((D,), jnp.float32)
    W_gnn = jax.random.normal(ks[4], (D, D), dtype=jnp.float32) * (1.0 / np.sqrt(D))
    b_gnn = jnp.zeros((D,), jnp.float32)
    W_ag = jax.random.normal(ks[5], (D, D), dtype=jnp.float32) * (1.0 / np.sqrt(D))
    W_task = jax.random.normal(ks[6], (D, D), dtype=jnp.float32) * (1.0 / np.sqrt(D))
    return {
        'loc': loc,
        'edge_index': edge_index,
        'ag_order': ag_order,
        'ag_node_idx': ag_node_idx,
        'task_node_idx': task_node_idx,
        'W_emb': W_emb,
        'b_emb': b_emb,
        'W_gnn': W_gnn,
        'b_gnn': b_gnn,
        'W_ag': W_ag,
        'W_task': W_task,
    }


def _policy(loc, edge_index, ag_node_idx, task_node_idx, W_emb, b_emb, W_gnn, b_gnn, W_ag, W_task):
    # feature = g.ndata['loc']; embeddings = self.embedding(feature)
    emb = loc @ W_emb + b_emb
    # GNN (1 layer, mean aggregation, residual)
    src = edge_index[0]
    dst = edge_index[1]
    msg = emb[src]
    agg = jax.ops.segment_sum(msg, dst, num_segments=N)
    deg = jax.ops.segment_sum(jnp.ones_like(dst, jnp.float32), dst, num_segments=N)
    agg = agg / jnp.clip(deg, 1.0, None)[:, None]
    nf = jax.nn.relu(agg @ W_gnn + b_gnn) + emb
    # Bipartite policy: agent-task attention + extra no-op action, softmax over actions
    ag_nf = nf[ag_node_idx]      # [BS, N_AG, D]
    task_nf = nf[task_node_idx]  # [BS, N_TASK, D]
    scores = jnp.einsum('bad,btd->bat', ag_nf @ W_ag, task_nf @ W_task) / np.sqrt(D)
    scores = jnp.concatenate([scores, jnp.zeros((BS, N_AG, 1), jnp.float32)], axis=-1)
    policy = jax.nn.softmax(scores, axis=-1)  # [BS, N_AG, N_TASK+1]
    return policy


def reference(loc, edge_index, ag_order, ag_node_idx, task_node_idx, W_emb, b_emb, W_gnn, b_gnn, W_ag, W_task):
    policy = _policy(loc, edge_index, ag_node_idx, task_node_idx, W_emb, b_emb, W_gnn, b_gnn, W_ag, W_task)
    bs, n_ag, A = policy.shape
    key = jax.random.key(1)
    batch_ar = jnp.arange(bs)

    def body(carry, itr):
        policy_temp, key = carry
        # policy_temp[:, :, -1] = 1e-05
        policy_temp = policy_temp.at[:, :, -1].set(1e-05)
        agent_idx = ag_order[:, itr]
        selected_ag_policy = policy_temp[batch_ar, agent_idx]  # [bs, A]
        key, sub = jax.random.split(key)
        action = jax.random.categorical(sub, jnp.log(selected_ag_policy + 1e-12))
        # policy_temp[torch.arange(bs), :, action] = 0
        policy_temp = policy_temp.at[batch_ar, :, action].set(0.0)
        return (policy_temp, key), action

    (_, _), out_actions = jax.lax.scan(body, (policy, key), jnp.arange(n_ag))
    return out_actions  # [n_ag, bs] int actions

if __name__ == "__main__":
    import jax
    _d = setup_inputs()
    print(jax.jit(kernel)(*tuple(_d.values())))

</pallas_src>

<mosaic_0001>
#map = affine_map<(d0, d1) -> (0, 0)>
#map1 = affine_map<(d0, d1) -> (0, 0, 0)>
module attributes {stable_mosaic.version = 14 : i64} {
  func.func @k(%arg0: i32, %arg1: i32, %arg2: memref<12801x8xf32, #tpu.memory_space<hbm>>, %arg3: memref<32x160x128xi32, #tpu.memory_space<hbm>>, %arg4: memref<32x160x128xi32, #tpu.memory_space<hbm>>, %arg5: memref<12928x8xf32, #tpu.memory_space<hbm>>, %arg6: memref<2x12928x8xf32, #tpu.memory_space<hbm>>, %arg7: memref<160x128xi32, #tpu.memory_space<vmem>>, %arg8: memref<160x128xi32, #tpu.memory_space<vmem>>, %arg9: memref<40x128x8xf32, #tpu.memory_space<vmem>>, %arg10: memref<12928x8xf32, #tpu.memory_space<vmem_shared>>, %arg11: memref<!tpu.dma_semaphore, #tpu.memory_space<semaphore_mem>>, %arg12: memref<!tpu.dma_semaphore, #tpu.memory_space<semaphore_mem>>) attributes {dimension_semantics = [#tpu.dimension_semantics<core_parallel>, #tpu.dimension_semantics<subcore_parallel>], iteration_bounds = array<i64: 2, 16>, scalar_prefetch = 0 : i64, scratch_operands = 6 : i64, tpu.core_type = #tpu.core_type<sc_vector_subcore>, window_params = [{transform_indices = #map}, {transform_indices = #map1}, {transform_indices = #map1}, {transform_indices = #map}, {transform_indices = #map1}]} {
    %mul3A = arith.constant 16 : i32
    %mul3A_0 = arith.muli %arg0, %mul3A : i32
    %add3A = arith.addi %mul3A_0, %arg1 : i32
    "tpu.region"() ({
      %run_scoped3A = tpu.sem_alloc : memref<!tpu.dma_semaphore, #tpu.memory_space<semaphore_mem>>
      %dma_start3A = arith.constant 0 : i32
      %dma_start3A_81 = arith.constant 0 : i32
      %dma_start3A_82 = tpu.memref_slice %arg3[%add3A, %dma_start3A, %dma_start3A_81] : memref<32x160x128xi32, #tpu.memory_space<hbm>> -> memref<1x160x128xi32, #tpu.memory_space<hbm>>
      %dma_start3A_83 = tpu.memref_squeeze %dma_start3A_82 : memref<1x160x128xi32, #tpu.memory_space<hbm>> -> memref<160x128xi32, #tpu.memory_space<hbm>>
      %dma_start3A_84 = arith.constant 0 : i32
      %dma_start3A_85 = arith.constant 0 : i32
      %dma_start3A_86 = tpu.memref_slice %arg3[%add3A, %dma_start3A_84, %dma_start3A_85] : memref<32x160x128xi32, #tpu.memory_space<hbm>> -> memref<1x160x128xi32, #tpu.memory_space<hbm>>
      %dma_start3A_87 = tpu.memref_squeeze %dma_start3A_86 : memref<1x160x128xi32, #tpu.memory_space<hbm>> -> memref<160x128xi32, #tpu.memory_space<hbm>>
      tpu.enqueue_dma source(%dma_start3A_87 : memref<160x128xi32, #tpu.memory_space<hbm>>) target(%arg7 : memref<160x128xi32, #tpu.memory_space<vmem>>) target_semaphore(%run_scoped3A : memref<!tpu.dma_semaphore, #tpu.memory_space<semaphore_mem>>)
      %dma_wait3A = arith.constant 0 : i32
      %dma_wait3A_88 = arith.constant 0 : i32
      %dma_wait3A_89 = tpu.memref_slice %arg3[%add3A, %dma_wait3A, %dma_wait3A_88] : memref<32x160x128xi32, #tpu.memory_space<hbm>> -> memref<1x160x128xi32, #tpu.memory_space<hbm>>
      %dma_wait3A_90 = tpu.memref_squeeze %dma_wait3A_89 : memref<1x160x128xi32, #tpu.memory_space<hbm>> -> memref<160x128xi32, #tpu.memory_space<hbm>>
      %dma_wait3A_91 = arith.constant 0 : i32
      %dma_wait3A_92 = arith.constant 0 : i32
      %dma_wait3A_93 = tpu.memref_slice %arg3[%add3A, %dma_wait3A_91, %dma_wait3A_92] : memref<32x160x128xi32, #tpu.memory_space<hbm>> -> memref<1x160x128xi32, #tpu.memory_space<hbm>>
      %dma_wait3A_94 = tpu.memref_squeeze %dma_wait3A_93 : memref<1x160x128xi32, #tpu.memory_space<hbm>> -> memref<160x128xi32, #tpu.memory_space<hbm>>
      tpu.wait_dma2 semaphore(%run_scoped3A : memref<!tpu.dma_semaphore, #tpu.memory_space<semaphore_mem>>) src(%dma_wait3A_94 : memref<160x128xi32, #tpu.memory_space<hbm>>) dst(%arg7 : memref<160x128xi32, #tpu.memory_space<vmem>>)
      tpu.yield
    }) : () -> ()
    "tpu.region"() ({
      %run_scoped3A = tpu.sem_alloc : memref<!tpu.dma_semaphore, #tpu.memory_space<semaphore_mem>>
      %dma_start3A = arith.constant 0 : i32
      %dma_start3A_81 = arith.constant 0 : i32
      %dma_start3A_82 = tpu.memref_slice %arg4[%add3A, %dma_start3A, %dma_start3A_81] : memref<32x160x128xi32, #tpu.memory_space<hbm>> -> memref<1x160x128xi32, #tpu.memory_space<hbm>>
      %dma_start3A_83 = tpu.memref_squeeze %dma_start3A_82 : memref<1x160x128xi32, #tpu.memory_space<hbm>> -> memref<160x128xi32, #tpu.memory_space<hbm>>
      %dma_start3A_84 = arith.constant 0 : i32
      %dma_start3A_85 = arith.constant 0 : i32
      %dma_start3A_86 = tpu.memref_slice %arg4[%add3A, %dma_start3A_84, %dma_start3A_85] : memref<32x160x128xi32, #tpu.memory_space<hbm>> -> memref<1x160x128xi32, #tpu.memory_space<hbm>>
      %dma_start3A_87 = tpu.memref_squeeze %dma_start3A_86 : memref<1x160x128xi32, #tpu.memory_space<hbm>> -> memref<160x128xi32, #tpu.memory_space<hbm>>
      tpu.enqueue_dma source(%dma_start3A_87 : memref<160x128xi32, #tpu.memory_space<hbm>>) target(%arg8 : memref<160x128xi32, #tpu.memory_space<vmem>>) target_semaphore(%run_scoped3A : memref<!tpu.dma_semaphore, #tpu.memory_space<semaphore_mem>>)
      %dma_wait3A = arith.constant 0 : i32
      %dma_wait3A_88 = arith.constant 0 : i32
      %dma_wait3A_89 = tpu.memref_slice %arg4[%add3A, %dma_wait3A, %dma_wait3A_88] : memref<32x160x128xi32, #tpu.memory_space<hbm>> -> memref<1x160x128xi32, #tpu.memory_space<hbm>>
      %dma_wait3A_90 = tpu.memref_squeeze %dma_wait3A_89 : memref<1x160x128xi32, #tpu.memory_space<hbm>> -> memref<160x128xi32, #tpu.memory_space<hbm>>
      %dma_wait3A_91 = arith.constant 0 : i32
      %dma_wait3A_92 = arith.constant 0 : i32
      %dma_wait3A_93 = tpu.memref_slice %arg4[%add3A, %dma_wait3A_91, %dma_wait3A_92] : memref<32x160x128xi32, #tpu.memory_space<hbm>> -> memref<1x160x128xi32, #tpu.memory_space<hbm>>
      %dma_wait3A_94 = tpu.memref_squeeze %dma_wait3A_93 : memref<1x160x128xi32, #tpu.memory_space<hbm>> -> memref<160x128xi32, #tpu.memory_space<hbm>>
      tpu.wait_dma2 semaphore(%run_scoped3A : memref<!tpu.dma_semaphore, #tpu.memory_space<semaphore_mem>>) src(%dma_wait3A_94 : memref<160x128xi32, #tpu.memory_space<hbm>>) dst(%arg8 : memref<160x128xi32, #tpu.memory_space<vmem>>)
      tpu.yield
    }) : () -> ()
    %mul3A_1 = arith.constant 808 : i32
    %mul3A_2 = arith.muli %arg1, %mul3A_1 : i32
    %mul3A_3 = arith.constant 808 : i32
    %mul3A_4 = arith.muli %arg1, %mul3A_3 : i32
    "tpu.region"() ({
      %run_scoped3A = tpu.sem_alloc : memref<!tpu.dma_semaphore, #tpu.memory_space<semaphore_mem>>
      %dma_start3A = arith.constant 0 : i32
      %dma_start3A_81 = tpu.memref_slice %arg10[%mul3A_4, %dma_start3A] : memref<12928x8xf32, #tpu.memory_space<vmem_shared>> -> memref<808x8xf32, #tpu.memory_space<vmem_shared>>
      %dma_start3A_82 = arith.constant 0 : i32
      %dma_start3A_83 = tpu.memref_slice %arg5[%mul3A_2, %dma_start3A_82] : memref<12928x8xf32, #tpu.memory_space<hbm>> -> memref<808x8xf32, #tpu.memory_space<hbm>>
      tpu.enqueue_dma source(%dma_start3A_83 : memref<808x8xf32, #tpu.memory_space<hbm>>) target(%dma_start3A_81 : memref<808x8xf32, #tpu.memory_space<vmem_shared>>) target_semaphore(%run_scoped3A : memref<!tpu.dma_semaphore, #tpu.memory_space<semaphore_mem>>)
      %dma_wait3A = arith.constant 0 : i32
      %dma_wait3A_84 = tpu.memref_slice %arg10[%mul3A_4, %dma_wait3A] : memref<12928x8xf32, #tpu.memory_space<vmem_shared>> -> memref<808x8xf32, #tpu.memory_space<vmem_shared>>
      %dma_wait3A_85 = arith.constant 0 : i32
      %dma_wait3A_86 = tpu.memref_slice %arg5[%mul3A_2, %dma_wait3A_85] : memref<12928x8xf32, #tpu.memory_space<hbm>> -> memref<808x8xf32, #tpu.memory_space<hbm>>
      tpu.wait_dma2 semaphore(%run_scoped3A : memref<!tpu.dma_semaphore, #tpu.memory_space<semaphore_mem>>) src(%dma_wait3A_86 : memref<808x8xf32, #tpu.memory_space<hbm>>) dst(%dma_wait3A_84 : memref<808x8xf32, #tpu.memory_space<vmem_shared>>)
      tpu.yield
    }) : () -> ()
    %barrier3A = arith.constant 0 : index
    tpu.barrier barrier_id(%barrier3A)
    %scan3A = arith.constant 0 : i32
    %scan3A_5 = arith.constant 0 : i32
    %scan3A_6 = arith.constant 40 : i32
    %scan3A_7 = arith.addi %scan3A_5, %scan3A_6 : i32
    %scan3A_8 = arith.constant 1 : i32
    scf.for %scan3A_81 = %scan3A_5 to %scan3A_7 step %scan3A_8  : i32 {
      %add3A_82 = arith.constant 0 : i32
      %add3A_83 = arith.addi %add3A_82, %scan3A_81 : i32
      %dma_start3A = arith.constant 0 : i32
      %dma_start3A_84 = arith.constant 0 : i32
      %dma_start3A_85 = tpu.memref_slice %arg9[%scan3A_81, %dma_start3A, %dma_start3A_84] : memref<40x128x8xf32, #tpu.memory_space<vmem>> -> memref<1x128x8xf32, #tpu.memory_space<vmem>>
      %dma_start3A_86 = tpu.memref_squeeze %dma_start3A_85 : memref<1x128x8xf32, #tpu.memory_space<vmem>> -> memref<128x8xf32, #tpu.memory_space<vmem>>
      %dma_start3A_87 = arith.constant 0 : i32
      %dma_start3A_88 = tpu.memref_slice %arg7[%add3A_83, %dma_start3A_87] : memref<160x128xi32, #tpu.memory_space<vmem>> -> memref<1x128xi32, #tpu.memory_space<vmem>>
      %dma_start3A_89 = tpu.memref_squeeze %dma_start3A_88 : memref<1x128xi32, #tpu.memory_space<vmem>> -> memref<128xi32, #tpu.memory_space<vmem>>
      %dma_start3A_90 = arith.constant 0 : i32
      %dma_start3A_91 = arith.constant 0 : i32
      %dma_start3A_92 = tpu.memref_slice %arg2[%dma_start3A_90, %dma_start3A_91] : memref<12801x8xf32, #tpu.memory_space<hbm>> -> memref<12801x8xf32, #tpu.memory_space<hbm>>
      tpu.enqueue_indirect_dma source(%dma_start3A_92 : memref<12801x8xf32, #tpu.memory_space<hbm>>) target(%dma_start3A_86 : memref<128x8xf32, #tpu.memory_space<vmem>>) offsets(%dma_start3A_89 : memref<128xi32, #tpu.memory_space<vmem>>) semaphore(%arg11 : memref<!tpu.dma_semaphore, #tpu.memory_space<semaphore_mem>>)
    }
    %scan3A_9 = arith.constant 40 : i32
    %scan3A_10 = arith.constant 0 : i32
    %scan3A_11 = arith.constant 0 : i32
    %scan3A_12 = arith.constant 40 : i32
    %scan3A_13 = arith.addi %scan3A_11, %scan3A_12 : i32
    %scan3A_14 = arith.constant 1 : i32
    scf.for %scan3A_81 = %scan3A_11 to %scan3A_13 step %scan3A_14  : i32 {
      %add3A_82 = arith.constant 0 : i32
      %add3A_83 = arith.addi %add3A_82, %scan3A_81 : i32
      %dma_wait3A = arith.constant 0 : i32
      %dma_wait3A_84 = arith.constant 0 : i32
      %dma_wait3A_85 = tpu.memref_slice %arg9[%scan3A_81, %dma_wait3A, %dma_wait3A_84] : memref<40x128x8xf32, #tpu.memory_space<vmem>> -> memref<1x128x8xf32, #tpu.memory_space<vmem>>
      %dma_wait3A_86 = tpu.memref_squeeze %dma_wait3A_85 : memref<1x128x8xf32, #tpu.memory_space<vmem>> -> memref<128x8xf32, #tpu.memory_space<vmem>>
      %dma_wait3A_87 = arith.constant 0 : i32
      %dma_wait3A_88 = tpu.memref_slice %arg7[%add3A_83, %dma_wait3A_87] : memref<160x128xi32, #tpu.memory_space<vmem>> -> memref<1x128xi32, #tpu.memory_space<vmem>>
      %dma_wait3A_89 = tpu.memref_squeeze %dma_wait3A_88 : memref<1x128xi32, #tpu.memory_space<vmem>> -> memref<128xi32, #tpu.memory_space<vmem>>
      %dma_wait3A_90 = arith.constant 0 : i32
      %dma_wait3A_91 = arith.constant 0 : i32
      %dma_wait3A_92 = tpu.memref_slice %arg2[%dma_wait3A_90, %dma_wait3A_91] : memref<12801x8xf32, #tpu.memory_space<hbm>> -> memref<12801x8xf32, #tpu.memory_space<hbm>>
      tpu.wait_indirect_dma semaphore(%arg11 : memref<!tpu.dma_semaphore, #tpu.memory_space<semaphore_mem>>) src(%dma_wait3A_92 : memref<12801x8xf32, #tpu.memory_space<hbm>>) dst(%dma_wait3A_86 : memref<128x8xf32, #tpu.memory_space<vmem>>)
      %dma_start3A = arith.constant 0 : i32
      %dma_start3A_93 = arith.constant 0 : i32
      %dma_start3A_94 = tpu.memref_slice %arg9[%scan3A_81, %dma_start3A, %dma_start3A_93] : memref<40x128x8xf32, #tpu.memory_space<vmem>> -> memref<1x128x8xf32, #tpu.memory_space<vmem>>
      %dma_start3A_95 = tpu.memref_squeeze %dma_start3A_94 : memref<1x128x8xf32, #tpu.memory_space<vmem>> -> memref<128x8xf32, #tpu.memory_space<vmem>>
      %dma_start3A_96 = arith.constant 0 : i32
      %dma_start3A_97 = tpu.memref_slice %arg8[%add3A_83, %dma_start3A_96] : memref<160x128xi32, #tpu.memory_space<vmem>> -> memref<1x128xi32, #tpu.memory_space<vmem>>
      %dma_start3A_98 = tpu.memref_squeeze %dma_start3A_97 : memref<1x128xi32, #tpu.memory_space<vmem>> -> memref<128xi32, #tpu.memory_space<vmem>>
      %dma_start3A_99 = arith.constant 0 : i32
      %dma_start3A_100 = arith.constant 0 : i32
      %dma_start3A_101 = tpu.memref_slice %arg10[%dma_start3A_99, %dma_start3A_100] : memref<12928x8xf32, #tpu.memory_space<vmem_shared>> -> memref<12928x8xf32, #tpu.memory_space<vmem_shared>>
      tpu.enqueue_indirect_dma source(%dma_start3A_95 : memref<128x8xf32, #tpu.memory_space<vmem>>) target(%dma_start3A_101 : memref<12928x8xf32, #tpu.memory_space<vmem_shared>>) offsets(%dma_start3A_98 : memref<128xi32, #tpu.memory_space<vmem>>) semaphore(%arg12 : memref<!tpu.dma_semaphore, #tpu.memory_space<semaphore_mem>>) {add = true}
    }
    %scan3A_15 = arith.constant 40 : i32
    %scan3A_16 = arith.constant 0 : i32
    %scan3A_17 = arith.constant 0 : i32
    %scan3A_18 = arith.constant 40 : i32
    %scan3A_19 = arith.addi %scan3A_17, %scan3A_18 : i32
    %scan3A_20 = arith.constant 1 : i32
    scf.for %scan3A_81 = %scan3A_17 to %scan3A_19 step %scan3A_20  : i32 {
      %add3A_82 = arith.constant 0 : i32
      %add3A_83 = arith.addi %add3A_82, %scan3A_81 : i32
      %dma_wait3A = arith.constant 0 : i32
      %dma_wait3A_84 = arith.constant 0 : i32
      %dma_wait3A_85 = tpu.memref_slice %arg9[%scan3A_81, %dma_wait3A, %dma_wait3A_84] : memref<40x128x8xf32, #tpu.memory_space<vmem>> -> memref<1x128x8xf32, #tpu.memory_space<vmem>>
      %dma_wait3A_86 = tpu.memref_squeeze %dma_wait3A_85 : memref<1x128x8xf32, #tpu.memory_space<vmem>> -> memref<128x8xf32, #tpu.memory_space<vmem>>
      %dma_wait3A_87 = arith.constant 0 : i32
      %dma_wait3A_88 = tpu.memref_slice %arg8[%add3A_83, %dma_wait3A_87] : memref<160x128xi32, #tpu.memory_space<vmem>> -> memref<1x128xi32, #tpu.memory_space<vmem>>
      %dma_wait3A_89 = tpu.memref_squeeze %dma_wait3A_88 : memref<1x128xi32, #tpu.memory_space<vmem>> -> memref<128xi32, #tpu.memory_space<vmem>>
      %dma_wait3A_90 = arith.constant 0 : i32
      %dma_wait3A_91 = arith.constant 0 : i32
      %dma_wait3A_92 = tpu.memref_slice %arg10[%dma_wait3A_90, %dma_wait3A_91] : memref<12928x8xf32, #tpu.memory_space<vmem_shared>> -> memref<12928x8xf32, #tpu.memory_space<vmem_shared>>
      tpu.wait_indirect_dma semaphore(%arg12 : memref<!tpu.dma_semaphore, #tpu.memory_space<semaphore_mem>>) src(%dma_wait3A_86 : memref<128x8xf32, #tpu.memory_space<vmem>>) dst(%dma_wait3A_92 : memref<12928x8xf32, #tpu.memory_space<vmem_shared>>)
    }
    %scan3A_21 = arith.constant 40 : i32
    %scan3A_22 = arith.constant 0 : i32
    %scan3A_23 = arith.constant 0 : i32
    %scan3A_24 = arith.constant 40 : i32
    %scan3A_25 = arith.addi %scan3A_23, %scan3A_24 : i32
    %scan3A_26 = arith.constant 1 : i32
    scf.for %scan3A_81 = %scan3A_23 to %scan3A_25 step %scan3A_26  : i32 {
      %add3A_82 = arith.constant 40 : i32
      %add3A_83 = arith.addi %add3A_82, %scan3A_81 : i32
      %dma_start3A = arith.constant 0 : i32
      %dma_start3A_84 = arith.constant 0 : i32
      %dma_start3A_85 = tpu.memref_slice %arg9[%scan3A_81, %dma_start3A, %dma_start3A_84] : memref<40x128x8xf32, #tpu.memory_space<vmem>> -> memref<1x128x8xf32, #tpu.memory_space<vmem>>
      %dma_start3A_86 = tpu.memref_squeeze %dma_start3A_85 : memref<1x128x8xf32, #tpu.memory_space<vmem>> -> memref<128x8xf32, #tpu.memory_space<vmem>>
      %dma_start3A_87 = arith.constant 0 : i32
      %dma_start3A_88 = tpu.memref_slice %arg7[%add3A_83, %dma_start3A_87] : memref<160x128xi32, #tpu.memory_space<vmem>> -> memref<1x128xi32, #tpu.memory_space<vmem>>
      %dma_start3A_89 = tpu.memref_squeeze %dma_start3A_88 : memref<1x128xi32, #tpu.memory_space<vmem>> -> memref<128xi32, #tpu.memory_space<vmem>>
      %dma_start3A_90 = arith.constant 0 : i32
      %dma_start3A_91 = arith.constant 0 : i32
      %dma_start3A_92 = tpu.memref_slice %arg2[%dma_start3A_90, %dma_start3A_91] : memref<12801x8xf32, #tpu.memory_space<hbm>> -> memref<12801x8xf32, #tpu.memory_space<hbm>>
      tpu.enqueue_indirect_dma source(%dma_start3A_92 : memref<12801x8xf32, #tpu.memory_space<hbm>>) target(%dma_start3A_86 : memref<128x8xf32, #tpu.memory_space<vmem>>) offsets(%dma_start3A_89 : memref<128xi32, #tpu.memory_space<vmem>>) semaphore(%arg11 : memref<!tpu.dma_semaphore, #tpu.memory_space<semaphore_mem>>)
    }
    %scan3A_27 = arith.constant 40 : i32
    %scan3A_28 = arith.constant 0 : i32
    %scan3A_29 = arith.constant 0 : i32
    %scan3A_30 = arith.constant 40 : i32
    %scan3A_31 = arith.addi %scan3A_29, %scan3A_30 : i32
    %scan3A_32 = arith.constant 1 : i32
    scf.for %scan3A_81 = %scan3A_29 to %scan3A_31 step %scan3A_32  : i32 {
      %add3A_82 = arith.constant 40 : i32
      %add3A_83 = arith.addi %add3A_82, %scan3A_81 : i32
      %dma_wait3A = arith.constant 0 : i32
      %dma_wait3A_84 = arith.constant 0 : i32
      %dma_wait3A_85 = tpu.memref_slice %arg9[%scan3A_81, %dma_wait3A, %dma_wait3A_84] : memref<40x128x8xf32, #tpu.memory_space<vmem>> -> memref<1x128x8xf32, #tpu.memory_space<vmem>>
      %dma_wait3A_86 = tpu.memref_squeeze %dma_wait3A_85 : memref<1x128x8xf32, #tpu.memory_space<vmem>> -> memref<128x8xf32, #tpu.memory_space<vmem>>
      %dma_wait3A_87 = arith.constant 0 : i32
      %dma_wait3A_88 = tpu.memref_slice %arg7[%add3A_83, %dma_wait3A_87] : memref<160x128xi32, #tpu.memory_space<vmem>> -> memref<1x128xi32, #tpu.memory_space<vmem>>
      %dma_wait3A_89 = tpu.memref_squeeze %dma_wait3A_88 : memref<1x128xi32, #tpu.memory_space<vmem>> -> memref<128xi32, #tpu.memory_space<vmem>>
      %dma_wait3A_90 = arith.constant 0 : i32
      %dma_wait3A_91 = arith.constant 0 : i32
      %dma_wait3A_92 = tpu.memref_slice %arg2[%dma_wait3A_90, %dma_wait3A_91] : memref<12801x8xf32, #tpu.memory_space<hbm>> -> memref<12801x8xf32, #tpu.memory_space<hbm>>
      tpu.wait_indirect_dma semaphore(%arg11 : memref<!tpu.dma_semaphore, #tpu.memory_space<semaphore_mem>>) src(%dma_wait3A_92 : memref<12801x8xf32, #tpu.memory_space<hbm>>) dst(%dma_wait3A_86 : memref<128x8xf32, #tpu.memory_space<vmem>>)
      %dma_start3A = arith.constant 0 : i32
      %dma_start3A_93 = arith.constant 0 : i32
      %dma_start3A_94 = tpu.memref_slice %arg9[%scan3A_81, %dma_start3A, %dma_start3A_93] : memref<40x128x8xf32, #tpu.memory_space<vmem>> -> memref<1x128x8xf32, #tpu.memory_space<vmem>>
      %dma_start3A_95 = tpu.memref_squeeze %dma_start3A_94 : memref<1x128x8xf32, #tpu.memory_space<vmem>> -> memref<128x8xf32, #tpu.memory_space<vmem>>
      %dma_start3A_96 = arith.constant 0 : i32
      %dma_start3A_97 = tpu.memref_slice %arg8[%add3A_83, %dma_start3A_96] : memref<160x128xi32, #tpu.memory_space<vmem>> -> memref<1x128xi32, #tpu.memory_space<vmem>>
      %dma_start3A_98 = tpu.memref_squeeze %dma_start3A_97 : memref<1x128xi32, #tpu.memory_space<vmem>> -> memref<128xi32, #tpu.memory_space<vmem>>
      %dma_start3A_99 = arith.constant 0 : i32
      %dma_start3A_100 = arith.constant 0 : i32
      %dma_start3A_101 = tpu.memref_slice %arg10[%dma_start3A_99, %dma_start3A_100] : memref<12928x8xf32, #tpu.memory_space<vmem_shared>> -> memref<12928x8xf32, #tpu.memory_space<vmem_shared>>
      tpu.enqueue_indirect_dma source(%dma_start3A_95 : memref<128x8xf32, #tpu.memory_space<vmem>>) target(%dma_start3A_101 : memref<12928x8xf32, #tpu.memory_space<vmem_shared>>) offsets(%dma_start3A_98 : memref<128xi32, #tpu.memory_space<vmem>>) semaphore(%arg12 : memref<!tpu.dma_semaphore, #tpu.memory_space<semaphore_mem>>) {add = true}
    }
    %scan3A_33 = arith.constant 40 : i32
    %scan3A_34 = arith.constant 0 : i32
    %scan3A_35 = arith.constant 0 : i32
    %scan3A_36 = arith.constant 40 : i32
    %scan3A_37 = arith.addi %scan3A_35, %scan3A_36 : i32
    %scan3A_38 = arith.constant 1 : i32
    scf.for %scan3A_81 = %scan3A_35 to %scan3A_37 step %scan3A_38  : i32 {
      %add3A_82 = arith.constant 40 : i32
      %add3A_83 = arith.addi %add3A_82, %scan3A_81 : i32
      %dma_wait3A = arith.constant 0 : i32
      %dma_wait3A_84 = arith.constant 0 : i32
      %dma_wait3A_85 = tpu.memref_slice %arg9[%scan3A_81, %dma_wait3A, %dma_wait3A_84] : memref<40x128x8xf32, #tpu.memory_space<vmem>> -> memref<1x128x8xf32, #tpu.memory_space<vmem>>
      %dma_wait3A_86 = tpu.memref_squeeze %dma_wait3A_85 : memref<1x128x8xf32, #tpu.memory_space<vmem>> -> memref<128x8xf32, #tpu.memory_space<vmem>>
      %dma_wait3A_87 = arith.constant 0 : i32
      %dma_wait3A_88 = tpu.memref_slice %arg8[%add3A_83, %dma_wait3A_87] : memref<160x128xi32, #tpu.memory_space<vmem>> -> memref<1x128xi32, #tpu.memory_space<vmem>>
      %dma_wait3A_89 = tpu.memref_squeeze %dma_wait3A_88 : memref<1x128xi32, #tpu.memory_space<vmem>> -> memref<128xi32, #tpu.memory_space<vmem>>
      %dma_wait3A_90 = arith.constant 0 : i32
      %dma_wait3A_91 = arith.constant 0 : i32
      %dma_wait3A_92 = tpu.memref_slice %arg10[%dma_wait3A_90, %dma_wait3A_91] : memref<12928x8xf32, #tpu.memory_space<vmem_shared>> -> memref<12928x8xf32, #tpu.memory_space<vmem_shared>>
      tpu.wait_indirect_dma semaphore(%arg12 : memref<!tpu.dma_semaphore, #tpu.memory_space<semaphore_mem>>) src(%dma_wait3A_86 : memref<128x8xf32, #tpu.memory_space<vmem>>) dst(%dma_wait3A_92 : memref<12928x8xf32, #tpu.memory_space<vmem_shared>>)
    }
    %scan3A_39 = arith.constant 40 : i32
    %scan3A_40 = arith.constant 0 : i32
    %scan3A_41 = arith.constant 0 : i32
    %scan3A_42 = arith.constant 40 : i32
    %scan3A_43 = arith.addi %scan3A_41, %scan3A_42 : i32
    %scan3A_44 = arith.constant 1 : i32
    scf.for %scan3A_81 = %scan3A_41 to %scan3A_43 step %scan3A_44  : i32 {
      %add3A_82 = arith.constant 80 : i32
      %add3A_83 = arith.addi %add3A_82, %scan3A_81 : i32
      %dma_start3A = arith.constant 0 : i32
      %dma_start3A_84 = arith.constant 0 : i32
      %dma_start3A_85 = tpu.memref_slice %arg9[%scan3A_81, %dma_start3A, %dma_start3A_84] : memref<40x128x8xf32, #tpu.memory_space<vmem>> -> memref<1x128x8xf32, #tpu.memory_space<vmem>>
      %dma_start3A_86 = tpu.memref_squeeze %dma_start3A_85 : memref<1x128x8xf32, #tpu.memory_space<vmem>> -> memref<128x8xf32, #tpu.memory_space<vmem>>
      %dma_start3A_87 = arith.constant 0 : i32
      %dma_start3A_88 = tpu.memref_slice %arg7[%add3A_83, %dma_start3A_87] : memref<160x128xi32, #tpu.memory_space<vmem>> -> memref<1x128xi32, #tpu.memory_space<vmem>>
      %dma_start3A_89 = tpu.memref_squeeze %dma_start3A_88 : memref<1x128xi32, #tpu.memory_space<vmem>> -> memref<128xi32, #tpu.memory_space<vmem>>
      %dma_start3A_90 = arith.constant 0 : i32
      %dma_start3A_91 = arith.constant 0 : i32
      %dma_start3A_92 = tpu.memref_slice %arg2[%dma_start3A_90, %dma_start3A_91] : memref<12801x8xf32, #tpu.memory_space<hbm>> -> memref<12801x8xf32, #tpu.memory_space<hbm>>
      tpu.enqueue_indirect_dma source(%dma_start3A_92 : memref<12801x8xf32, #tpu.memory_space<hbm>>) target(%dma_start3A_86 : memref<128x8xf32, #tpu.memory_space<vmem>>) offsets(%dma_start3A_89 : memref<128xi32, #tpu.memory_space<vmem>>) semaphore(%arg11 : memref<!tpu.dma_semaphore, #tpu.memory_space<semaphore_mem>>)
    }
    %scan3A_45 = arith.constant 40 : i32
    %scan3A_46 = arith.constant 0 : i32
    %scan3A_47 = arith.constant 0 : i32
    %scan3A_48 = arith.constant 40 : i32
    %scan3A_49 = arith.addi %scan3A_47, %scan3A_48 : i32
    %scan3A_50 = arith.constant 1 : i32
    scf.for %scan3A_81 = %scan3A_47 to %scan3A_49 step %scan3A_50  : i32 {
      %add3A_82 = arith.constant 80 : i32
      %add3A_83 = arith.addi %add3A_82, %scan3A_81 : i32
      %dma_wait3A = arith.constant 0 : i32
      %dma_wait3A_84 = arith.constant 0 : i32
      %dma_wait3A_85 = tpu.memref_slice %arg9[%scan3A_81, %dma_wait3A, %dma_wait3A_84] : memref<40x128x8xf32, #tpu.memory_space<vmem>> -> memref<1x128x8xf32, #tpu.memory_space<vmem>>
      %dma_wait3A_86 = tpu.memref_squeeze %dma_wait3A_85 : memref<1x128x8xf32, #tpu.memory_space<vmem>> -> memref<128x8xf32, #tpu.memory_space<vmem>>
      %dma_wait3A_87 = arith.constant 0 : i32
      %dma_wait3A_88 = tpu.memref_slice %arg7[%add3A_83, %dma_wait3A_87] : memref<160x128xi32, #tpu.memory_space<vmem>> -> memref<1x128xi32, #tpu.memory_space<vmem>>
      %dma_wait3A_89 = tpu.memref_squeeze %dma_wait3A_88 : memref<1x128xi32, #tpu.memory_space<vmem>> -> memref<128xi32, #tpu.memory_space<vmem>>
      %dma_wait3A_90 = arith.constant 0 : i32
      %dma_wait3A_91 = arith.constant 0 : i32
      %dma_wait3A_92 = tpu.memref_slice %arg2[%dma_wait3A_90, %dma_wait3A_91] : memref<12801x8xf32, #tpu.memory_space<hbm>> -> memref<12801x8xf32, #tpu.memory_space<hbm>>
      tpu.wait_indirect_dma semaphore(%arg11 : memref<!tpu.dma_semaphore, #tpu.memory_space<semaphore_mem>>) src(%dma_wait3A_92 : memref<12801x8xf32, #tpu.memory_space<hbm>>) dst(%dma_wait3A_86 : memref<128x8xf32, #tpu.memory_space<vmem>>)
      %dma_start3A = arith.constant 0 : i32
      %dma_start3A_93 = arith.constant 0 : i32
      %dma_start3A_94 = tpu.memref_slice %arg9[%scan3A_81, %dma_start3A, %dma_start3A_93] : memref<40x128x8xf32, #tpu.memory_space<vmem>> -> memref<1x128x8xf32, #tpu.memory_space<vmem>>
      %dma_start3A_95 = tpu.memref_squeeze %dma_start3A_94 : memref<1x128x8xf32, #tpu.memory_space<vmem>> -> memref<128x8xf32, #tpu.memory_space<vmem>>
      %dma_start3A_96 = arith.constant 0 : i32
      %dma_start3A_97 = tpu.memref_slice %arg8[%add3A_83, %dma_start3A_96] : memref<160x128xi32, #tpu.memory_space<vmem>> -> memref<1x128xi32, #tpu.memory_space<vmem>>
      %dma_start3A_98 = tpu.memref_squeeze %dma_start3A_97 : memref<1x128xi32, #tpu.memory_space<vmem>> -> memref<128xi32, #tpu.memory_space<vmem>>
      %dma_start3A_99 = arith.constant 0 : i32
      %dma_start3A_100 = arith.constant 0 : i32
      %dma_start3A_101 = tpu.memref_slice %arg10[%dma_start3A_99, %dma_start3A_100] : memref<12928x8xf32, #tpu.memory_space<vmem_shared>> -> memref<12928x8xf32, #tpu.memory_space<vmem_shared>>
      tpu.enqueue_indirect_dma source(%dma_start3A_95 : memref<128x8xf32, #tpu.memory_space<vmem>>) target(%dma_start3A_101 : memref<12928x8xf32, #tpu.memory_space<vmem_shared>>) offsets(%dma_start3A_98 : memref<128xi32, #tpu.memory_space<vmem>>) semaphore(%arg12 : memref<!tpu.dma_semaphore, #tpu.memory_space<semaphore_mem>>) {add = true}
    }
    %scan3A_51 = arith.constant 40 : i32
    %scan3A_52 = arith.constant 0 : i32
    %scan3A_53 = arith.constant 0 : i32
    %scan3A_54 = arith.constant 40 : i32
    %scan3A_55 = arith.addi %scan3A_53, %scan3A_54 : i32
    %scan3A_56 = arith.constant 1 : i32
    scf.for %scan3A_81 = %scan3A_53 to %scan3A_55 step %scan3A_56  : i32 {
      %add3A_82 = arith.constant 80 : i32
      %add3A_83 = arith.addi %add3A_82, %scan3A_81 : i32
      %dma_wait3A = arith.constant 0 : i32
      %dma_wait3A_84 = arith.constant 0 : i32
      %dma_wait3A_85 = tpu.memref_slice %arg9[%scan3A_81, %dma_wait3A, %dma_wait3A_84] : memref<40x128x8xf32, #tpu.memory_space<vmem>> -> memref<1x128x8xf32, #tpu.memory_space<vmem>>
      %dma_wait3A_86 = tpu.memref_squeeze %dma_wait3A_85 : memref<1x128x8xf32, #tpu.memory_space<vmem>> -> memref<128x8xf32, #tpu.memory_space<vmem>>
      %dma_wait3A_87 = arith.constant 0 : i32
      %dma_wait3A_88 = tpu.memref_slice %arg8[%add3A_83, %dma_wait3A_87] : memref<160x128xi32, #tpu.memory_space<vmem>> -> memref<1x128xi32, #tpu.memory_space<vmem>>
      %dma_wait3A_89 = tpu.memref_squeeze %dma_wait3A_88 : memref<1x128xi32, #tpu.memory_space<vmem>> -> memref<128xi32, #tpu.memory_space<vmem>>
      %dma_wait3A_90 = arith.constant 0 : i32
      %dma_wait3A_91 = arith.constant 0 : i32
      %dma_wait3A_92 = tpu.memref_slice %arg10[%dma_wait3A_90, %dma_wait3A_91] : memref<12928x8xf32, #tpu.memory_space<vmem_shared>> -> memref<12928x8xf32, #tpu.memory_space<vmem_shared>>
      tpu.wait_indirect_dma semaphore(%arg12 : memref<!tpu.dma_semaphore, #tpu.memory_space<semaphore_mem>>) src(%dma_wait3A_86 : memref<128x8xf32, #tpu.memory_space<vmem>>) dst(%dma_wait3A_92 : memref<12928x8xf32, #tpu.memory_space<vmem_shared>>)
    }
    %scan3A_57 = arith.constant 40 : i32
    %scan3A_58 = arith.constant 0 : i32
    %scan3A_59 = arith.constant 0 : i32
    %scan3A_60 = arith.constant 40 : i32
    %scan3A_61 = arith.addi %scan3A_59, %scan3A_60 : i32
    %scan3A_62 = arith.constant 1 : i32
    scf.for %scan3A_81 = %scan3A_59 to %scan3A_61 step %scan3A_62  : i32 {
      %add3A_82 = arith.constant 120 : i32
      %add3A_83 = arith.addi %add3A_82, %scan3A_81 : i32
      %dma_start3A = arith.constant 0 : i32
      %dma_start3A_84 = arith.constant 0 : i32
      %dma_start3A_85 = tpu.memref_slice %arg9[%scan3A_81, %dma_start3A, %dma_start3A_84] : memref<40x128x8xf32, #tpu.memory_space<vmem>> -> memref<1x128x8xf32, #tpu.memory_space<vmem>>
      %dma_start3A_86 = tpu.memref_squeeze %dma_start3A_85 : memref<1x128x8xf32, #tpu.memory_space<vmem>> -> memref<128x8xf32, #tpu.memory_space<vmem>>
      %dma_start3A_87 = arith.constant 0 : i32
      %dma_start3A_88 = tpu.memref_slice %arg7[%add3A_83, %dma_start3A_87] : memref<160x128xi32, #tpu.memory_space<vmem>> -> memref<1x128xi32, #tpu.memory_space<vmem>>
      %dma_start3A_89 = tpu.memref_squeeze %dma_start3A_88 : memref<1x128xi32, #tpu.memory_space<vmem>> -> memref<128xi32, #tpu.memory_space<vmem>>
      %dma_start3A_90 = arith.constant 0 : i32
      %dma_start3A_91 = arith.constant 0 : i32
      %dma_start3A_92 = tpu.memref_slice %arg2[%dma_start3A_90, %dma_start3A_91] : memref<12801x8xf32, #tpu.memory_space<hbm>> -> memref<12801x8xf32, #tpu.memory_space<hbm>>
      tpu.enqueue_indirect_dma source(%dma_start3A_92 : memref<12801x8xf32, #tpu.memory_space<hbm>>) target(%dma_start3A_86 : memref<128x8xf32, #tpu.memory_space<vmem>>) offsets(%dma_start3A_89 : memref<128xi32, #tpu.memory_space<vmem>>) semaphore(%arg11 : memref<!tpu.dma_semaphore, #tpu.memory_space<semaphore_mem>>)
    }
    %scan3A_63 = arith.constant 40 : i32
    %scan3A_64 = arith.constant 0 : i32
    %scan3A_65 = arith.constant 0 : i32
    %scan3A_66 = arith.constant 40 : i32
    %scan3A_67 = arith.addi %scan3A_65, %scan3A_66 : i32
    %scan3A_68 = arith.constant 1 : i32
    scf.for %scan3A_81 = %scan3A_65 to %scan3A_67 step %scan3A_68  : i32 {
      %add3A_82 = arith.constant 120 : i32
      %add3A_83 = arith.addi %add3A_82, %scan3A_81 : i32
      %dma_wait3A = arith.constant 0 : i32
      %dma_wait3A_84 = arith.constant 0 : i32
      %dma_wait3A_85 = tpu.memref_slice %arg9[%scan3A_81, %dma_wait3A, %dma_wait3A_84] : memref<40x128x8xf32, #tpu.memory_space<vmem>> -> memref<1x128x8xf32, #tpu.memory_space<vmem>>
      %dma_wait3A_86 = tpu.memref_squeeze %dma_wait3A_85 : memref<1x128x8xf32, #tpu.memory_space<vmem>> -> memref<128x8xf32, #tpu.memory_space<vmem>>
      %dma_wait3A_87 = arith.constant 0 : i32
      %dma_wait3A_88 = tpu.memref_slice %arg7[%add3A_83, %dma_wait3A_87] : memref<160x128xi32, #tpu.memory_space<vmem>> -> memref<1x128xi32, #tpu.memory_space<vmem>>
      %dma_wait3A_89 = tpu.memref_squeeze %dma_wait3A_88 : memref<1x128xi32, #tpu.memory_space<vmem>> -> memref<128xi32, #tpu.memory_space<vmem>>
      %dma_wait3A_90 = arith.constant 0 : i32
      %dma_wait3A_91 = arith.constant 0 : i32
      %dma_wait3A_92 = tpu.memref_slice %arg2[%dma_wait3A_90, %dma_wait3A_91] : memref<12801x8xf32, #tpu.memory_space<hbm>> -> memref<12801x8xf32, #tpu.memory_space<hbm>>
      tpu.wait_indirect_dma semaphore(%arg11 : memref<!tpu.dma_semaphore, #tpu.memory_space<semaphore_mem>>) src(%dma_wait3A_92 : memref<12801x8xf32, #tpu.memory_space<hbm>>) dst(%dma_wait3A_86 : memref<128x8xf32, #tpu.memory_space<vmem>>)
      %dma_start3A = arith.constant 0 : i32
      %dma_start3A_93 = arith.constant 0 : i32
      %dma_start3A_94 = tpu.memref_slice %arg9[%scan3A_81, %dma_start3A, %dma_start3A_93] : memref<40x128x8xf32, #tpu.memory_space<vmem>> -> memref<1x128x8xf32, #tpu.memory_space<vmem>>
      %dma_start3A_95 = tpu.memref_squeeze %dma_start3A_94 : memref<1x128x8xf32, #tpu.memory_space<vmem>> -> memref<128x8xf32, #tpu.memory_space<vmem>>
      %dma_start3A_96 = arith.constant 0 : i32
      %dma_start3A_97 = tpu.memref_slice %arg8[%add3A_83, %dma_start3A_96] : memref<160x128xi32, #tpu.memory_space<vmem>> -> memref<1x128xi32, #tpu.memory_space<vmem>>
      %dma_start3A_98 = tpu.memref_squeeze %dma_start3A_97 : memref<1x128xi32, #tpu.memory_space<vmem>> -> memref<128xi32, #tpu.memory_space<vmem>>
      %dma_start3A_99 = arith.constant 0 : i32
      %dma_start3A_100 = arith.constant 0 : i32
      %dma_start3A_101 = tpu.memref_slice %arg10[%dma_start3A_99, %dma_start3A_100] : memref<12928x8xf32, #tpu.memory_space<vmem_shared>> -> memref<12928x8xf32, #tpu.memory_space<vmem_shared>>
      tpu.enqueue_indirect_dma source(%dma_start3A_95 : memref<128x8xf32, #tpu.memory_space<vmem>>) target(%dma_start3A_101 : memref<12928x8xf32, #tpu.memory_space<vmem_shared>>) offsets(%dma_start3A_98 : memref<128xi32, #tpu.memory_space<vmem>>) semaphore(%arg12 : memref<!tpu.dma_semaphore, #tpu.memory_space<semaphore_mem>>) {add = true}
    }
    %scan3A_69 = arith.constant 40 : i32
    %scan3A_70 = arith.constant 0 : i32
    %scan3A_71 = arith.constant 0 : i32
    %scan3A_72 = arith.constant 40 : i32
    %scan3A_73 = arith.addi %scan3A_71, %scan3A_72 : i32
    %scan3A_74 = arith.constant 1 : i32
    scf.for %scan3A_81 = %scan3A_71 to %scan3A_73 step %scan3A_74  : i32 {
      %add3A_82 = arith.constant 120 : i32
      %add3A_83 = arith.addi %add3A_82, %scan3A_81 : i32
      %dma_wait3A = arith.constant 0 : i32
      %dma_wait3A_84 = arith.constant 0 : i32
      %dma_wait3A_85 = tpu.memref_slice %arg9[%scan3A_81, %dma_wait3A, %dma_wait3A_84] : memref<40x128x8xf32, #tpu.memory_space<vmem>> -> memref<1x128x8xf32, #tpu.memory_space<vmem>>
      %dma_wait3A_86 = tpu.memref_squeeze %dma_wait3A_85 : memref<1x128x8xf32, #tpu.memory_space<vmem>> -> memref<128x8xf32, #tpu.memory_space<vmem>>
      %dma_wait3A_87 = arith.constant 0 : i32
      %dma_wait3A_88 = tpu.memref_slice %arg8[%add3A_83, %dma_wait3A_87] : memref<160x128xi32, #tpu.memory_space<vmem>> -> memref<1x128xi32, #tpu.memory_space<vmem>>
      %dma_wait3A_89 = tpu.memref_squeeze %dma_wait3A_88 : memref<1x128xi32, #tpu.memory_space<vmem>> -> memref<128xi32, #tpu.memory_space<vmem>>
      %dma_wait3A_90 = arith.constant 0 : i32
      %dma_wait3A_91 = arith.constant 0 : i32
      %dma_wait3A_92 = tpu.memref_slice %arg10[%dma_wait3A_90, %dma_wait3A_91] : memref<12928x8xf32, #tpu.memory_space<vmem_shared>> -> memref<12928x8xf32, #tpu.memory_space<vmem_shared>>
      tpu.wait_indirect_dma semaphore(%arg12 : memref<!tpu.dma_semaphore, #tpu.memory_space<semaphore_mem>>) src(%dma_wait3A_86 : memref<128x8xf32, #tpu.memory_space<vmem>>) dst(%dma_wait3A_92 : memref<12928x8xf32, #tpu.memory_space<vmem_shared>>)
    }
    %scan3A_75 = arith.constant 40 : i32
    %barrier3A_76 = arith.constant 0 : index
    tpu.barrier barrier_id(%barrier3A_76)
    %mul3A_77 = arith.constant 808 : i32
    %mul3A_78 = arith.muli %arg1, %mul3A_77 : i32
    %mul3A_79 = arith.constant 808 : i32
    %mul3A_80 = arith.muli %arg1, %mul3A_79 : i32
    "tpu.region"() ({
      %run_scoped3A = tpu.sem_alloc : memref<!tpu.dma_semaphore, #tpu.memory_space<semaphore_mem>>
      %dma_start3A = arith.constant 0 : i32
      %dma_start3A_81 = tpu.memref_slice %arg6[%arg0, %mul3A_80, %dma_start3A] : memref<2x12928x8xf32, #tpu.memory_space<hbm>> -> memref<1x808x8xf32, #tpu.memory_space<hbm>>
      %dma_start3A_82 = tpu.memref_squeeze %dma_start3A_81 : memref<1x808x8xf32, #tpu.memory_space<hbm>> -> memref<808x8xf32, #tpu.memory_space<hbm>>
      %dma_start3A_83 = arith.constant 0 : i32
      %dma_start3A_84 = tpu.memref_slice %arg10[%mul3A_78, %dma_start3A_83] : memref<12928x8xf32, #tpu.memory_space<vmem_shared>> -> memref<808x8xf32, #tpu.memory_space<vmem_shared>>
      tpu.enqueue_dma source(%dma_start3A_84 : memref<808x8xf32, #tpu.memory_space<vmem_shared>>) target(%dma_start3A_82 : memref<808x8xf32, #tpu.memory_space<hbm>>) target_semaphore(%run_scoped3A : memref<!tpu.dma_semaphore, #tpu.memory_space<semaphore_mem>>)
      %dma_wait3A = arith.constant 0 : i32
      %dma_wait3A_85 = tpu.memref_slice %arg6[%arg0, %mul3A_80, %dma_wait3A] : memref<2x12928x8xf32, #tpu.memory_space<hbm>> -> memref<1x808x8xf32, #tpu.memory_space<hbm>>
      %dma_wait3A_86 = tpu.memref_squeeze %dma_wait3A_85 : memref<1x808x8xf32, #tpu.memory_space<hbm>> -> memref<808x8xf32, #tpu.memory_space<hbm>>
      %dma_wait3A_87 = arith.constant 0 : i32
      %dma_wait3A_88 = tpu.memref_slice %arg10[%mul3A_78, %dma_wait3A_87] : memref<12928x8xf32, #tpu.memory_space<vmem_shared>> -> memref<808x8xf32, #tpu.memory_space<vmem_shared>>
      tpu.wait_dma2 semaphore(%run_scoped3A : memref<!tpu.dma_semaphore, #tpu.memory_space<semaphore_mem>>) src(%dma_wait3A_88 : memref<808x8xf32, #tpu.memory_space<vmem_shared>>) dst(%dma_wait3A_86 : memref<808x8xf32, #tpu.memory_space<hbm>>)
      tpu.yield
    }) : () -> ()
    return
  }
}

module attributes {stable_mosaic.version = 14 : i64} {
  func.func @_tc_body(%arg0: i32, %arg1: memref<1x1xf32, #tpu.memory_space<smem>>, %arg2: memref<1x1xf32, #tpu.memory_space<smem>>, %arg3: memref<1600x2xbf16, #tpu.memory_space<vmem>>, %arg4: memref<2x1600x8xf32, #tpu.memory_space<vmem>>, %arg5: memref<16x50xi32, #tpu.memory_space<vmem>>, %arg6: memref<16x50x51xf32, #tpu.memory_space<vmem>>, %arg7: memref<2x128xbf16, #tpu.memory_space<vmem>>, %arg8: memref<1x128xf32, #tpu.memory_space<vmem>>, %arg9: memref<128x128xbf16, #tpu.memory_space<vmem>>, %arg10: memref<1x128xf32, #tpu.memory_space<vmem>>, %arg11: memref<128x128xbf16, #tpu.memory_space<vmem>>, %arg12: memref<128x128xbf16, #tpu.memory_space<vmem>>, %arg13: memref<16x50xi32, #tpu.memory_space<vmem>>) attributes {dimension_semantics = [#tpu.dimension_semantics<arbitrary>], iteration_bounds = array<i64: 8>, scalar_prefetch = 0 : i64, scratch_operands = 0 : i64, tpu.core_type = #tpu.core_type<tc>, window_params = [{transform_indices = @transform_0, window_bounds = array<i64: 1, 1>}, {transform_indices = @transform_1, window_bounds = array<i64: 1, 1>}, {transform_indices = @transform_2, window_bounds = array<i64: 1600, 2>}, {transform_indices = @transform_3, window_bounds = array<i64: 2, 1600, 8>}, {transform_indices = @transform_4, window_bounds = array<i64: 16, 50>}, {transform_indices = @transform_5, window_bounds = array<i64: 16, 50, 51>}, {pipeline_mode = #tpu.pipeline_mode<synchronous>, transform_indices = @transform_6, window_bounds = array<i64: 2, 128>}, {pipeline_mode = #tpu.pipeline_mode<synchronous>, transform_indices = @transform_7, window_bounds = array<i64: 1, 128>}, {pipeline_mode = #tpu.pipeline_mode<synchronous>, transform_indices = @transform_8, window_bounds = array<i64: 128, 128>}, {pipeline_mode = #tpu.pipeline_mode<synchronous>, transform_indices = @transform_9, window_bounds = array<i64: 1, 128>}, {pipeline_mode = #tpu.pipeline_mode<synchronous>, transform_indices = @transform_10, window_bounds = array<i64: 128, 128>}, {pipeline_mode = #tpu.pipeline_mode<synchronous>, transform_indices = @transform_11, window_bounds = array<i64: 128, 128>}, {transform_indices = @transform_12, window_bounds = array<i64: 16, 50>}]} {
    %get3A = arith.constant 0 : index
    %get3A_0 = arith.constant 0 : index
    %get3A_1 = vector.load %arg7[%get3A, %get3A_0] : memref<2x128xbf16, #tpu.memory_space<vmem>>, vector<2x128xbf16>
    %convert_element_type3A = arith.extf %get3A_1 : vector<2x128xbf16> to vector<2x128xf32>
    %get3A_2 = arith.constant 0 : index
    %get3A_3 = arith.constant 0 : index
    %get3A_4 = vector.load %arg8[%get3A_2, %get3A_3] : memref<1x128xf32, #tpu.memory_space<vmem>>, vector<1x128xf32>
    %get3A_5 = arith.constant 0 : index
    %get3A_6 = arith.constant 0 : index
    %get3A_7 = vector.load %arg3[%get3A_5, %get3A_6] : memref<1600x2xbf16, #tpu.memory_space<vmem>>, vector<1600x2xbf16>
    %convert_element_type3A_8 = arith.extf %get3A_7 : vector<1600x2xbf16> to vector<1600x2xf32>
    %slice3A = vector.extract_strided_slice %convert_element_type3A_8 {offsets = [0, 0], sizes = [1600, 1], strides = [1, 1]} : vector<1600x2xf32> to vector<1600x1xf32>
    %slice3A_9 = vector.extract_strided_slice %convert_element_type3A {offsets = [0, 0], sizes = [1, 128], strides = [1, 1]} : vector<2x128xf32> to vector<1x128xf32>
    %mul3A = vector.broadcast %slice3A : vector<1600x1xf32> to vector<1600x128xf32>
    %mul3A_10 = vector.broadcast %slice3A_9 : vector<1x128xf32> to vector<1600x128xf32>
    %mul3A_11 = arith.mulf %mul3A, %mul3A_10 : vector<1600x128xf32>
    %slice3A_12 = vector.extract_strided_slice %convert_element_type3A_8 {offsets = [0, 1], sizes = [1600, 1], strides = [1, 1]} : vector<1600x2xf32> to vector<1600x1xf32>
    %slice3A_13 = vector.extract_strided_slice %convert_element_type3A {offsets = [1, 0], sizes = [1, 128], strides = [1, 1]} : vector<2x128xf32> to vector<1x128xf32>
    %mul3A_14 = vector.broadcast %slice3A_12 : vector<1600x1xf32> to vector<1600x128xf32>
    %mul3A_15 = vector.broadcast %slice3A_13 : vector<1x128xf32> to vector<1600x128xf32>
    %mul3A_16 = arith.mulf %mul3A_14, %mul3A_15 : vector<1600x128xf32>
    %add3A = arith.addf %mul3A_11, %mul3A_16 : vector<1600x128xf32>
    %add3A_17 = vector.broadcast %get3A_4 : vector<1x128xf32> to vector<1600x128xf32>
    %add3A_18 = arith.addf %add3A, %add3A_17 : vector<1600x128xf32>
    %get3A_19 = arith.constant 0 : index
    %get3A_20 = arith.constant 0 : index
    %get3A_21 = arith.constant 0 : index
    %get3A_22 = vector.load %arg4[%get3A_19, %get3A_20, %get3A_21] : memref<2x1600x8xf32, #tpu.memory_space<vmem>>, vector<1x1600x8xf32>
    %get3A_23 = vector.shape_cast %get3A_22 : vector<1x1600x8xf32> to vector<1600x8xf32>
    %get3A_24 = arith.constant 1 : index
    %get3A_25 = arith.constant 0 : index
    %get3A_26 = arith.constant 0 : index
    %get3A_27 = vector.load %arg4[%get3A_24, %get3A_25, %get3A_26] : memref<2x1600x8xf32, #tpu.memory_space<vmem>>, vector<1x1600x8xf32>
    %get3A_28 = vector.shape_cast %get3A_27 : vector<1x1600x8xf32> to vector<1600x8xf32>
    %add3A_29 = arith.addf %get3A_23, %get3A_28 : vector<1600x8xf32>
    %slice3A_30 = vector.extract_strided_slice %add3A_29 {offsets = [0, 2], sizes = [1600, 1], strides = [1, 1]} : vector<1600x8xf32> to vector<1600x1xf32>
    %slice3A_31 = vector.extract_strided_slice %add3A_29 {offsets = [0, 0], sizes = [1600, 1], strides = [1, 1]} : vector<1600x8xf32> to vector<1600x1xf32>
    %slice3A_32 = vector.extract_strided_slice %convert_element_type3A {offsets = [0, 0], sizes = [1, 128], strides = [1, 1]} : vector<2x128xf32> to vector<1x128xf32>
    %mul3A_33 = vector.broadcast %slice3A_31 : vector<1600x1xf32> to vector<1600x128xf32>
    %mul3A_34 = vector.broadcast %slice3A_32 : vector<1x128xf32> to vector<1600x128xf32>
    %mul3A_35 = arith.mulf %mul3A_33, %mul3A_34 : vector<1600x128xf32>
    %slice3A_36 = vector.extract_strided_slice %add3A_29 {offsets = [0, 1], sizes = [1600, 1], strides = [1, 1]} : vector<1600x8xf32> to vector<1600x1xf32>
    %slice3A_37 = vector.extract_strided_slice %convert_element_type3A {offsets = [1, 0], sizes = [1, 128], strides = [1, 1]} : vector<2x128xf32> to vector<1x128xf32>
    %mul3A_38 = vector.broadcast %slice3A_36 : vector<1600x1xf32> to vector<1600x128xf32>
    %mul3A_39 = vector.broadcast %slice3A_37 : vector<1x128xf32> to vector<1600x128xf32>
    %mul3A_40 = arith.mulf %mul3A_38, %mul3A_39 : vector<1600x128xf32>
    %add3A_41 = arith.addf %mul3A_35, %mul3A_40 : vector<1600x128xf32>
    %mul3A_42 = vector.broadcast %slice3A_30 : vector<1600x1xf32> to vector<1600x128xf32>
    %mul3A_43 = vector.broadcast %get3A_4 : vector<1x128xf32> to vector<1600x128xf32>
    %mul3A_44 = arith.mulf %mul3A_42, %mul3A_43 : vector<1600x128xf32>
    %add3A_45 = arith.addf %add3A_41, %mul3A_44 : vector<1600x128xf32>
    %max3A = arith.constant 1.000000e+00 : f32
    %max3A_46 = vector.broadcast %max3A : f32 to vector<1600x1xf32>
    %max3A_47 = arith.maximumf %slice3A_30, %max3A_46 : vector<1600x1xf32>
    %div3A = vector.broadcast %max3A_47 : vector<1600x1xf32> to vector<1600x128xf32>
    %div3A_48 = arith.divf %add3A_45, %div3A : vector<1600x128xf32>
    %convert_element_type3A_49 = arith.truncf %div3A_48 : vector<1600x128xf32> to vector<1600x128xbf16>
    %get3A_50 = arith.constant 0 : index
    %get3A_51 = arith.constant 0 : index
    %get3A_52 = vector.load %arg9[%get3A_50, %get3A_51] : memref<128x128xbf16, #tpu.memory_space<vmem>>, vector<128x128xbf16>
    %dot_general3A = arith.constant dense<0.000000e+00> : vector<1600x128xf32>
    %dot_general3A_53 = tpu.matmul %convert_element_type3A_49, %get3A_52, %dot_general3A {dimension_numbers = #tpu.dot_dimension_numbers<[1], [0], [0], [1], [0, 0, 1, 1], [], []>, transpose_lhs_hint = false} : vector<1600x128xbf16>, vector<128x128xbf16>, vector<1600x128xf32> -> vector<1600x128xf32>
    %get3A_54 = arith.constant 0 : index
    %get3A_55 = arith.constant 0 : index
    %get3A_56 = vector.load %arg10[%get3A_54, %get3A_55] : memref<1x128xf32, #tpu.memory_space<vmem>>, vector<1x128xf32>
    %add3A_57 = vector.broadcast %get3A_56 : vector<1x128xf32> to vector<1600x128xf32>
    %add3A_58 = arith.addf %dot_general3A_53, %add3A_57 : vector<1600x128xf32>
    %max3A_59 = arith.constant 0.000000e+00 : f32
    %max3A_60 = vector.broadcast %max3A_59 : f32 to vector<1600x128xf32>
    %max3A_61 = arith.maximumf %add3A_58, %max3A_60 : vector<1600x128xf32>
    %add3A_62 = arith.addf %max3A_61, %add3A_18 : vector<1600x128xf32>
    %convert_element_type3A_63 = arith.truncf %add3A_62 : vector<1600x128xf32> to vector<1600x128xbf16>
    %reshape3A = vector.shape_cast %convert_element_type3A_63 : vector<1600x128xbf16> to vector<16x100x128xbf16>
    %slice3A_64 = vector.extract_strided_slice %reshape3A {offsets = [0, 0, 0], sizes = [16, 50, 128], strides = [1, 1, 1]} : vector<16x100x128xbf16> to vector<16x50x128xbf16>
    %reshape3A_65 = vector.shape_cast %slice3A_64 : vector<16x50x128xbf16> to vector<800x128xbf16>
    %slice3A_66 = vector.extract_strided_slice %reshape3A {offsets = [0, 50, 0], sizes = [16, 50, 128], strides = [1, 1, 1]} : vector<16x100x128xbf16> to vector<16x50x128xbf16>
    %reshape3A_67 = vector.shape_cast %slice3A_66 : vector<16x50x128xbf16> to vector<800x128xbf16>
    %get3A_68 = arith.constant 0 : index
    %get3A_69 = arith.constant 0 : index
    %get3A_70 = vector.load %arg11[%get3A_68, %get3A_69] : memref<128x128xbf16, #tpu.memory_space<vmem>>, vector<128x128xbf16>
    %dot_general3A_71 = arith.constant dense<0.000000e+00> : vector<800x128xf32>
    %dot_general3A_72 = tpu.matmul %reshape3A_65, %get3A_70, %dot_general3A_71 {dimension_numbers = #tpu.dot_dimension_numbers<[1], [0], [0], [1], [0, 0, 1, 1], [], []>, transpose_lhs_hint = false} : vector<800x128xbf16>, vector<128x128xbf16>, vector<800x128xf32> -> vector<800x128xf32>
    %convert_element_type3A_73 = arith.truncf %dot_general3A_72 : vector<800x128xf32> to vector<800x128xbf16>
    %reshape3A_74 = vector.shape_cast %convert_element_type3A_73 : vector<800x128xbf16> to vector<16x50x128xbf16>
    %get3A_75 = arith.constant 0 : index
    %get3A_76 = arith.constant 0 : index
    %get3A_77 = vector.load %arg12[%get3A_75, %get3A_76] : memref<128x128xbf16, #tpu.memory_space<vmem>>, vector<128x128xbf16>
    %dot_general3A_78 = arith.constant dense<0.000000e+00> : vector<800x128xf32>
    %dot_general3A_79 = tpu.matmul %reshape3A_67, %get3A_77, %dot_general3A_78 {dimension_numbers = #tpu.dot_dimension_numbers<[1], [0], [0], [1], [0, 0, 1, 1], [], []>, transpose_lhs_hint = false} : vector<800x128xbf16>, vector<128x128xbf16>, vector<800x128xf32> -> vector<800x128xf32>
    %convert_element_type3A_80 = arith.truncf %dot_general3A_79 : vector<800x128xf32> to vector<800x128xbf16>
    %reshape3A_81 = vector.shape_cast %convert_element_type3A_80 : vector<800x128xbf16> to vector<16x50x128xbf16>
    %dot_general3A_82 = arith.constant dense<0.000000e+00> : vector<16x50x50xf32>
    %dot_general3A_83 = tpu.matmul %reshape3A_74, %reshape3A_81, %dot_general3A_82 {dimension_numbers = #tpu.dot_dimension_numbers<[2], [2], [1], [1], [0, 0, 0, 1, 1, 1], [0], [0]>, transpose_lhs_hint = false} : vector<16x50x128xbf16>, vector<16x50x128xbf16>, vector<16x50x50xf32> -> vector<16x50x50xf32>
    %div3A_84 = arith.constant 11.3137083 : f32
    %div3A_85 = vector.broadcast %div3A_84 : f32 to vector<16x50x50xf32>
    %div3A_86 = arith.divf %dot_general3A_83, %div3A_85 : vector<16x50x50xf32>
    %reduce_max3A = arith.constant dense<0xFF800000> : vector<16x50xf32>
    %reduce_max3A_87 = vector.multi_reduction <maximumf>, %div3A_86, %reduce_max3A [2] : vector<16x50x50xf32> to vector<16x50xf32>
    %broadcast_in_dim3A = vector.shape_cast %reduce_max3A_87 : vector<16x50xf32> to vector<16x50x1xf32>
    %max3A_88 = arith.constant 0.000000e+00 : f32
    %max3A_89 = vector.broadcast %max3A_88 : f32 to vector<16x50x1xf32>
    %max3A_90 = arith.maximumf %broadcast_in_dim3A, %max3A_89 : vector<16x50x1xf32>
    %sub3A = vector.broadcast %max3A_90 : vector<16x50x1xf32> to vector<16x50x50xf32>
    %sub3A_91 = arith.subf %div3A_86, %sub3A : vector<16x50x50xf32>
    %exp3A = math.exp %sub3A_91 : vector<16x50x50xf32>
    %neg3A = arith.constant 0.000000e+00 : f32
    %neg3A_92 = vector.broadcast %neg3A : f32 to vector<16x50x1xf32>
    %neg3A_93 = arith.subf %neg3A_92, %max3A_90 : vector<16x50x1xf32>
    %exp3A_94 = math.exp %neg3A_93 : vector<16x50x1xf32>
    %reduce_sum3A = arith.constant dense<0.000000e+00> : vector<16x50xf32>
    %reduce_sum3A_95 = vector.multi_reduction <add>, %exp3A, %reduce_sum3A [2] : vector<16x50x50xf32> to vector<16x50xf32>
    %broadcast_in_dim3A_96 = vector.shape_cast %reduce_sum3A_95 : vector<16x50xf32> to vector<16x50x1xf32>
    %add3A_97 = arith.addf %broadcast_in_dim3A_96, %exp3A_94 : vector<16x50x1xf32>
    %div3A_98 = vector.broadcast %add3A_97 : vector<16x50x1xf32> to vector<16x50x50xf32>
    %div3A_99 = arith.divf %exp3A, %div3A_98 : vector<16x50x50xf32>
    %add3A_100 = arith.constant 9.99999996E-13 : f32
    %add3A_101 = vector.broadcast %add3A_100 : f32 to vector<16x50x50xf32>
    %add3A_102 = arith.addf %div3A_99, %add3A_101 : vector<16x50x50xf32>
    %log3A = math.log %add3A_102 : vector<16x50x50xf32>
    %get3A_103 = arith.constant 0 : index
    %get3A_104 = arith.constant 0 : index
    %get3A_105 = memref.load %arg1[%get3A_103, %get3A_104] : memref<1x1xf32, #tpu.memory_space<smem>>
    %get3A_106 = arith.constant 0 : index
    %get3A_107 = arith.constant 0 : index
    %get3A_108 = memref.load %arg2[%get3A_106, %get3A_107] : memref<1x1xf32, #tpu.memory_space<smem>>
    %iota3A = tpu.iota {dimensions = array<i32: 1>} : vector<1x50x1xi32>
    %iota3A_109 = tpu.iota {dimensions = array<i32: 1>} : vector<16x50xi32>
    %broadcast_in_dim3A_110 = arith.constant false
    %broadcast_in_dim3A_111 = vector.broadcast %broadcast_in_dim3A_110 : i1 to vector<16x50xi1>
    %broadcast_in_dim3A_112 = arith.constant 0 : i32
    %broadcast_in_dim3A_113 = vector.broadcast %broadcast_in_dim3A_112 : i32 to vector<16x50xi32>
    %get3A_114 = arith.constant 0 : index
    %get3A_115 = arith.constant 0 : index
    %get3A_116 = vector.load %arg5[%get3A_114, %get3A_115] : memref<16x50xi32, #tpu.memory_space<vmem>>, vector<16x1xi32>
    %broadcast_in_dim3A_117 = vector.shape_cast %get3A_116 : vector<16x1xi32> to vector<16x1x1xi32>
    %eq3A = vector.broadcast %iota3A : vector<1x50x1xi32> to vector<16x50x1xi32>
    %eq3A_118 = vector.broadcast %broadcast_in_dim3A_117 : vector<16x1x1xi32> to vector<16x50x1xi32>
    %eq3A_119 = arith.cmpi eq, %eq3A, %eq3A_118 : vector<16x50x1xi32>
    %jit3A = arith.constant 0.000000e+00 : f32
    %broadcast_in_dim3A_120 = vector.shape_cast %eq3A_119 : vector<16x50x1xi1> to vector<16x50x1xi1>
    %broadcast_in_dim3A_121 = vector.broadcast %broadcast_in_dim3A_120 : vector<16x50x1xi1> to vector<16x50x50xi1>
    %broadcast_in_dim3A_122 = vector.broadcast %jit3A : f32 to vector<16x50x50xf32>
    %select_n3A = arith.select %broadcast_in_dim3A_121, %log3A, %broadcast_in_dim3A_122 : vector<16x50x50xi1>, vector<16x50x50xf32>
    %reduce_sum3A_123 = arith.constant dense<0.000000e+00> : vector<16x50xf32>
    %reduce_sum3A_124 = vector.multi_reduction <add>, %select_n3A, %reduce_sum3A_123 [1] : vector<16x50x50xf32> to vector<16x50xf32>
    %broadcast_in_dim3A_125 = vector.broadcast %get3A_108 : f32 to vector<16x50xf32>
    %select_n3A_126 = arith.select %broadcast_in_dim3A_111, %broadcast_in_dim3A_125, %reduce_sum3A_124 : vector<16x50xi1>, vector<16x50xf32>
    %get3A_127 = arith.constant 0 : index
    %get3A_128 = arith.constant 0 : index
    %get3A_129 = arith.constant 0 : index
    %get3A_130 = vector.load %arg6[%get3A_127, %get3A_128, %get3A_129] : memref<16x50x51xf32, #tpu.memory_space<vmem>>, vector<16x1x50xf32>
    %get3A_131 = vector.shape_cast %get3A_130 : vector<16x1x50xf32> to vector<16x50xf32>
    %add3A_132 = arith.addf %select_n3A_126, %get3A_131 : vector<16x50xf32>
    %get3A_133 = arith.constant 0 : index
    %get3A_134 = arith.constant 0 : index
    %get3A_135 = arith.constant 50 : index
    %get3A_136 = vector.load %arg6[%get3A_133, %get3A_134, %get3A_135] : memref<16x50x51xf32, #tpu.memory_space<vmem>>, vector<16x1x1xf32>
    %get3A_137 = vector.shape_cast %get3A_136 : vector<16x1x1xf32> to vector<16x1xf32>
    %add3A_138 = vector.broadcast %get3A_105 : f32 to vector<16x1xf32>
    %add3A_139 = arith.addf %add3A_138, %get3A_137 : vector<16x1xf32>
    %reduce_max3A_140 = arith.constant dense<0xFF800000> : vector<16xf32>
    %reduce_max3A_141 = vector.multi_reduction <maximumf>, %add3A_132, %reduce_max3A_140 [1] : vector<16x50xf32> to vector<16xf32>
    %broadcast_in_dim3A_142 = vector.shape_cast %reduce_max3A_141 : vector<16xf32> to vector<16x1xf32>
    %eq3A_143 = vector.broadcast %broadcast_in_dim3A_142 : vector<16x1xf32> to vector<16x50xf32>
    %eq3A_144 = arith.cmpf oeq, %add3A_132, %eq3A_143 : vector<16x50xf32>
    %jit3A_145 = arith.constant 51 : i32
    %broadcast_in_dim3A_146 = vector.broadcast %jit3A_145 : i32 to vector<16x50xi32>
    %select_n3A_147 = arith.select %eq3A_144, %iota3A_109, %broadcast_in_dim3A_146 : vector<16x50xi1>, vector<16x50xi32>
    %reduce_min3A = arith.constant dense<2147483647> : vector<16xi32>
    %reduce_min3A_148 = vector.multi_reduction <minsi>, %select_n3A_147, %reduce_min3A [1] : vector<16x50xi32> to vector<16xi32>
    %broadcast_in_dim3A_149 = vector.shape_cast %reduce_min3A_148 : vector<16xi32> to vector<16x1xi32>
    %ge3A = arith.cmpf oge, %broadcast_in_dim3A_142, %add3A_139 : vector<16x1xf32>
    %jit3A_150 = arith.constant 50 : i32
    %broadcast_in_dim3A_151 = vector.broadcast %jit3A_150 : i32 to vector<16x1xi32>
    %select_n3A_152 = arith.select %ge3A, %broadcast_in_dim3A_149, %broadcast_in_dim3A_151 : vector<16x1xi1>, vector<16x1xi32>
    %eq3A_153 = vector.broadcast %select_n3A_152 : vector<16x1xi32> to vector<16x50xi32>
    %eq3A_154 = arith.cmpi eq, %iota3A_109, %eq3A_153 : vector<16x50xi32>
    %or3A = arith.ori %broadcast_in_dim3A_111, %eq3A_154 : vector<16x50xi1>
    %eq3A_155 = arith.constant 0 : i32
    %eq3A_156 = vector.broadcast %eq3A_155 : i32 to vector<16x50xi32>
    %eq3A_157 = arith.cmpi eq, %iota3A_109, %eq3A_156 : vector<16x50xi32>
    %broadcast_in_dim3A_158 = vector.shape_cast %select_n3A_152 : vector<16x1xi32> to vector<16x1xi32>
    %broadcast_in_dim3A_159 = vector.broadcast %broadcast_in_dim3A_158 : vector<16x1xi32> to vector<16x50xi32>
    %select_n3A_160 = arith.select %eq3A_157, %broadcast_in_dim3A_159, %broadcast_in_dim3A_113 : vector<16x50xi1>, vector<16x50xi32>
    %get3A_161 = arith.constant 0 : index
    %get3A_162 = arith.constant 1 : index
    %get3A_163 = vector.load %arg5[%get3A_161, %get3A_162] : memref<16x50xi32, #tpu.memory_space<vmem>>, vector<16x1xi32>
    %broadcast_in_dim3A_164 = vector.shape_cast %get3A_163 : vector<16x1xi32> to vector<16x1x1xi32>
    %eq3A_165 = vector.broadcast %iota3A : vector<1x50x1xi32> to vector<16x50x1xi32>
    %eq3A_166 = vector.broadcast %broadcast_in_dim3A_164 : vector<16x1x1xi32> to vector<16x50x1xi32>
    %eq3A_167 = arith.cmpi eq, %eq3A_165, %eq3A_166 : vector<16x50x1xi32>
    %jit3A_168 = arith.constant 0.000000e+00 : f32
    %broadcast_in_dim3A_169 = vector.shape_cast %eq3A_167 : vector<16x50x1xi1> to vector<16x50x1xi1>
    %broadcast_in_dim3A_170 = vector.broadcast %broadcast_in_dim3A_169 : vector<16x50x1xi1> to vector<16x50x50xi1>
    %broadcast_in_dim3A_171 = vector.broadcast %jit3A_168 : f32 to vector<16x50x50xf32>
    %select_n3A_172 = arith.select %broadcast_in_dim3A_170, %log3A, %broadcast_in_dim3A_171 : vector<16x50x50xi1>, vector<16x50x50xf32>
    %reduce_sum3A_173 = arith.constant dense<0.000000e+00> : vector<16x50xf32>
    %reduce_sum3A_174 = vector.multi_reduction <add>, %select_n3A_172, %reduce_sum3A_173 [1] : vector<16x50x50xf32> to vector<16x50xf32>
    %broadcast_in_dim3A_175 = vector.broadcast %get3A_108 : f32 to vector<16x50xf32>
    %select_n3A_176 = arith.select %or3A, %broadcast_in_dim3A_175, %reduce_sum3A_174 : vector<16x50xi1>, vector<16x50xf32>
    %get3A_177 = arith.constant 0 : index
    %get3A_178 = arith.constant 1 : index
    %get3A_179 = arith.constant 0 : index
    %get3A_180 = vector.load %arg6[%get3A_177, %get3A_178, %get3A_179] : memref<16x50x51xf32, #tpu.memory_space<vmem>>, vector<16x1x50xf32>
    %get3A_181 = vector.shape_cast %get3A_180 : vector<16x1x50xf32> to vector<16x50xf32>
    %add3A_182 = arith.addf %select_n3A_176, %get3A_181 : vector<16x50xf32>
    %get3A_183 = arith.constant 0 : index
    %get3A_184 = arith.constant 1 : index
    %get3A_185 = arith.constant 50 : index
    %get3A_186 = vector.load %arg6[%get3A_183, %get3A_184, %get3A_185] : memref<16x50x51xf32, #tpu.memory_space<vmem>>, vector<16x1x1xf32>
    %get3A_187 = vector.shape_cast %get3A_186 : vector<16x1x1xf32> to vector<16x1xf32>
    %add3A_188 = vector.broadcast %get3A_105 : f32 to vector<16x1xf32>
    %add3A_189 = arith.addf %add3A_188, %get3A_187 : vector<16x1xf32>
    %reduce_max3A_190 = arith.constant dense<0xFF800000> : vector<16xf32>
    %reduce_max3A_191 = vector.multi_reduction <maximumf>, %add3A_182, %reduce_max3A_190 [1] : vector<16x50xf32> to vector<16xf32>
    %broadcast_in_dim3A_192 = vector.shape_cast %reduce_max3A_191 : vector<16xf32> to vector<16x1xf32>
    %eq3A_193 = vector.broadcast %broadcast_in_dim3A_192 : vector<16x1xf32> to vector<16x50xf32>
    %eq3A_194 = arith.cmpf oeq, %add3A_182, %eq3A_193 : vector<16x50xf32>
    %jit3A_195 = arith.constant 51 : i32
    %broadcast_in_dim3A_196 = vector.broadcast %jit3A_195 : i32 to vector<16x50xi32>
    %select_n3A_197 = arith.select %eq3A_194, %iota3A_109, %broadcast_in_dim3A_196 : vector<16x50xi1>, vector<16x50xi32>
    %reduce_min3A_198 = arith.constant dense<2147483647> : vector<16xi32>
    %reduce_min3A_199 = vector.multi_reduction <minsi>, %select_n3A_197, %reduce_min3A_198 [1] : vector<16x50xi32> to vector<16xi32>
    %broadcast_in_dim3A_200 = vector.shape_cast %reduce_min3A_199 : vector<16xi32> to vector<16x1xi32>
    %ge3A_201 = arith.cmpf oge, %broadcast_in_dim3A_192, %add3A_189 : vector<16x1xf32>
    %jit3A_202 = arith.constant 50 : i32
    %broadcast_in_dim3A_203 = vector.broadcast %jit3A_202 : i32 to vector<16x1xi32>
    %select_n3A_204 = arith.select %ge3A_201, %broadcast_in_dim3A_200, %broadcast_in_dim3A_203 : vector<16x1xi1>, vector<16x1xi32>
    %eq3A_205 = vector.broadcast %select_n3A_204 : vector<16x1xi32> to vector<16x50xi32>
    %eq3A_206 = arith.cmpi eq, %iota3A_109, %eq3A_205 : vector<16x50xi32>
    %or3A_207 = arith.ori %or3A, %eq3A_206 : vector<16x50xi1>
    %eq3A_208 = arith.constant 1 : i32
    %eq3A_209 = vector.broadcast %eq3A_208 : i32 to vector<16x50xi32>
    %eq3A_210 = arith.cmpi eq, %iota3A_109, %eq3A_209 : vector<16x50xi32>
    %broadcast_in_dim3A_211 = vector.shape_cast %select_n3A_204 : vector<16x1xi32> to vector<16x1xi32>
    %broadcast_in_dim3A_212 = vector.broadcast %broadcast_in_dim3A_211 : vector<16x1xi32> to vector<16x50xi32>
    %select_n3A_213 = arith.select %eq3A_210, %broadcast_in_dim3A_212, %select_n3A_160 : vector<16x50xi1>, vector<16x50xi32>
    %get3A_214 = arith.constant 0 : index
    %get3A_215 = arith.constant 2 : index
    %get3A_216 = vector.load %arg5[%get3A_214, %get3A_215] : memref<16x50xi32, #tpu.memory_space<vmem>>, vector<16x1xi32>
    %broadcast_in_dim3A_217 = vector.shape_cast %get3A_216 : vector<16x1xi32> to vector<16x1x1xi32>
    %eq3A_218 = vector.broadcast %iota3A : vector<1x50x1xi32> to vector<16x50x1xi32>
    %eq3A_219 = vector.broadcast %broadcast_in_dim3A_217 : vector<16x1x1xi32> to vector<16x50x1xi32>
    %eq3A_220 = arith.cmpi eq, %eq3A_218, %eq3A_219 : vector<16x50x1xi32>
    %jit3A_221 = arith.constant 0.000000e+00 : f32
    %broadcast_in_dim3A_222 = vector.shape_cast %eq3A_220 : vector<16x50x1xi1> to vector<16x50x1xi1>
    %broadcast_in_dim3A_223 = vector.broadcast %broadcast_in_dim3A_222 : vector<16x50x1xi1> to vector<16x50x50xi1>
    %broadcast_in_dim3A_224 = vector.broadcast %jit3A_221 : f32 to vector<16x50x50xf32>
    %select_n3A_225 = arith.select %broadcast_in_dim3A_223, %log3A, %broadcast_in_dim3A_224 : vector<16x50x50xi1>, vector<16x50x50xf32>
    %reduce_sum3A_226 = arith.constant dense<0.000000e+00> : vector<16x50xf32>
    %reduce_sum3A_227 = vector.multi_reduction <add>, %select_n3A_225, %reduce_sum3A_226 [1] : vector<16x50x50xf32> to vector<16x50xf32>
    %broadcast_in_dim3A_228 = vector.broadcast %get3A_108 : f32 to vector<16x50xf32>
    %select_n3A_229 = arith.select %or3A_207, %broadcast_in_dim3A_228, %reduce_sum3A_227 : vector<16x50xi1>, vector<16x50xf32>
    %get3A_230 = arith.constant 0 : index
    %get3A_231 = arith.constant 2 : index
    %get3A_232 = arith.constant 0 : index
    %get3A_233 = vector.load %arg6[%get3A_230, %get3A_231, %get3A_232] : memref<16x50x51xf32, #tpu.memory_space<vmem>>, vector<16x1x50xf32>
    %get3A_234 = vector.shape_cast %get3A_233 : vector<16x1x50xf32> to vector<16x50xf32>
    %add3A_235 = arith.addf %select_n3A_229, %get3A_234 : vector<16x50xf32>
    %get3A_236 = arith.constant 0 : index
    %get3A_237 = arith.constant 2 : index
    %get3A_238 = arith.constant 50 : index
    %get3A_239 = vector.load %arg6[%get3A_236, %get3A_237, %get3A_238] : memref<16x50x51xf32, #tpu.memory_space<vmem>>, vector<16x1x1xf32>
    %get3A_240 = vector.shape_cast %get3A_239 : vector<16x1x1xf32> to vector<16x1xf32>
    %add3A_241 = vector.broadcast %get3A_105 : f32 to vector<16x1xf32>
    %add3A_242 = arith.addf %add3A_241, %get3A_240 : vector<16x1xf32>
    %reduce_max3A_243 = arith.constant dense<0xFF800000> : vector<16xf32>
    %reduce_max3A_244 = vector.multi_reduction <maximumf>, %add3A_235, %reduce_max3A_243 [1] : vector<16x50xf32> to vector<16xf32>
    %broadcast_in_dim3A_245 = vector.shape_cast %reduce_max3A_244 : vector<16xf32> to vector<16x1xf32>
    %eq3A_246 = vector.broadcast %broadcast_in_dim3A_245 : vector<16x1xf32> to vector<16x50xf32>
    %eq3A_247 = arith.cmpf oeq, %add3A_235, %eq3A_246 : vector<16x50xf32>
    %jit3A_248 = arith.constant 51 : i32
    %broadcast_in_dim3A_249 = vector.broadcast %jit3A_248 : i32 to vector<16x50xi32>
    %select_n3A_250 = arith.select %eq3A_247, %iota3A_109, %broadcast_in_dim3A_249 : vector<16x50xi1>, vector<16x50xi32>
    %reduce_min3A_251 = arith.constant dense<2147483647> : vector<16xi32>
    %reduce_min3A_252 = vector.multi_reduction <minsi>, %select_n3A_250, %reduce_min3A_251 [1] : vector<16x50xi32> to vector<16xi32>
    %broadcast_in_dim3A_253 = vector.shape_cast %reduce_min3A_252 : vector<16xi32> to vector<16x1xi32>
    %ge3A_254 = arith.cmpf oge, %broadcast_in_dim3A_245, %add3A_242 : vector<16x1xf32>
    %jit3A_255 = arith.constant 50 : i32
    %broadcast_in_dim3A_256 = vector.broadcast %jit3A_255 : i32 to vector<16x1xi32>
    %select_n3A_257 = arith.select %ge3A_254, %broadcast_in_dim3A_253, %broadcast_in_dim3A_256 : vector<16x1xi1>, vector<16x1xi32>
    %eq3A_258 = vector.broadcast %select_n3A_257 : vector<16x1xi32> to vector<16x50xi32>
    %eq3A_259 = arith.cmpi eq, %iota3A_109, %eq3A_258 : vector<16x50xi32>
    %or3A_260 = arith.ori %or3A_207, %eq3A_259 : vector<16x50xi1>
    %eq3A_261 = arith.constant 2 : i32
    %eq3A_262 = vector.broadcast %eq3A_261 : i32 to vector<16x50xi32>
    %eq3A_263 = arith.cmpi eq, %iota3A_109, %eq3A_262 : vector<16x50xi32>
    %broadcast_in_dim3A_264 = vector.shape_cast %select_n3A_257 : vector<16x1xi32> to vector<16x1xi32>
    %broadcast_in_dim3A_265 = vector.broadcast %broadcast_in_dim3A_264 : vector<16x1xi32> to vector<16x50xi32>
    %select_n3A_266 = arith.select %eq3A_263, %broadcast_in_dim3A_265, %select_n3A_213 : vector<16x50xi1>, vector<16x50xi32>
    %get3A_267 = arith.constant 0 : index
    %get3A_268 = arith.constant 3 : index
    %get3A_269 = vector.load %arg5[%get3A_267, %get3A_268] : memref<16x50xi32, #tpu.memory_space<vmem>>, vector<16x1xi32>
    %broadcast_in_dim3A_270 = vector.shape_cast %get3A_269 : vector<16x1xi32> to vector<16x1x1xi32>
    %eq3A_271 = vector.broadcast %iota3A : vector<1x50x1xi32> to vector<16x50x1xi32>
    %eq3A_272 = vector.broadcast %broadcast_in_dim3A_270 : vector<16x1x1xi32> to vector<16x50x1xi32>
    %eq3A_273 = arith.cmpi eq, %eq3A_271, %eq3A_272 : vector<16x50x1xi32>
    %jit3A_274 = arith.constant 0.000000e+00 : f32
    %broadcast_in_dim3A_275 = vector.shape_cast %eq3A_273 : vector<16x50x1xi1> to vector<16x50x1xi1>
    %broadcast_in_dim3A_276 = vector.broadcast %broadcast_in_dim3A_275 : vector<16x50x1xi1> to vector<16x50x50xi1>
    %broadcast_in_dim3A_277 = vector.broadcast %jit3A_274 : f32 to vector<16x50x50xf32>
    %select_n3A_278 = arith.select %broadcast_in_dim3A_276, %log3A, %broadcast_in_dim3A_277 : vector<16x50x50xi1>, vector<16x50x50xf32>
    %reduce_sum3A_279 = arith.constant dense<0.000000e+00> : vector<16x50xf32>
    %reduce_sum3A_280 = vector.multi_reduction <add>, %select_n3A_278, %reduce_sum3A_279 [1] : vector<16x50x50xf32> to vector<16x50xf32>
    %broadcast_in_dim3A_281 = vector.broadcast %get3A_108 : f32 to vector<16x50xf32>
    %select_n3A_282 = arith.select %or3A_260, %broadcast_in_dim3A_281, %reduce_sum3A_280 : vector<16x50xi1>, vector<16x50xf32>
    %get3A_283 = arith.constant 0 : index
    %get3A_284 = arith.constant 3 : index
    %get3A_285 = arith.constant 0 : index
    %get3A_286 = vector.load %arg6[%get3A_283, %get3A_284, %get3A_285] : memref<16x50x51xf32, #tpu.memory_space<vmem>>, vector<16x1x50xf32>
    %get3A_287 = vector.shape_cast %get3A_286 : vector<16x1x50xf32> to vector<16x50xf32>
    %add3A_288 = arith.addf %select_n3A_282, %get3A_287 : vector<16x50xf32>
    %get3A_289 = arith.constant 0 : index
    %get3A_290 = arith.constant 3 : index
    %get3A_291 = arith.constant 50 : index
    %get3A_292 = vector.load %arg6[%get3A_289, %get3A_290, %get3A_291] : memref<16x50x51xf32, #tpu.memory_space<vmem>>, vector<16x1x1xf32>
    %get3A_293 = vector.shape_cast %get3A_292 : vector<16x1x1xf32> to vector<16x1xf32>
    %add3A_294 = vector.broadcast %get3A_105 : f32 to vector<16x1xf32>
    %add3A_295 = arith.addf %add3A_294, %get3A_293 : vector<16x1xf32>
    %reduce_max3A_296 = arith.constant dense<0xFF800000> : vector<16xf32>
    %reduce_max3A_297 = vector.multi_reduction <maximumf>, %add3A_288, %reduce_max3A_296 [1] : vector<16x50xf32> to vector<16xf32>
    %broadcast_in_dim3A_298 = vector.shape_cast %reduce_max3A_297 : vector<16xf32> to vector<16x1xf32>
    %eq3A_299 = vector.broadcast %broadcast_in_dim3A_298 : vector<16x1xf32> to vector<16x50xf32>
    %eq3A_300 = arith.cmpf oeq, %add3A_288, %eq3A_299 : vector<16x50xf32>
    %jit3A_301 = arith.constant 51 : i32
    %broadcast_in_dim3A_302 = vector.broadcast %jit3A_301 : i32 to vector<16x50xi32>
    %select_n3A_303 = arith.select %eq3A_300, %iota3A_109, %broadcast_in_dim3A_302 : vector<16x50xi1>, vector<16x50xi32>
    %reduce_min3A_304 = arith.constant dense<2147483647> : vector<16xi32>
    %reduce_min3A_305 = vector.multi_reduction <minsi>, %select_n3A_303, %reduce_min3A_304 [1] : vector<16x50xi32> to vector<16xi32>
    %broadcast_in_dim3A_306 = vector.shape_cast %reduce_min3A_305 : vector<16xi32> to vector<16x1xi32>
    %ge3A_307 = arith.cmpf oge, %broadcast_in_dim3A_298, %add3A_295 : vector<16x1xf32>
    %jit3A_308 = arith.constant 50 : i32
    %broadcast_in_dim3A_309 = vector.broadcast %jit3A_308 : i32 to vector<16x1xi32>
    %select_n3A_310 = arith.select %ge3A_307, %broadcast_in_dim3A_306, %broadcast_in_dim3A_309 : vector<16x1xi1>, vector<16x1xi32>
    %eq3A_311 = vector.broadcast %select_n3A_310 : vector<16x1xi32> to vector<16x50xi32>
    %eq3A_312 = arith.cmpi eq, %iota3A_109, %eq3A_311 : vector<16x50xi32>
    %or3A_313 = arith.ori %or3A_260, %eq3A_312 : vector<16x50xi1>
    %eq3A_314 = arith.constant 3 : i32
    %eq3A_315 = vector.broadcast %eq3A_314 : i32 to vector<16x50xi32>
    %eq3A_316 = arith.cmpi eq, %iota3A_109, %eq3A_315 : vector<16x50xi32>
    %broadcast_in_dim3A_317 = vector.shape_cast %select_n3A_310 : vector<16x1xi32> to vector<16x1xi32>
    %broadcast_in_dim3A_318 = vector.broadcast %broadcast_in_dim3A_317 : vector<16x1xi32> to vector<16x50xi32>
    %select_n3A_319 = arith.select %eq3A_316, %broadcast_in_dim3A_318, %select_n3A_266 : vector<16x50xi1>, vector<16x50xi32>
    %get3A_320 = arith.constant 0 : index
    %get3A_321 = arith.constant 4 : index
    %get3A_322 = vector.load %arg5[%get3A_320, %get3A_321] : memref<16x50xi32, #tpu.memory_space<vmem>>, vector<16x1xi32>
    %broadcast_in_dim3A_323 = vector.shape_cast %get3A_322 : vector<16x1xi32> to vector<16x1x1xi32>
    %eq3A_324 = vector.broadcast %iota3A : vector<1x50x1xi32> to vector<16x50x1xi32>
    %eq3A_325 = vector.broadcast %broadcast_in_dim3A_323 : vector<16x1x1xi32> to vector<16x50x1xi32>
    %eq3A_326 = arith.cmpi eq, %eq3A_324, %eq3A_325 : vector<16x50x1xi32>
    %jit3A_327 = arith.constant 0.000000e+00 : f32
    %broadcast_in_dim3A_328 = vector.shape_cast %eq3A_326 : vector<16x50x1xi1> to vector<16x50x1xi1>
    %broadcast_in_dim3A_329 = vector.broadcast %broadcast_in_dim3A_328 : vector<16x50x1xi1> to vector<16x50x50xi1>
    %broadcast_in_dim3A_330 = vector.broadcast %jit3A_327 : f32 to vector<16x50x50xf32>
    %select_n3A_331 = arith.select %broadcast_in_dim3A_329, %log3A, %broadcast_in_dim3A_330 : vector<16x50x50xi1>, vector<16x50x50xf32>
    %reduce_sum3A_332 = arith.constant dense<0.000000e+00> : vector<16x50xf32>
    %reduce_sum3A_333 = vector.multi_reduction <add>, %select_n3A_331, %reduce_sum3A_332 [1] : vector<16x50x50xf32> to vector<16x50xf32>
    %broadcast_in_dim3A_334 = vector.broadcast %get3A_108 : f32 to vector<16x50xf32>
    %select_n3A_335 = arith.select %or3A_313, %broadcast_in_dim3A_334, %reduce_sum3A_333 : vector<16x50xi1>, vector<16x50xf32>
    %get3A_336 = arith.constant 0 : index
    %get3A_337 = arith.constant 4 : index
    %get3A_338 = arith.constant 0 : index
    %get3A_339 = vector.load %arg6[%get3A_336, %get3A_337, %get3A_338] : memref<16x50x51xf32, #tpu.memory_space<vmem>>, vector<16x1x50xf32>
    %get3A_340 = vector.shape_cast %get3A_339 : vector<16x1x50xf32> to vector<16x50xf32>
    %add3A_341 = arith.addf %select_n3A_335, %get3A_340 : vector<16x50xf32>
    %get3A_342 = arith.constant 0 : index
    %get3A_343 = arith.constant 4 : index
    %get3A_344 = arith.constant 50 : index
    %get3A_345 = vector.load %arg6[%get3A_342, %get3A_343, %get3A_344] : memref<16x50x51xf32, #tpu.memory_space<vmem>>, vector<16x1x1xf32>
    %get3A_346 = vector.shape_cast %get3A_345 : vector<16x1x1xf32> to vector<16x1xf32>
    %add3A_347 = vector.broadcast %get3A_105 : f32 to vector<16x1xf32>
    %add3A_348 = arith.addf %add3A_347, %get3A_346 : vector<16x1xf32>
    %reduce_max3A_349 = arith.constant dense<0xFF800000> : vector<16xf32>
    %reduce_max3A_350 = vector.multi_reduction <maximumf>, %add3A_341, %reduce_max3A_349 [1] : vector<16x50xf32> to vector<16xf32>
    %broadcast_in_dim3A_351 = vector.shape_cast %reduce_max3A_350 : vector<16xf32> to vector<16x1xf32>
    %eq3A_352 = vector.broadcast %broadcast_in_dim3A_351 : vector<16x1xf32> to vector<16x50xf32>
    %eq3A_353 = arith.cmpf oeq, %add3A_341, %eq3A_352 : vector<16x50xf32>
    %jit3A_354 = arith.constant 51 : i32
    %broadcast_in_dim3A_355 = vector.broadcast %jit3A_354 : i32 to vector<16x50xi32>
    %select_n3A_356 = arith.select %eq3A_353, %iota3A_109, %broadcast_in_dim3A_355 : vector<16x50xi1>, vector<16x50xi32>
    %reduce_min3A_357 = arith.constant dense<2147483647> : vector<16xi32>
    %reduce_min3A_358 = vector.multi_reduction <minsi>, %select_n3A_356, %reduce_min3A_357 [1] : vector<16x50xi32> to vector<16xi32>
    %broadcast_in_dim3A_359 = vector.shape_cast %reduce_min3A_358 : vector<16xi32> to vector<16x1xi32>
    %ge3A_360 = arith.cmpf oge, %broadcast_in_dim3A_351, %add3A_348 : vector<16x1xf32>
    %jit3A_361 = arith.constant 50 : i32
    %broadcast_in_dim3A_362 = vector.broadcast %jit3A_361 : i32 to vector<16x1xi32>
    %select_n3A_363 = arith.select %ge3A_360, %broadcast_in_dim3A_359, %broadcast_in_dim3A_362 : vector<16x1xi1>, vector<16x1xi32>
    %eq3A_364 = vector.broadcast %select_n3A_363 : vector<16x1xi32> to vector<16x50xi32>
    %eq3A_365 = arith.cmpi eq, %iota3A_109, %eq3A_364 : vector<16x50xi32>
    %or3A_366 = arith.ori %or3A_313, %eq3A_365 : vector<16x50xi1>
    %eq3A_367 = arith.constant 4 : i32
    %eq3A_368 = vector.broadcast %eq3A_367 : i32 to vector<16x50xi32>
    %eq3A_369 = arith.cmpi eq, %iota3A_109, %eq3A_368 : vector<16x50xi32>
    %broadcast_in_dim3A_370 = vector.shape_cast %select_n3A_363 : vector<16x1xi32> to vector<16x1xi32>
    %broadcast_in_dim3A_371 = vector.broadcast %broadcast_in_dim3A_370 : vector<16x1xi32> to vector<16x50xi32>
    %select_n3A_372 = arith.select %eq3A_369, %broadcast_in_dim3A_371, %select_n3A_319 : vector<16x50xi1>, vector<16x50xi32>
    %get3A_373 = arith.constant 0 : index
    %get3A_374 = arith.constant 5 : index
    %get3A_375 = vector.load %arg5[%get3A_373, %get3A_374] : memref<16x50xi32, #tpu.memory_space<vmem>>, vector<16x1xi32>
    %broadcast_in_dim3A_376 = vector.shape_cast %get3A_375 : vector<16x1xi32> to vector<16x1x1xi32>
    %eq3A_377 = vector.broadcast %iota3A : vector<1x50x1xi32> to vector<16x50x1xi32>
    %eq3A_378 = vector.broadcast %broadcast_in_dim3A_376 : vector<16x1x1xi32> to vector<16x50x1xi32>
    %eq3A_379 = arith.cmpi eq, %eq3A_377, %eq3A_378 : vector<16x50x1xi32>
    %jit3A_380 = arith.constant 0.000000e+00 : f32
    %broadcast_in_dim3A_381 = vector.shape_cast %eq3A_379 : vector<16x50x1xi1> to vector<16x50x1xi1>
    %broadcast_in_dim3A_382 = vector.broadcast %broadcast_in_dim3A_381 : vector<16x50x1xi1> to vector<16x50x50xi1>
    %broadcast_in_dim3A_383 = vector.broadcast %jit3A_380 : f32 to vector<16x50x50xf32>
    %select_n3A_384 = arith.select %broadcast_in_dim3A_382, %log3A, %broadcast_in_dim3A_383 : vector<16x50x50xi1>, vector<16x50x50xf32>
    %reduce_sum3A_385 = arith.constant dense<0.000000e+00> : vector<16x50xf32>
    %reduce_sum3A_386 = vector.multi_reduction <add>, %select_n3A_384, %reduce_sum3A_385 [1] : vector<16x50x50xf32> to vector<16x50xf32>
    %broadcast_in_dim3A_387 = vector.broadcast %get3A_108 : f32 to vector<16x50xf32>
    %select_n3A_388 = arith.select %or3A_366, %broadcast_in_dim3A_387, %reduce_sum3A_386 : vector<16x50xi1>, vector<16x50xf32>
    %get3A_389 = arith.constant 0 : index
    %get3A_390 = arith.constant 5 : index
    %get3A_391 = arith.constant 0 : index
    %get3A_392 = vector.load %arg6[%get3A_389, %get3A_390, %get3A_391] : memref<16x50x51xf32, #tpu.memory_space<vmem>>, vector<16x1x50xf32>
    %get3A_393 = vector.shape_cast %get3A_392 : vector<16x1x50xf32> to vector<16x50xf32>
    %add3A_394 = arith.addf %select_n3A_388, %get3A_393 : vector<16x50xf32>
    %get3A_395 = arith.constant 0 : index
    %get3A_396 = arith.constant 5 : index
    %get3A_397 = arith.constant 50 : index
    %get3A_398 = vector.load %arg6[%get3A_395, %get3A_396, %get3A_397] : memref<16x50x51xf32, #tpu.memory_space<vmem>>, vector<16x1x1xf32>
    %get3A_399 = vector.shape_cast %get3A_398 : vector<16x1x1xf32> to vector<16x1xf32>
    %add3A_400 = vector.broadcast %get3A_105 : f32 to vector<16x1xf32>
    %add3A_401 = arith.addf %add3A_400, %get3A_399 : vector<16x1xf32>
    %reduce_max3A_402 = arith.constant dense<0xFF800000> : vector<16xf32>
    %reduce_max3A_403 = vector.multi_reduction <maximumf>, %add3A_394, %reduce_max3A_402 [1] : vector<16x50xf32> to vector<16xf32>
    %broadcast_in_dim3A_404 = vector.shape_cast %reduce_max3A_403 : vector<16xf32> to vector<16x1xf32>
    %eq3A_405 = vector.broadcast %broadcast_in_dim3A_404 : vector<16x1xf32> to vector<16x50xf32>
    %eq3A_406 = arith.cmpf oeq, %add3A_394, %eq3A_405 : vector<16x50xf32>
    %jit3A_407 = arith.constant 51 : i32
    %broadcast_in_dim3A_408 = vector.broadcast %jit3A_407 : i32 to vector<16x50xi32>
    %select_n3A_409 = arith.select %eq3A_406, %iota3A_109, %broadcast_in_dim3A_408 : vector<16x50xi1>, vector<16x50xi32>
    %reduce_min3A_410 = arith.constant dense<2147483647> : vector<16xi32>
    %reduce_min3A_411 = vector.multi_reduction <minsi>, %select_n3A_409, %reduce_min3A_410 [1] : vector<16x50xi32> to vector<16xi32>
    %broadcast_in_dim3A_412 = vector.shape_cast %reduce_min3A_411 : vector<16xi32> to vector<16x1xi32>
    %ge3A_413 = arith.cmpf oge, %broadcast_in_dim3A_404, %add3A_401 : vector<16x1xf32>
    %jit3A_414 = arith.constant 50 : i32
    %broadcast_in_dim3A_415 = vector.broadcast %jit3A_414 : i32 to vector<16x1xi32>
    %select_n3A_416 = arith.select %ge3A_413, %broadcast_in_dim3A_412, %broadcast_in_dim3A_415 : vector<16x1xi1>, vector<16x1xi32>
    %eq3A_417 = vector.broadcast %select_n3A_416 : vector<16x1xi32> to vector<16x50xi32>
    %eq3A_418 = arith.cmpi eq, %iota3A_109, %eq3A_417 : vector<16x50xi32>
    %or3A_419 = arith.ori %or3A_366, %eq3A_418 : vector<16x50xi1>
    %eq3A_420 = arith.constant 5 : i32
    %eq3A_421 = vector.broadcast %eq3A_420 : i32 to vector<16x50xi32>
    %eq3A_422 = arith.cmpi eq, %iota3A_109, %eq3A_421 : vector<16x50xi32>
    %broadcast_in_dim3A_423 = vector.shape_cast %select_n3A_416 : vector<16x1xi32> to vector<16x1xi32>
    %broadcast_in_dim3A_424 = vector.broadcast %broadcast_in_dim3A_423 : vector<16x1xi32> to vector<16x50xi32>
    %select_n3A_425 = arith.select %eq3A_422, %broadcast_in_dim3A_424, %select_n3A_372 : vector<16x50xi1>, vector<16x50xi32>
    %get3A_426 = arith.constant 0 : index
    %get3A_427 = arith.constant 6 : index
    %get3A_428 = vector.load %arg5[%get3A_426, %get3A_427] : memref<16x50xi32, #tpu.memory_space<vmem>>, vector<16x1xi32>
    %broadcast_in_dim3A_429 = vector.shape_cast %get3A_428 : vector<16x1xi32> to vector<16x1x1xi32>
    %eq3A_430 = vector.broadcast %iota3A : vector<1x50x1xi32> to vector<16x50x1xi32>
    %eq3A_431 = vector.broadcast %broadcast_in_dim3A_429 : vector<16x1x1xi32> to vector<16x50x1xi32>
    %eq3A_432 = arith.cmpi eq, %eq3A_430, %eq3A_431 : vector<16x50x1xi32>
    %jit3A_433 = arith.constant 0.000000e+00 : f32
    %broadcast_in_dim3A_434 = vector.shape_cast %eq3A_432 : vector<16x50x1xi1> to vector<16x50x1xi1>
    %broadcast_in_dim3A_435 = vector.broadcast %broadcast_in_dim3A_434 : vector<16x50x1xi1> to vector<16x50x50xi1>
    %broadcast_in_dim3A_436 = vector.broadcast %jit3A_433 : f32 to vector<16x50x50xf32>
    %select_n3A_437 = arith.select %broadcast_in_dim3A_435, %log3A, %broadcast_in_dim3A_436 : vector<16x50x50xi1>, vector<16x50x50xf32>
    %reduce_sum3A_438 = arith.constant dense<0.000000e+00> : vector<16x50xf32>
    %reduce_sum3A_439 = vector.multi_reduction <add>, %select_n3A_437, %reduce_sum3A_438 [1] : vector<16x50x50xf32> to vector<16x50xf32>
    %broadcast_in_dim3A_440 = vector.broadcast %get3A_108 : f32 to vector<16x50xf32>
    %select_n3A_441 = arith.select %or3A_419, %broadcast_in_dim3A_440, %reduce_sum3A_439 : vector<16x50xi1>, vector<16x50xf32>
    %get3A_442 = arith.constant 0 : index
    %get3A_443 = arith.constant 6 : index
    %get3A_444 = arith.constant 0 : index
    %get3A_445 = vector.load %arg6[%get3A_442, %get3A_443, %get3A_444] : memref<16x50x51xf32, #tpu.memory_space<vmem>>, vector<16x1x50xf32>
    %get3A_446 = vector.shape_cast %get3A_445 : vector<16x1x50xf32> to vector<16x50xf32>
    %add3A_447 = arith.addf %select_n3A_441, %get3A_446 : vector<16x50xf32>
    %get3A_448 = arith.constant 0 : index
    %get3A_449 = arith.constant 6 : index
    %get3A_450 = arith.constant 50 : index
    %get3A_451 = vector.load %arg6[%get3A_448, %get3A_449, %get3A_450] : memref<16x50x51xf32, #tpu.memory_space<vmem>>, vector<16x1x1xf32>
    %get3A_452 = vector.shape_cast %get3A_451 : vector<16x1x1xf32> to vector<16x1xf32>
    %add3A_453 = vector.broadcast %get3A_105 : f32 to vector<16x1xf32>
    %add3A_454 = arith.addf %add3A_453, %get3A_452 : vector<16x1xf32>
    %reduce_max3A_455 = arith.constant dense<0xFF800000> : vector<16xf32>
    %reduce_max3A_456 = vector.multi_reduction <maximumf>, %add3A_447, %reduce_max3A_455 [1] : vector<16x50xf32> to vector<16xf32>
    %broadcast_in_dim3A_457 = vector.shape_cast %reduce_max3A_456 : vector<16xf32> to vector<16x1xf32>
    %eq3A_458 = vector.broadcast %broadcast_in_dim3A_457 : vector<16x1xf32> to vector<16x50xf32>
    %eq3A_459 = arith.cmpf oeq, %add3A_447, %eq3A_458 : vector<16x50xf32>
    %jit3A_460 = arith.constant 51 : i32
    %broadcast_in_dim3A_461 = vector.broadcast %jit3A_460 : i32 to vector<16x50xi32>
    %select_n3A_462 = arith.select %eq3A_459, %iota3A_109, %broadcast_in_dim3A_461 : vector<16x50xi1>, vector<16x50xi32>
    %reduce_min3A_463 = arith.constant dense<2147483647> : vector<16xi32>
    %reduce_min3A_464 = vector.multi_reduction <minsi>, %select_n3A_462, %reduce_min3A_463 [1] : vector<16x50xi32> to vector<16xi32>
    %broadcast_in_dim3A_465 = vector.shape_cast %reduce_min3A_464 : vector<16xi32> to vector<16x1xi32>
    %ge3A_466 = arith.cmpf oge, %broadcast_in_dim3A_457, %add3A_454 : vector<16x1xf32>
    %jit3A_467 = arith.constant 50 : i32
    %broadcast_in_dim3A_468 = vector.broadcast %jit3A_467 : i32 to vector<16x1xi32>
    %select_n3A_469 = arith.select %ge3A_466, %broadcast_in_dim3A_465, %broadcast_in_dim3A_468 : vector<16x1xi1>, vector<16x1xi32>
    %eq3A_470 = vector.broadcast %select_n3A_469 : vector<16x1xi32> to vector<16x50xi32>
    %eq3A_471 = arith.cmpi eq, %iota3A_109, %eq3A_470 : vector<16x50xi32>
    %or3A_472 = arith.ori %or3A_419, %eq3A_471 : vector<16x50xi1>
    %eq3A_473 = arith.constant 6 : i32
    %eq3A_474 = vector.broadcast %eq3A_473 : i32 to vector<16x50xi32>
    %eq3A_475 = arith.cmpi eq, %iota3A_109, %eq3A_474 : vector<16x50xi32>
    %broadcast_in_dim3A_476 = vector.shape_cast %select_n3A_469 : vector<16x1xi32> to vector<16x1xi32>
    %broadcast_in_dim3A_477 = vector.broadcast %broadcast_in_dim3A_476 : vector<16x1xi32> to vector<16x50xi32>
    %select_n3A_478 = arith.select %eq3A_475, %broadcast_in_dim3A_477, %select_n3A_425 : vector<16x50xi1>, vector<16x50xi32>
    %get3A_479 = arith.constant 0 : index
    %get3A_480 = arith.constant 7 : index
    %get3A_481 = vector.load %arg5[%get3A_479, %get3A_480] : memref<16x50xi32, #tpu.memory_space<vmem>>, vector<16x1xi32>
    %broadcast_in_dim3A_482 = vector.shape_cast %get3A_481 : vector<16x1xi32> to vector<16x1x1xi32>
    %eq3A_483 = vector.broadcast %iota3A : vector<1x50x1xi32> to vector<16x50x1xi32>
    %eq3A_484 = vector.broadcast %broadcast_in_dim3A_482 : vector<16x1x1xi32> to vector<16x50x1xi32>
    %eq3A_485 = arith.cmpi eq, %eq3A_483, %eq3A_484 : vector<16x50x1xi32>
    %jit3A_486 = arith.constant 0.000000e+00 : f32
    %broadcast_in_dim3A_487 = vector.shape_cast %eq3A_485 : vector<16x50x1xi1> to vector<16x50x1xi1>
    %broadcast_in_dim3A_488 = vector.broadcast %broadcast_in_dim3A_487 : vector<16x50x1xi1> to vector<16x50x50xi1>
    %broadcast_in_dim3A_489 = vector.broadcast %jit3A_486 : f32 to vector<16x50x50xf32>
    %select_n3A_490 = arith.select %broadcast_in_dim3A_488, %log3A, %broadcast_in_dim3A_489 : vector<16x50x50xi1>, vector<16x50x50xf32>
    %reduce_sum3A_491 = arith.constant dense<0.000000e+00> : vector<16x50xf32>
    %reduce_sum3A_492 = vector.multi_reduction <add>, %select_n3A_490, %reduce_sum3A_491 [1] : vector<16x50x50xf32> to vector<16x50xf32>
    %broadcast_in_dim3A_493 = vector.broadcast %get3A_108 : f32 to vector<16x50xf32>
    %select_n3A_494 = arith.select %or3A_472, %broadcast_in_dim3A_493, %reduce_sum3A_492 : vector<16x50xi1>, vector<16x50xf32>
    %get3A_495 = arith.constant 0 : index
    %get3A_496 = arith.constant 7 : index
    %get3A_497 = arith.constant 0 : index
    %get3A_498 = vector.load %arg6[%get3A_495, %get3A_496, %get3A_497] : memref<16x50x51xf32, #tpu.memory_space<vmem>>, vector<16x1x50xf32>
    %get3A_499 = vector.shape_cast %get3A_498 : vector<16x1x50xf32> to vector<16x50xf32>
    %add3A_500 = arith.addf %select_n3A_494, %get3A_499 : vector<16x50xf32>
    %get3A_501 = arith.constant 0 : index
    %get3A_502 = arith.constant 7 : index
    %get3A_503 = arith.constant 50 : index
    %get3A_504 = vector.load %arg6[%get3A_501, %get3A_502, %get3A_503] : memref<16x50x51xf32, #tpu.memory_space<vmem>>, vector<16x1x1xf32>
    %get3A_505 = vector.shape_cast %get3A_504 : vector<16x1x1xf32> to vector<16x1xf32>
    %add3A_506 = vector.broadcast %get3A_105 : f32 to vector<16x1xf32>
    %add3A_507 = arith.addf %add3A_506, %get3A_505 : vector<16x1xf32>
    %reduce_max3A_508 = arith.constant dense<0xFF800000> : vector<16xf32>
    %reduce_max3A_509 = vector.multi_reduction <maximumf>, %add3A_500, %reduce_max3A_508 [1] : vector<16x50xf32> to vector<16xf32>
    %broadcast_in_dim3A_510 = vector.shape_cast %reduce_max3A_509 : vector<16xf32> to vector<16x1xf32>
    %eq3A_511 = vector.broadcast %broadcast_in_dim3A_510 : vector<16x1xf32> to vector<16x50xf32>
    %eq3A_512 = arith.cmpf oeq, %add3A_500, %eq3A_511 : vector<16x50xf32>
    %jit3A_513 = arith.constant 51 : i32
    %broadcast_in_dim3A_514 = vector.broadcast %jit3A_513 : i32 to vector<16x50xi32>
    %select_n3A_515 = arith.select %eq3A_512, %iota3A_109, %broadcast_in_dim3A_514 : vector<16x50xi1>, vector<16x50xi32>
    %reduce_min3A_516 = arith.constant dense<2147483647> : vector<16xi32>
    %reduce_min3A_517 = vector.multi_reduction <minsi>, %select_n3A_515, %reduce_min3A_516 [1] : vector<16x50xi32> to vector<16xi32>
    %broadcast_in_dim3A_518 = vector.shape_cast %reduce_min3A_517 : vector<16xi32> to vector<16x1xi32>
    %ge3A_519 = arith.cmpf oge, %broadcast_in_dim3A_510, %add3A_507 : vector<16x1xf32>
    %jit3A_520 = arith.constant 50 : i32
    %broadcast_in_dim3A_521 = vector.broadcast %jit3A_520 : i32 to vector<16x1xi32>
    %select_n3A_522 = arith.select %ge3A_519, %broadcast_in_dim3A_518, %broadcast_in_dim3A_521 : vector<16x1xi1>, vector<16x1xi32>
    %eq3A_523 = vector.broadcast %select_n3A_522 : vector<16x1xi32> to vector<16x50xi32>
    %eq3A_524 = arith.cmpi eq, %iota3A_109, %eq3A_523 : vector<16x50xi32>
    %or3A_525 = arith.ori %or3A_472, %eq3A_524 : vector<16x50xi1>
    %eq3A_526 = arith.constant 7 : i32
    %eq3A_527 = vector.broadcast %eq3A_526 : i32 to vector<16x50xi32>
    %eq3A_528 = arith.cmpi eq, %iota3A_109, %eq3A_527 : vector<16x50xi32>
    %broadcast_in_dim3A_529 = vector.shape_cast %select_n3A_522 : vector<16x1xi32> to vector<16x1xi32>
    %broadcast_in_dim3A_530 = vector.broadcast %broadcast_in_dim3A_529 : vector<16x1xi32> to vector<16x50xi32>
    %select_n3A_531 = arith.select %eq3A_528, %broadcast_in_dim3A_530, %select_n3A_478 : vector<16x50xi1>, vector<16x50xi32>
    %get3A_532 = arith.constant 0 : index
    %get3A_533 = arith.constant 8 : index
    %get3A_534 = vector.load %arg5[%get3A_532, %get3A_533] : memref<16x50xi32, #tpu.memory_space<vmem>>, vector<16x1xi32>
    %broadcast_in_dim3A_535 = vector.shape_cast %get3A_534 : vector<16x1xi32> to vector<16x1x1xi32>
    %eq3A_536 = vector.broadcast %iota3A : vector<1x50x1xi32> to vector<16x50x1xi32>
    %eq3A_537 = vector.broadcast %broadcast_in_dim3A_535 : vector<16x1x1xi32> to vector<16x50x1xi32>
    %eq3A_538 = arith.cmpi eq, %eq3A_536, %eq3A_537 : vector<16x50x1xi32>
    %jit3A_539 = arith.constant 0.000000e+00 : f32
    %broadcast_in_dim3A_540 = vector.shape_cast %eq3A_538 : vector<16x50x1xi1> to vector<16x50x1xi1>
    %broadcast_in_dim3A_541 = vector.broadcast %broadcast_in_dim3A_540 : vector<16x50x1xi1> to vector<16x50x50xi1>
    %broadcast_in_dim3A_542 = vector.broadcast %jit3A_539 : f32 to vector<16x50x50xf32>
    %select_n3A_543 = arith.select %broadcast_in_dim3A_541, %log3A, %broadcast_in_dim3A_542 : vector<16x50x50xi1>, vector<16x50x50xf32>
    %reduce_sum3A_544 = arith.constant dense<0.000000e+00> : vector<16x50xf32>
    %reduce_sum3A_545 = vector.multi_reduction <add>, %select_n3A_543, %reduce_sum3A_544 [1] : vector<16x50x50xf32> to vector<16x50xf32>
    %broadcast_in_dim3A_546 = vector.broadcast %get3A_108 : f32 to vector<16x50xf32>
    %select_n3A_547 = arith.select %or3A_525, %broadcast_in_dim3A_546, %reduce_sum3A_545 : vector<16x50xi1>, vector<16x50xf32>
    %get3A_548 = arith.constant 0 : index
    %get3A_549 = arith.constant 8 : index
    %get3A_550 = arith.constant 0 : index
    %get3A_551 = vector.load %arg6[%get3A_548, %get3A_549, %get3A_550] : memref<16x50x51xf32, #tpu.memory_space<vmem>>, vector<16x1x50xf32>
    %get3A_552 = vector.shape_cast %get3A_551 : vector<16x1x50xf32> to vector<16x50xf32>
    %add3A_553 = arith.addf %select_n3A_547, %get3A_552 : vector<16x50xf32>
    %get3A_554 = arith.constant 0 : index
    %get3A_555 = arith.constant 8 : index
    %get3A_556 = arith.constant 50 : index
    %get3A_557 = vector.load %arg6[%get3A_554, %get3A_555, %get3A_556] : memref<16x50x51xf32, #tpu.memory_space<vmem>>, vector<16x1x1xf32>
    %get3A_558 = vector.shape_cast %get3A_557 : vector<16x1x1xf32> to vector<16x1xf32>
    %add3A_559 = vector.broadcast %get3A_105 : f32 to vector<16x1xf32>
    %add3A_560 = arith.addf %add3A_559, %get3A_558 : vector<16x1xf32>
    %reduce_max3A_561 = arith.constant dense<0xFF800000> : vector<16xf32>
    %reduce_max3A_562 = vector.multi_reduction <maximumf>, %add3A_553, %reduce_max3A_561 [1] : vector<16x50xf32> to vector<16xf32>
    %broadcast_in_dim3A_563 = vector.shape_cast %reduce_max3A_562 : vector<16xf32> to vector<16x1xf32>
    %eq3A_564 = vector.broadcast %broadcast_in_dim3A_563 : vector<16x1xf32> to vector<16x50xf32>
    %eq3A_565 = arith.cmpf oeq, %add3A_553, %eq3A_564 : vector<16x50xf32>
    %jit3A_566 = arith.constant 51 : i32
    %broadcast_in_dim3A_567 = vector.broadcast %jit3A_566 : i32 to vector<16x50xi32>
    %select_n3A_568 = arith.select %eq3A_565, %iota3A_109, %broadcast_in_dim3A_567 : vector<16x50xi1>, vector<16x50xi32>
    %reduce_min3A_569 = arith.constant dense<2147483647> : vector<16xi32>
    %reduce_min3A_570 = vector.multi_reduction <minsi>, %select_n3A_568, %reduce_min3A_569 [1] : vector<16x50xi32> to vector<16xi32>
    %broadcast_in_dim3A_571 = vector.shape_cast %reduce_min3A_570 : vector<16xi32> to vector<16x1xi32>
    %ge3A_572 = arith.cmpf oge, %broadcast_in_dim3A_563, %add3A_560 : vector<16x1xf32>
    %jit3A_573 = arith.constant 50 : i32
    %broadcast_in_dim3A_574 = vector.broadcast %jit3A_573 : i32 to vector<16x1xi32>
    %select_n3A_575 = arith.select %ge3A_572, %broadcast_in_dim3A_571, %broadcast_in_dim3A_574 : vector<16x1xi1>, vector<16x1xi32>
    %eq3A_576 = vector.broadcast %select_n3A_575 : vector<16x1xi32> to vector<16x50xi32>
    %eq3A_577 = arith.cmpi eq, %iota3A_109, %eq3A_576 : vector<16x50xi32>
    %or3A_578 = arith.ori %or3A_525, %eq3A_577 : vector<16x50xi1>
    %eq3A_579 = arith.constant 8 : i32
    %eq3A_580 = vector.broadcast %eq3A_579 : i32 to vector<16x50xi32>
    %eq3A_581 = arith.cmpi eq, %iota3A_109, %eq3A_580 : vector<16x50xi32>
    %broadcast_in_dim3A_582 = vector.shape_cast %select_n3A_575 : vector<16x1xi32> to vector<16x1xi32>
    %broadcast_in_dim3A_583 = vector.broadcast %broadcast_in_dim3A_582 : vector<16x1xi32> to vector<16x50xi32>
    %select_n3A_584 = arith.select %eq3A_581, %broadcast_in_dim3A_583, %select_n3A_531 : vector<16x50xi1>, vector<16x50xi32>
    %get3A_585 = arith.constant 0 : index
    %get3A_586 = arith.constant 9 : index
    %get3A_587 = vector.load %arg5[%get3A_585, %get3A_586] : memref<16x50xi32, #tpu.memory_space<vmem>>, vector<16x1xi32>
    %broadcast_in_dim3A_588 = vector.shape_cast %get3A_587 : vector<16x1xi32> to vector<16x1x1xi32>
    %eq3A_589 = vector.broadcast %iota3A : vector<1x50x1xi32> to vector<16x50x1xi32>
    %eq3A_590 = vector.broadcast %broadcast_in_dim3A_588 : vector<16x1x1xi32> to vector<16x50x1xi32>
    %eq3A_591 = arith.cmpi eq, %eq3A_589, %eq3A_590 : vector<16x50x1xi32>
    %jit3A_592 = arith.constant 0.000000e+00 : f32
    %broadcast_in_dim3A_593 = vector.shape_cast %eq3A_591 : vector<16x50x1xi1> to vector<16x50x1xi1>
    %broadcast_in_dim3A_594 = vector.broadcast %broadcast_in_dim3A_593 : vector<16x50x1xi1> to vector<16x50x50xi1>
    %broadcast_in_dim3A_595 = vector.broadcast %jit3A_592 : f32 to vector<16x50x50xf32>
    %select_n3A_596 = arith.select %broadcast_in_dim3A_594, %log3A, %broadcast_in_dim3A_595 : vector<16x50x50xi1>, vector<16x50x50xf32>
    %reduce_sum3A_597 = arith.constant dense<0.000000e+00> : vector<16x50xf32>
    %reduce_sum3A_598 = vector.multi_reduction <add>, %select_n3A_596, %reduce_sum3A_597 [1] : vector<16x50x50xf32> to vector<16x50xf32>
    %broadcast_in_dim3A_599 = vector.broadcast %get3A_108 : f32 to vector<16x50xf32>
    %select_n3A_600 = arith.select %or3A_578, %broadcast_in_dim3A_599, %reduce_sum3A_598 : vector<16x50xi1>, vector<16x50xf32>
    %get3A_601 = arith.constant 0 : index
    %get3A_602 = arith.constant 9 : index
    %get3A_603 = arith.constant 0 : index
    %get3A_604 = vector.load %arg6[%get3A_601, %get3A_602, %get3A_603] : memref<16x50x51xf32, #tpu.memory_space<vmem>>, vector<16x1x50xf32>
    %get3A_605 = vector.shape_cast %get3A_604 : vector<16x1x50xf32> to vector<16x50xf32>
    %add3A_606 = arith.addf %select_n3A_600, %get3A_605 : vector<16x50xf32>
    %get3A_607 = arith.constant 0 : index
    %get3A_608 = arith.constant 9 : index
    %get3A_609 = arith.constant 50 : index
    %get3A_610 = vector.load %arg6[%get3A_607, %get3A_608, %get3A_609] : memref<16x50x51xf32, #tpu.memory_space<vmem>>, vector<16x1x1xf32>
    %get3A_611 = vector.shape_cast %get3A_610 : vector<16x1x1xf32> to vector<16x1xf32>
    %add3A_612 = vector.broadcast %get3A_105 : f32 to vector<16x1xf32>
    %add3A_613 = arith.addf %add3A_612, %get3A_611 : vector<16x1xf32>
    %reduce_max3A_614 = arith.constant dense<0xFF800000> : vector<16xf32>
    %reduce_max3A_615 = vector.multi_reduction <maximumf>, %add3A_606, %reduce_max3A_614 [1] : vector<16x50xf32> to vector<16xf32>
    %broadcast_in_dim3A_616 = vector.shape_cast %reduce_max3A_615 : vector<16xf32> to vector<16x1xf32>
    %eq3A_617 = vector.broadcast %broadcast_in_dim3A_616 : vector<16x1xf32> to vector<16x50xf32>
    %eq3A_618 = arith.cmpf oeq, %add3A_606, %eq3A_617 : vector<16x50xf32>
    %jit3A_619 = arith.constant 51 : i32
    %broadcast_in_dim3A_620 = vector.broadcast %jit3A_619 : i32 to vector<16x50xi32>
    %select_n3A_621 = arith.select %eq3A_618, %iota3A_109, %broadcast_in_dim3A_620 : vector<16x50xi1>, vector<16x50xi32>
    %reduce_min3A_622 = arith.constant dense<2147483647> : vector<16xi32>
    %reduce_min3A_623 = vector.multi_reduction <minsi>, %select_n3A_621, %reduce_min3A_622 [1] : vector<16x50xi32> to vector<16xi32>
    %broadcast_in_dim3A_624 = vector.shape_cast %reduce_min3A_623 : vector<16xi32> to vector<16x1xi32>
    %ge3A_625 = arith.cmpf oge, %broadcast_in_dim3A_616, %add3A_613 : vector<16x1xf32>
    %jit3A_626 = arith.constant 50 : i32
    %broadcast_in_dim3A_627 = vector.broadcast %jit3A_626 : i32 to vector<16x1xi32>
    %select_n3A_628 = arith.select %ge3A_625, %broadcast_in_dim3A_624, %broadcast_in_dim3A_627 : vector<16x1xi1>, vector<16x1xi32>
    %eq3A_629 = vector.broadcast %select_n3A_628 : vector<16x1xi32> to vector<16x50xi32>
    %eq3A_630 = arith.cmpi eq, %iota3A_109, %eq3A_629 : vector<16x50xi32>
    %or3A_631 = arith.ori %or3A_578, %eq3A_630 : vector<16x50xi1>
    %eq3A_632 = arith.constant 9 : i32
    %eq3A_633 = vector.broadcast %eq3A_632 : i32 to vector<16x50xi32>
    %eq3A_634 = arith.cmpi eq, %iota3A_109, %eq3A_633 : vector<16x50xi32>
    %broadcast_in_dim3A_635 = vector.shape_cast %select_n3A_628 : vector<16x1xi32> to vector<16x1xi32>
    %broadcast_in_dim3A_636 = vector.broadcast %broadcast_in_dim3A_635 : vector<16x1xi32> to vector<16x50xi32>
    %select_n3A_637 = arith.select %eq3A_634, %broadcast_in_dim3A_636, %select_n3A_584 : vector<16x50xi1>, vector<16x50xi32>
    %get3A_638 = arith.constant 0 : index
    %get3A_639 = arith.constant 10 : index
    %get3A_640 = vector.load %arg5[%get3A_638, %get3A_639] : memref<16x50xi32, #tpu.memory_space<vmem>>, vector<16x1xi32>
    %broadcast_in_dim3A_641 = vector.shape_cast %get3A_640 : vector<16x1xi32> to vector<16x1x1xi32>
    %eq3A_642 = vector.broadcast %iota3A : vector<1x50x1xi32> to vector<16x50x1xi32>
    %eq3A_643 = vector.broadcast %broadcast_in_dim3A_641 : vector<16x1x1xi32> to vector<16x50x1xi32>
    %eq3A_644 = arith.cmpi eq, %eq3A_642, %eq3A_643 : vector<16x50x1xi32>
    %jit3A_645 = arith.constant 0.000000e+00 : f32
    %broadcast_in_dim3A_646 = vector.shape_cast %eq3A_644 : vector<16x50x1xi1> to vector<16x50x1xi1>
    %broadcast_in_dim3A_647 = vector.broadcast %broadcast_in_dim3A_646 : vector<16x50x1xi1> to vector<16x50x50xi1>
    %broadcast_in_dim3A_648 = vector.broadcast %jit3A_645 : f32 to vector<16x50x50xf32>
    %select_n3A_649 = arith.select %broadcast_in_dim3A_647, %log3A, %broadcast_in_dim3A_648 : vector<16x50x50xi1>, vector<16x50x50xf32>
    %reduce_sum3A_650 = arith.constant dense<0.000000e+00> : vector<16x50xf32>
    %reduce_sum3A_651 = vector.multi_reduction <add>, %select_n3A_649, %reduce_sum3A_650 [1] : vector<16x50x50xf32> to vector<16x50xf32>
    %broadcast_in_dim3A_652 = vector.broadcast %get3A_108 : f32 to vector<16x50xf32>
    %select_n3A_653 = arith.select %or3A_631, %broadcast_in_dim3A_652, %reduce_sum3A_651 : vector<16x50xi1>, vector<16x50xf32>
    %get3A_654 = arith.constant 0 : index
    %get3A_655 = arith.constant 10 : index
    %get3A_656 = arith.constant 0 : index
    %get3A_657 = vector.load %arg6[%get3A_654, %get3A_655, %get3A_656] : memref<16x50x51xf32, #tpu.memory_space<vmem>>, vector<16x1x50xf32>
    %get3A_658 = vector.shape_cast %get3A_657 : vector<16x1x50xf32> to vector<16x50xf32>
    %add3A_659 = arith.addf %select_n3A_653, %get3A_658 : vector<16x50xf32>
    %get3A_660 = arith.constant 0 : index
    %get3A_661 = arith.constant 10 : index
    %get3A_662 = arith.constant 50 : index
    %get3A_663 = vector.load %arg6[%get3A_660, %get3A_661, %get3A_662] : memref<16x50x51xf32, #tpu.memory_space<vmem>>, vector<16x1x1xf32>
    %get3A_664 = vector.shape_cast %get3A_663 : vector<16x1x1xf32> to vector<16x1xf32>
    %add3A_665 = vector.broadcast %get3A_105 : f32 to vector<16x1xf32>
    %add3A_666 = arith.addf %add3A_665, %get3A_664 : vector<16x1xf32>
    %reduce_max3A_667 = arith.constant dense<0xFF800000> : vector<16xf32>
    %reduce_max3A_668 = vector.multi_reduction <maximumf>, %add3A_659, %reduce_max3A_667 [1] : vector<16x50xf32> to vector<16xf32>
    %broadcast_in_dim3A_669 = vector.shape_cast %reduce_max3A_668 : vector<16xf32> to vector<16x1xf32>
    %eq3A_670 = vector.broadcast %broadcast_in_dim3A_669 : vector<16x1xf32> to vector<16x50xf32>
    %eq3A_671 = arith.cmpf oeq, %add3A_659, %eq3A_670 : vector<16x50xf32>
    %jit3A_672 = arith.constant 51 : i32
    %broadcast_in_dim3A_673 = vector.broadcast %jit3A_672 : i32 to vector<16x50xi32>
    %select_n3A_674 = arith.select %eq3A_671, %iota3A_109, %broadcast_in_dim3A_673 : vector<16x50xi1>, vector<16x50xi32>
    %reduce_min3A_675 = arith.constant dense<2147483647> : vector<16xi32>
    %reduce_min3A_676 = vector.multi_reduction <minsi>, %select_n3A_674, %reduce_min3A_675 [1] : vector<16x50xi32> to vector<16xi32>
    %broadcast_in_dim3A_677 = vector.shape_cast %reduce_min3A_676 : vector<16xi32> to vector<16x1xi32>
    %ge3A_678 = arith.cmpf oge, %broadcast_in_dim3A_669, %add3A_666 : vector<16x1xf32>
    %jit3A_679 = arith.constant 50 : i32
    %broadcast_in_dim3A_680 = vector.broadcast %jit3A_679 : i32 to vector<16x1xi32>
    %select_n3A_681 = arith.select %ge3A_678, %broadcast_in_dim3A_677, %broadcast_in_dim3A_680 : vector<16x1xi1>, vector<16x1xi32>
    %eq3A_682 = vector.broadcast %select_n3A_681 : vector<16x1xi32> to vector<16x50xi32>
    %eq3A_683 = arith.cmpi eq, %iota3A_109, %eq3A_682 : vector<16x50xi32>
    %or3A_684 = arith.ori %or3A_631, %eq3A_683 : vector<16x50xi1>
    %eq3A_685 = arith.constant 10 : i32
    %eq3A_686 = vector.broadcast %eq3A_685 : i32 to vector<16x50xi32>
    %eq3A_687 = arith.cmpi eq, %iota3A_109, %eq3A_686 : vector<16x50xi32>
    %broadcast_in_dim3A_688 = vector.shape_cast %select_n3A_681 : vector<16x1xi32> to vector<16x1xi32>
    %broadcast_in_dim3A_689 = vector.broadcast %broadcast_in_dim3A_688 : vector<16x1xi32> to vector<16x50xi32>
    %select_n3A_690 = arith.select %eq3A_687, %broadcast_in_dim3A_689, %select_n3A_637 : vector<16x50xi1>, vector<16x50xi32>
    %get3A_691 = arith.constant 0 : index
    %get3A_692 = arith.constant 11 : index
    %get3A_693 = vector.load %arg5[%get3A_691, %get3A_692] : memref<16x50xi32, #tpu.memory_space<vmem>>, vector<16x1xi32>
    %broadcast_in_dim3A_694 = vector.shape_cast %get3A_693 : vector<16x1xi32> to vector<16x1x1xi32>
    %eq3A_695 = vector.broadcast %iota3A : vector<1x50x1xi32> to vector<16x50x1xi32>
    %eq3A_696 = vector.broadcast %broadcast_in_dim3A_694 : vector<16x1x1xi32> to vector<16x50x1xi32>
    %eq3A_697 = arith.cmpi eq, %eq3A_695, %eq3A_696 : vector<16x50x1xi32>
    %jit3A_698 = arith.constant 0.000000e+00 : f32
    %broadcast_in_dim3A_699 = vector.shape_cast %eq3A_697 : vector<16x50x1xi1> to vector<16x50x1xi1>
    %broadcast_in_dim3A_700 = vector.broadcast %broadcast_in_dim3A_699 : vector<16x50x1xi1> to vector<16x50x50xi1>
    %broadcast_in_dim3A_701 = vector.broadcast %jit3A_698 : f32 to vector<16x50x50xf32>
    %select_n3A_702 = arith.select %broadcast_in_dim3A_700, %log3A, %broadcast_in_dim3A_701 : vector<16x50x50xi1>, vector<16x50x50xf32>
    %reduce_sum3A_703 = arith.constant dense<0.000000e+00> : vector<16x50xf32>
    %reduce_sum3A_704 = vector.multi_reduction <add>, %select_n3A_702, %reduce_sum3A_703 [1] : vector<16x50x50xf32> to vector<16x50xf32>
    %broadcast_in_dim3A_705 = vector.broadcast %get3A_108 : f32 to vector<16x50xf32>
    %select_n3A_706 = arith.select %or3A_684, %broadcast_in_dim3A_705, %reduce_sum3A_704 : vector<16x50xi1>, vector<16x50xf32>
    %get3A_707 = arith.constant 0 : index
    %get3A_708 = arith.constant 11 : index
    %get3A_709 = arith.constant 0 : index
    %get3A_710 = vector.load %arg6[%get3A_707, %get3A_708, %get3A_709] : memref<16x50x51xf32, #tpu.memory_space<vmem>>, vector<16x1x50xf32>
    %get3A_711 = vector.shape_cast %get3A_710 : vector<16x1x50xf32> to vector<16x50xf32>
    %add3A_712 = arith.addf %select_n3A_706, %get3A_711 : vector<16x50xf32>
    %get3A_713 = arith.constant 0 : index
    %get3A_714 = arith.constant 11 : index
    %get3A_715 = arith.constant 50 : index
    %get3A_716 = vector.load %arg6[%get3A_713, %get3A_714, %get3A_715] : memref<16x50x51xf32, #tpu.memory_space<vmem>>, vector<16x1x1xf32>
    %get3A_717 = vector.shape_cast %get3A_716 : vector<16x1x1xf32> to vector<16x1xf32>
    %add3A_718 = vector.broadcast %get3A_105 : f32 to vector<16x1xf32>
    %add3A_719 = arith.addf %add3A_718, %get3A_717 : vector<16x1xf32>
    %reduce_max3A_720 = arith.constant dense<0xFF800000> : vector<16xf32>
    %reduce_max3A_721 = vector.multi_reduction <maximumf>, %add3A_712, %reduce_max3A_720 [1] : vector<16x50xf32> to vector<16xf32>
    %broadcast_in_dim3A_722 = vector.shape_cast %reduce_max3A_721 : vector<16xf32> to vector<16x1xf32>
    %eq3A_723 = vector.broadcast %broadcast_in_dim3A_722 : vector<16x1xf32> to vector<16x50xf32>
    %eq3A_724 = arith.cmpf oeq, %add3A_712, %eq3A_723 : vector<16x50xf32>
    %jit3A_725 = arith.constant 51 : i32
    %broadcast_in_dim3A_726 = vector.broadcast %jit3A_725 : i32 to vector<16x50xi32>
    %select_n3A_727 = arith.select %eq3A_724, %iota3A_109, %broadcast_in_dim3A_726 : vector<16x50xi1>, vector<16x50xi32>
    %reduce_min3A_728 = arith.constant dense<2147483647> : vector<16xi32>
    %reduce_min3A_729 = vector.multi_reduction <minsi>, %select_n3A_727, %reduce_min3A_728 [1] : vector<16x50xi32> to vector<16xi32>
    %broadcast_in_dim3A_730 = vector.shape_cast %reduce_min3A_729 : vector<16xi32> to vector<16x1xi32>
    %ge3A_731 = arith.cmpf oge, %broadcast_in_dim3A_722, %add3A_719 : vector<16x1xf32>
    %jit3A_732 = arith.constant 50 : i32
    %broadcast_in_dim3A_733 = vector.broadcast %jit3A_732 : i32 to vector<16x1xi32>
    %select_n3A_734 = arith.select %ge3A_731, %broadcast_in_dim3A_730, %broadcast_in_dim3A_733 : vector<16x1xi1>, vector<16x1xi32>
    %eq3A_735 = vector.broadcast %select_n3A_734 : vector<16x1xi32> to vector<16x50xi32>
    %eq3A_736 = arith.cmpi eq, %iota3A_109, %eq3A_735 : vector<16x50xi32>
    %or3A_737 = arith.ori %or3A_684, %eq3A_736 : vector<16x50xi1>
    %eq3A_738 = arith.constant 11 : i32
    %eq3A_739 = vector.broadcast %eq3A_738 : i32 to vector<16x50xi32>
    %eq3A_740 = arith.cmpi eq, %iota3A_109, %eq3A_739 : vector<16x50xi32>
    %broadcast_in_dim3A_741 = vector.shape_cast %select_n3A_734 : vector<16x1xi32> to vector<16x1xi32>
    %broadcast_in_dim3A_742 = vector.broadcast %broadcast_in_dim3A_741 : vector<16x1xi32> to vector<16x50xi32>
    %select_n3A_743 = arith.select %eq3A_740, %broadcast_in_dim3A_742, %select_n3A_690 : vector<16x50xi1>, vector<16x50xi32>
    %get3A_744 = arith.constant 0 : index
    %get3A_745 = arith.constant 12 : index
    %get3A_746 = vector.load %arg5[%get3A_744, %get3A_745] : memref<16x50xi32, #tpu.memory_space<vmem>>, vector<16x1xi32>
    %broadcast_in_dim3A_747 = vector.shape_cast %get3A_746 : vector<16x1xi32> to vector<16x1x1xi32>
    %eq3A_748 = vector.broadcast %iota3A : vector<1x50x1xi32> to vector<16x50x1xi32>
    %eq3A_749 = vector.broadcast %broadcast_in_dim3A_747 : vector<16x1x1xi32> to vector<16x50x1xi32>
    %eq3A_750 = arith.cmpi eq, %eq3A_748, %eq3A_749 : vector<16x50x1xi32>
    %jit3A_751 = arith.constant 0.000000e+00 : f32
    %broadcast_in_dim3A_752 = vector.shape_cast %eq3A_750 : vector<16x50x1xi1> to vector<16x50x1xi1>
    %broadcast_in_dim3A_753 = vector.broadcast %broadcast_in_dim3A_752 : vector<16x50x1xi1> to vector<16x50x50xi1>
    %broadcast_in_dim3A_754 = vector.broadcast %jit3A_751 : f32 to vector<16x50x50xf32>
    %select_n3A_755 = arith.select %broadcast_in_dim3A_753, %log3A, %broadcast_in_dim3A_754 : vector<16x50x50xi1>, vector<16x50x50xf32>
    %reduce_sum3A_756 = arith.constant dense<0.000000e+00> : vector<16x50xf32>
    %reduce_sum3A_757 = vector.multi_reduction <add>, %select_n3A_755, %reduce_sum3A_756 [1] : vector<16x50x50xf32> to vector<16x50xf32>
    %broadcast_in_dim3A_758 = vector.broadcast %get3A_108 : f32 to vector<16x50xf32>
    %select_n3A_759 = arith.select %or3A_737, %broadcast_in_dim3A_758, %reduce_sum3A_757 : vector<16x50xi1>, vector<16x50xf32>
    %get3A_760 = arith.constant 0 : index
    %get3A_761 = arith.constant 12 : index
    %get3A_762 = arith.constant 0 : index
    %get3A_763 = vector.load %arg6[%get3A_760, %get3A_761, %get3A_762] : memref<16x50x51xf32, #tpu.memory_space<vmem>>, vector<16x1x50xf32>
    %get3A_764 = vector.shape_cast %get3A_763 : vector<16x1x50xf32> to vector<16x50xf32>
    %add3A_765 = arith.addf %select_n3A_759, %get3A_764 : vector<16x50xf32>
    %get3A_766 = arith.constant 0 : index
    %get3A_767 = arith.constant 12 : index
    %get3A_768 = arith.constant 50 : index
    %get3A_769 = vector.load %arg6[%get3A_766, %get3A_767, %get3A_768] : memref<16x50x51xf32, #tpu.memory_space<vmem>>, vector<16x1x1xf32>
    %get3A_770 = vector.shape_cast %get3A_769 : vector<16x1x1xf32> to vector<16x1xf32>
    %add3A_771 = vector.broadcast %get3A_105 : f32 to vector<16x1xf32>
    %add3A_772 = arith.addf %add3A_771, %get3A_770 : vector<16x1xf32>
    %reduce_max3A_773 = arith.constant dense<0xFF800000> : vector<16xf32>
    %reduce_max3A_774 = vector.multi_reduction <maximumf>, %add3A_765, %reduce_max3A_773 [1] : vector<16x50xf32> to vector<16xf32>
    %broadcast_in_dim3A_775 = vector.shape_cast %reduce_max3A_774 : vector<16xf32> to vector<16x1xf32>
    %eq3A_776 = vector.broadcast %broadcast_in_dim3A_775 : vector<16x1xf32> to vector<16x50xf32>
    %eq3A_777 = arith.cmpf oeq, %add3A_765, %eq3A_776 : vector<16x50xf32>
    %jit3A_778 = arith.constant 51 : i32
    %broadcast_in_dim3A_779 = vector.broadcast %jit3A_778 : i32 to vector<16x50xi32>
    %select_n3A_780 = arith.select %eq3A_777, %iota3A_109, %broadcast_in_dim3A_779 : vector<16x50xi1>, vector<16x50xi32>
    %reduce_min3A_781 = arith.constant dense<2147483647> : vector<16xi32>
    %reduce_min3A_782 = vector.multi_reduction <minsi>, %select_n3A_780, %reduce_min3A_781 [1] : vector<16x50xi32> to vector<16xi32>
    %broadcast_in_dim3A_783 = vector.shape_cast %reduce_min3A_782 : vector<16xi32> to vector<16x1xi32>
    %ge3A_784 = arith.cmpf oge, %broadcast_in_dim3A_775, %add3A_772 : vector<16x1xf32>
    %jit3A_785 = arith.constant 50 : i32
    %broadcast_in_dim3A_786 = vector.broadcast %jit3A_785 : i32 to vector<16x1xi32>
    %select_n3A_787 = arith.select %ge3A_784, %broadcast_in_dim3A_783, %broadcast_in_dim3A_786 : vector<16x1xi1>, vector<16x1xi32>
    %eq3A_788 = vector.broadcast %select_n3A_787 : vector<16x1xi32> to vector<16x50xi32>
    %eq3A_789 = arith.cmpi eq, %iota3A_109, %eq3A_788 : vector<16x50xi32>
    %or3A_790 = arith.ori %or3A_737, %eq3A_789 : vector<16x50xi1>
    %eq3A_791 = arith.constant 12 : i32
    %eq3A_792 = vector.broadcast %eq3A_791 : i32 to vector<16x50xi32>
    %eq3A_793 = arith.cmpi eq, %iota3A_109, %eq3A_792 : vector<16x50xi32>
    %broadcast_in_dim3A_794 = vector.shape_cast %select_n3A_787 : vector<16x1xi32> to vector<16x1xi32>
    %broadcast_in_dim3A_795 = vector.broadcast %broadcast_in_dim3A_794 : vector<16x1xi32> to vector<16x50xi32>
    %select_n3A_796 = arith.select %eq3A_793, %broadcast_in_dim3A_795, %select_n3A_743 : vector<16x50xi1>, vector<16x50xi32>
    %get3A_797 = arith.constant 0 : index
    %get3A_798 = arith.constant 13 : index
    %get3A_799 = vector.load %arg5[%get3A_797, %get3A_798] : memref<16x50xi32, #tpu.memory_space<vmem>>, vector<16x1xi32>
    %broadcast_in_dim3A_800 = vector.shape_cast %get3A_799 : vector<16x1xi32> to vector<16x1x1xi32>
    %eq3A_801 = vector.broadcast %iota3A : vector<1x50x1xi32> to vector<16x50x1xi32>
    %eq3A_802 = vector.broadcast %broadcast_in_dim3A_800 : vector<16x1x1xi32> to vector<16x50x1xi32>
    %eq3A_803 = arith.cmpi eq, %eq3A_801, %eq3A_802 : vector<16x50x1xi32>
    %jit3A_804 = arith.constant 0.000000e+00 : f32
    %broadcast_in_dim3A_805 = vector.shape_cast %eq3A_803 : vector<16x50x1xi1> to vector<16x50x1xi1>
    %broadcast_in_dim3A_806 = vector.broadcast %broadcast_in_dim3A_805 : vector<16x50x1xi1> to vector<16x50x50xi1>
    %broadcast_in_dim3A_807 = vector.broadcast %jit3A_804 : f32 to vector<16x50x50xf32>
    %select_n3A_808 = arith.select %broadcast_in_dim3A_806, %log3A, %broadcast_in_dim3A_807 : vector<16x50x50xi1>, vector<16x50x50xf32>
    %reduce_sum3A_809 = arith.constant dense<0.000000e+00> : vector<16x50xf32>
    %reduce_sum3A_810 = vector.multi_reduction <add>, %select_n3A_808, %reduce_sum3A_809 [1] : vector<16x50x50xf32> to vector<16x50xf32>
    %broadcast_in_dim3A_811 = vector.broadcast %get3A_108 : f32 to vector<16x50xf32>
    %select_n3A_812 = arith.select %or3A_790, %broadcast_in_dim3A_811, %reduce_sum3A_810 : vector<16x50xi1>, vector<16x50xf32>
    %get3A_813 = arith.constant 0 : index
    %get3A_814 = arith.constant 13 : index
    %get3A_815 = arith.constant 0 : index
    %get3A_816 = vector.load %arg6[%get3A_813, %get3A_814, %get3A_815] : memref<16x50x51xf32, #tpu.memory_space<vmem>>, vector<16x1x50xf32>
    %get3A_817 = vector.shape_cast %get3A_816 : vector<16x1x50xf32> to vector<16x50xf32>
    %add3A_818 = arith.addf %select_n3A_812, %get3A_817 : vector<16x50xf32>
    %get3A_819 = arith.constant 0 : index
    %get3A_820 = arith.constant 13 : index
    %get3A_821 = arith.constant 50 : index
    %get3A_822 = vector.load %arg6[%get3A_819, %get3A_820, %get3A_821] : memref<16x50x51xf32, #tpu.memory_space<vmem>>, vector<16x1x1xf32>
    %get3A_823 = vector.shape_cast %get3A_822 : vector<16x1x1xf32> to vector<16x1xf32>
    %add3A_824 = vector.broadcast %get3A_105 : f32 to vector<16x1xf32>
    %add3A_825 = arith.addf %add3A_824, %get3A_823 : vector<16x1xf32>
    %reduce_max3A_826 = arith.constant dense<0xFF800000> : vector<16xf32>
    %reduce_max3A_827 = vector.multi_reduction <maximumf>, %add3A_818, %reduce_max3A_826 [1] : vector<16x50xf32> to vector<16xf32>
    %broadcast_in_dim3A_828 = vector.shape_cast %reduce_max3A_827 : vector<16xf32> to vector<16x1xf32>
    %eq3A_829 = vector.broadcast %broadcast_in_dim3A_828 : vector<16x1xf32> to vector<16x50xf32>
    %eq3A_830 = arith.cmpf oeq, %add3A_818, %eq3A_829 : vector<16x50xf32>
    %jit3A_831 = arith.constant 51 : i32
    %broadcast_in_dim3A_832 = vector.broadcast %jit3A_831 : i32 to vector<16x50xi32>
    %select_n3A_833 = arith.select %eq3A_830, %iota3A_109, %broadcast_in_dim3A_832 : vector<16x50xi1>, vector<16x50xi32>
    %reduce_min3A_834 = arith.constant dense<2147483647> : vector<16xi32>
    %reduce_min3A_835 = vector.multi_reduction <minsi>, %select_n3A_833, %reduce_min3A_834 [1] : vector<16x50xi32> to vector<16xi32>
    %broadcast_in_dim3A_836 = vector.shape_cast %reduce_min3A_835 : vector<16xi32> to vector<16x1xi32>
    %ge3A_837 = arith.cmpf oge, %broadcast_in_dim3A_828, %add3A_825 : vector<16x1xf32>
    %jit3A_838 = arith.constant 50 : i32
    %broadcast_in_dim3A_839 = vector.broadcast %jit3A_838 : i32 to vector<16x1xi32>
    %select_n3A_840 = arith.select %ge3A_837, %broadcast_in_dim3A_836, %broadcast_in_dim3A_839 : vector<16x1xi1>, vector<16x1xi32>
    %eq3A_841 = vector.broadcast %select_n3A_840 : vector<16x1xi32> to vector<16x50xi32>
    %eq3A_842 = arith.cmpi eq, %iota3A_109, %eq3A_841 : vector<16x50xi32>
    %or3A_843 = arith.ori %or3A_790, %eq3A_842 : vector<16x50xi1>
    %eq3A_844 = arith.constant 13 : i32
    %eq3A_845 = vector.broadcast %eq3A_844 : i32 to vector<16x50xi32>
    %eq3A_846 = arith.cmpi eq, %iota3A_109, %eq3A_845 : vector<16x50xi32>
    %broadcast_in_dim3A_847 = vector.shape_cast %select_n3A_840 : vector<16x1xi32> to vector<16x1xi32>
    %broadcast_in_dim3A_848 = vector.broadcast %broadcast_in_dim3A_847 : vector<16x1xi32> to vector<16x50xi32>
    %select_n3A_849 = arith.select %eq3A_846, %broadcast_in_dim3A_848, %select_n3A_796 : vector<16x50xi1>, vector<16x50xi32>
    %get3A_850 = arith.constant 0 : index
    %get3A_851 = arith.constant 14 : index
    %get3A_852 = vector.load %arg5[%get3A_850, %get3A_851] : memref<16x50xi32, #tpu.memory_space<vmem>>, vector<16x1xi32>
    %broadcast_in_dim3A_853 = vector.shape_cast %get3A_852 : vector<16x1xi32> to vector<16x1x1xi32>
    %eq3A_854 = vector.broadcast %iota3A : vector<1x50x1xi32> to vector<16x50x1xi32>
    %eq3A_855 = vector.broadcast %broadcast_in_dim3A_853 : vector<16x1x1xi32> to vector<16x50x1xi32>
    %eq3A_856 = arith.cmpi eq, %eq3A_854, %eq3A_855 : vector<16x50x1xi32>
    %jit3A_857 = arith.constant 0.000000e+00 : f32
    %broadcast_in_dim3A_858 = vector.shape_cast %eq3A_856 : vector<16x50x1xi1> to vector<16x50x1xi1>
    %broadcast_in_dim3A_859 = vector.broadcast %broadcast_in_dim3A_858 : vector<16x50x1xi1> to vector<16x50x50xi1>
    %broadcast_in_dim3A_860 = vector.broadcast %jit3A_857 : f32 to vector<16x50x50xf32>
    %select_n3A_861 = arith.select %broadcast_in_dim3A_859, %log3A, %broadcast_in_dim3A_860 : vector<16x50x50xi1>, vector<16x50x50xf32>
    %reduce_sum3A_862 = arith.constant dense<0.000000e+00> : vector<16x50xf32>
    %reduce_sum3A_863 = vector.multi_reduction <add>, %select_n3A_861, %reduce_sum3A_862 [1] : vector<16x50x50xf32> to vector<16x50xf32>
    %broadcast_in_dim3A_864 = vector.broadcast %get3A_108 : f32 to vector<16x50xf32>
    %select_n3A_865 = arith.select %or3A_843, %broadcast_in_dim3A_864, %reduce_sum3A_863 : vector<16x50xi1>, vector<16x50xf32>
    %get3A_866 = arith.constant 0 : index
    %get3A_867 = arith.constant 14 : index
    %get3A_868 = arith.constant 0 : index
    %get3A_869 = vector.load %arg6[%get3A_866, %get3A_867, %get3A_868] : memref<16x50x51xf32, #tpu.memory_space<vmem>>, vector<16x1x50xf32>
    %get3A_870 = vector.shape_cast %get3A_869 : vector<16x1x50xf32> to vector<16x50xf32>
    %add3A_871 = arith.addf %select_n3A_865, %get3A_870 : vector<16x50xf32>
    %get3A_872 = arith.constant 0 : index
    %get3A_873 = arith.constant 14 : index
    %get3A_874 = arith.constant 50 : index
    %get3A_875 = vector.load %arg6[%get3A_872, %get3A_873, %get3A_874] : memref<16x50x51xf32, #tpu.memory_space<vmem>>, vector<16x1x1xf32>
    %get3A_876 = vector.shape_cast %get3A_875 : vector<16x1x1xf32> to vector<16x1xf32>
    %add3A_877 = vector.broadcast %get3A_105 : f32 to vector<16x1xf32>
    %add3A_878 = arith.addf %add3A_877, %get3A_876 : vector<16x1xf32>
    %reduce_max3A_879 = arith.constant dense<0xFF800000> : vector<16xf32>
    %reduce_max3A_880 = vector.multi_reduction <maximumf>, %add3A_871, %reduce_max3A_879 [1] : vector<16x50xf32> to vector<16xf32>
    %broadcast_in_dim3A_881 = vector.shape_cast %reduce_max3A_880 : vector<16xf32> to vector<16x1xf32>
    %eq3A_882 = vector.broadcast %broadcast_in_dim3A_881 : vector<16x1xf32> to vector<16x50xf32>
    %eq3A_883 = arith.cmpf oeq, %add3A_871, %eq3A_882 : vector<16x50xf32>
    %jit3A_884 = arith.constant 51 : i32
    %broadcast_in_dim3A_885 = vector.broadcast %jit3A_884 : i32 to vector<16x50xi32>
    %select_n3A_886 = arith.select %eq3A_883, %iota3A_109, %broadcast_in_dim3A_885 : vector<16x50xi1>, vector<16x50xi32>
    %reduce_min3A_887 = arith.constant dense<2147483647> : vector<16xi32>
    %reduce_min3A_888 = vector.multi_reduction <minsi>, %select_n3A_886, %reduce_min3A_887 [1] : vector<16x50xi32> to vector<16xi32>
    %broadcast_in_dim3A_889 = vector.shape_cast %reduce_min3A_888 : vector<16xi32> to vector<16x1xi32>
    %ge3A_890 = arith.cmpf oge, %broadcast_in_dim3A_881, %add3A_878 : vector<16x1xf32>
    %jit3A_891 = arith.constant 50 : i32
    %broadcast_in_dim3A_892 = vector.broadcast %jit3A_891 : i32 to vector<16x1xi32>
    %select_n3A_893 = arith.select %ge3A_890, %broadcast_in_dim3A_889, %broadcast_in_dim3A_892 : vector<16x1xi1>, vector<16x1xi32>
    %eq3A_894 = vector.broadcast %select_n3A_893 : vector<16x1xi32> to vector<16x50xi32>
    %eq3A_895 = arith.cmpi eq, %iota3A_109, %eq3A_894 : vector<16x50xi32>
    %or3A_896 = arith.ori %or3A_843, %eq3A_895 : vector<16x50xi1>
    %eq3A_897 = arith.constant 14 : i32
    %eq3A_898 = vector.broadcast %eq3A_897 : i32 to vector<16x50xi32>
    %eq3A_899 = arith.cmpi eq, %iota3A_109, %eq3A_898 : vector<16x50xi32>
    %broadcast_in_dim3A_900 = vector.shape_cast %select_n3A_893 : vector<16x1xi32> to vector<16x1xi32>
    %broadcast_in_dim3A_901 = vector.broadcast %broadcast_in_dim3A_900 : vector<16x1xi32> to vector<16x50xi32>
    %select_n3A_902 = arith.select %eq3A_899, %broadcast_in_dim3A_901, %select_n3A_849 : vector<16x50xi1>, vector<16x50xi32>
    %get3A_903 = arith.constant 0 : index
    %get3A_904 = arith.constant 15 : index
    %get3A_905 = vector.load %arg5[%get3A_903, %get3A_904] : memref<16x50xi32, #tpu.memory_space<vmem>>, vector<16x1xi32>
    %broadcast_in_dim3A_906 = vector.shape_cast %get3A_905 : vector<16x1xi32> to vector<16x1x1xi32>
    %eq3A_907 = vector.broadcast %iota3A : vector<1x50x1xi32> to vector<16x50x1xi32>
    %eq3A_908 = vector.broadcast %broadcast_in_dim3A_906 : vector<16x1x1xi32> to vector<16x50x1xi32>
    %eq3A_909 = arith.cmpi eq, %eq3A_907, %eq3A_908 : vector<16x50x1xi32>
    %jit3A_910 = arith.constant 0.000000e+00 : f32
    %broadcast_in_dim3A_911 = vector.shape_cast %eq3A_909 : vector<16x50x1xi1> to vector<16x50x1xi1>
    %broadcast_in_dim3A_912 = vector.broadcast %broadcast_in_dim3A_911 : vector<16x50x1xi1> to vector<16x50x50xi1>
    %broadcast_in_dim3A_913 = vector.broadcast %jit3A_910 : f32 to vector<16x50x50xf32>
    %select_n3A_914 = arith.select %broadcast_in_dim3A_912, %log3A, %broadcast_in_dim3A_913 : vector<16x50x50xi1>, vector<16x50x50xf32>
    %reduce_sum3A_915 = arith.constant dense<0.000000e+00> : vector<16x50xf32>
    %reduce_sum3A_916 = vector.multi_reduction <add>, %select_n3A_914, %reduce_sum3A_915 [1] : vector<16x50x50xf32> to vector<16x50xf32>
    %broadcast_in_dim3A_917 = vector.broadcast %get3A_108 : f32 to vector<16x50xf32>
    %select_n3A_918 = arith.select %or3A_896, %broadcast_in_dim3A_917, %reduce_sum3A_916 : vector<16x50xi1>, vector<16x50xf32>
    %get3A_919 = arith.constant 0 : index
    %get3A_920 = arith.constant 15 : index
    %get3A_921 = arith.constant 0 : index
    %get3A_922 = vector.load %arg6[%get3A_919, %get3A_920, %get3A_921] : memref<16x50x51xf32, #tpu.memory_space<vmem>>, vector<16x1x50xf32>
    %get3A_923 = vector.shape_cast %get3A_922 : vector<16x1x50xf32> to vector<16x50xf32>
    %add3A_924 = arith.addf %select_n3A_918, %get3A_923 : vector<16x50xf32>
    %get3A_925 = arith.constant 0 : index
    %get3A_926 = arith.constant 15 : index
    %get3A_927 = arith.constant 50 : index
    %get3A_928 = vector.load %arg6[%get3A_925, %get3A_926, %get3A_927] : memref<16x50x51xf32, #tpu.memory_space<vmem>>, vector<16x1x1xf32>
    %get3A_929 = vector.shape_cast %get3A_928 : vector<16x1x1xf32> to vector<16x1xf32>
    %add3A_930 = vector.broadcast %get3A_105 : f32 to vector<16x1xf32>
    %add3A_931 = arith.addf %add3A_930, %get3A_929 : vector<16x1xf32>
    %reduce_max3A_932 = arith.constant dense<0xFF800000> : vector<16xf32>
    %reduce_max3A_933 = vector.multi_reduction <maximumf>, %add3A_924, %reduce_max3A_932 [1] : vector<16x50xf32> to vector<16xf32>
    %broadcast_in_dim3A_934 = vector.shape_cast %reduce_max3A_933 : vector<16xf32> to vector<16x1xf32>
    %eq3A_935 = vector.broadcast %broadcast_in_dim3A_934 : vector<16x1xf32> to vector<16x50xf32>
    %eq3A_936 = arith.cmpf oeq, %add3A_924, %eq3A_935 : vector<16x50xf32>
    %jit3A_937 = arith.constant 51 : i32
    %broadcast_in_dim3A_938 = vector.broadcast %jit3A_937 : i32 to vector<16x50xi32>
    %select_n3A_939 = arith.select %eq3A_936, %iota3A_109, %broadcast_in_dim3A_938 : vector<16x50xi1>, vector<16x50xi32>
    %reduce_min3A_940 = arith.constant dense<2147483647> : vector<16xi32>
    %reduce_min3A_941 = vector.multi_reduction <minsi>, %select_n3A_939, %reduce_min3A_940 [1] : vector<16x50xi32> to vector<16xi32>
    %broadcast_in_dim3A_942 = vector.shape_cast %reduce_min3A_941 : vector<16xi32> to vector<16x1xi32>
    %ge3A_943 = arith.cmpf oge, %broadcast_in_dim3A_934, %add3A_931 : vector<16x1xf32>
    %jit3A_944 = arith.constant 50 : i32
    %broadcast_in_dim3A_945 = vector.broadcast %jit3A_944 : i32 to vector<16x1xi32>
    %select_n3A_946 = arith.select %ge3A_943, %broadcast_in_dim3A_942, %broadcast_in_dim3A_945 : vector<16x1xi1>, vector<16x1xi32>
    %eq3A_947 = vector.broadcast %select_n3A_946 : vector<16x1xi32> to vector<16x50xi32>
    %eq3A_948 = arith.cmpi eq, %iota3A_109, %eq3A_947 : vector<16x50xi32>
    %or3A_949 = arith.ori %or3A_896, %eq3A_948 : vector<16x50xi1>
    %eq3A_950 = arith.constant 15 : i32
    %eq3A_951 = vector.broadcast %eq3A_950 : i32 to vector<16x50xi32>
    %eq3A_952 = arith.cmpi eq, %iota3A_109, %eq3A_951 : vector<16x50xi32>
    %broadcast_in_dim3A_953 = vector.shape_cast %select_n3A_946 : vector<16x1xi32> to vector<16x1xi32>
    %broadcast_in_dim3A_954 = vector.broadcast %broadcast_in_dim3A_953 : vector<16x1xi32> to vector<16x50xi32>
    %select_n3A_955 = arith.select %eq3A_952, %broadcast_in_dim3A_954, %select_n3A_902 : vector<16x50xi1>, vector<16x50xi32>
    %get3A_956 = arith.constant 0 : index
    %get3A_957 = arith.constant 16 : index
    %get3A_958 = vector.load %arg5[%get3A_956, %get3A_957] : memref<16x50xi32, #tpu.memory_space<vmem>>, vector<16x1xi32>
    %broadcast_in_dim3A_959 = vector.shape_cast %get3A_958 : vector<16x1xi32> to vector<16x1x1xi32>
    %eq3A_960 = vector.broadcast %iota3A : vector<1x50x1xi32> to vector<16x50x1xi32>
    %eq3A_961 = vector.broadcast %broadcast_in_dim3A_959 : vector<16x1x1xi32> to vector<16x50x1xi32>
    %eq3A_962 = arith.cmpi eq, %eq3A_960, %eq3A_961 : vector<16x50x1xi32>
    %jit3A_963 = arith.constant 0.000000e+00 : f32
    %broadcast_in_dim3A_964 = vector.shape_cast %eq3A_962 : vector<16x50x1xi1> to vector<16x50x1xi1>
    %broadcast_in_dim3A_965 = vector.broadcast %broadcast_in_dim3A_964 : vector<16x50x1xi1> to vector<16x50x50xi1>
    %broadcast_in_dim3A_966 = vector.broadcast %jit3A_963 : f32 to vector<16x50x50xf32>
    %select_n3A_967 = arith.select %broadcast_in_dim3A_965, %log3A, %broadcast_in_dim3A_966 : vector<16x50x50xi1>, vector<16x50x50xf32>
    %reduce_sum3A_968 = arith.constant dense<0.000000e+00> : vector<16x50xf32>
    %reduce_sum3A_969 = vector.multi_reduction <add>, %select_n3A_967, %reduce_sum3A_968 [1] : vector<16x50x50xf32> to vector<16x50xf32>
    %broadcast_in_dim3A_970 = vector.broadcast %get3A_108 : f32 to vector<16x50xf32>
    %select_n3A_971 = arith.select %or3A_949, %broadcast_in_dim3A_970, %reduce_sum3A_969 : vector<16x50xi1>, vector<16x50xf32>
    %get3A_972 = arith.constant 0 : index
    %get3A_973 = arith.constant 16 : index
    %get3A_974 = arith.constant 0 : index
    %get3A_975 = vector.load %arg6[%get3A_972, %get3A_973, %get3A_974] : memref<16x50x51xf32, #tpu.memory_space<vmem>>, vector<16x1x50xf32>
    %get3A_976 = vector.shape_cast %get3A_975 : vector<16x1x50xf32> to vector<16x50xf32>
    %add3A_977 = arith.addf %select_n3A_971, %get3A_976 : vector<16x50xf32>
    %get3A_978 = arith.constant 0 : index
    %get3A_979 = arith.constant 16 : index
    %get3A_980 = arith.constant 50 : index
    %get3A_981 = vector.load %arg6[%get3A_978, %get3A_979, %get3A_980] : memref<16x50x51xf32, #tpu.memory_space<vmem>>, vector<16x1x1xf32>
    %get3A_982 = vector.shape_cast %get3A_981 : vector<16x1x1xf32> to vector<16x1xf32>
    %add3A_983 = vector.broadcast %get3A_105 : f32 to vector<16x1xf32>
    %add3A_984 = arith.addf %add3A_983, %get3A_982 : vector<16x1xf32>
    %reduce_max3A_985 = arith.constant dense<0xFF800000> : vector<16xf32>
    %reduce_max3A_986 = vector.multi_reduction <maximumf>, %add3A_977, %reduce_max3A_985 [1] : vector<16x50xf32> to vector<16xf32>
    %broadcast_in_dim3A_987 = vector.shape_cast %reduce_max3A_986 : vector<16xf32> to vector<16x1xf32>
    %eq3A_988 = vector.broadcast %broadcast_in_dim3A_987 : vector<16x1xf32> to vector<16x50xf32>
    %eq3A_989 = arith.cmpf oeq, %add3A_977, %eq3A_988 : vector<16x50xf32>
    %jit3A_990 = arith.constant 51 : i32
    %broadcast_in_dim3A_991 = vector.broadcast %jit3A_990 : i32 to vector<16x50xi32>
    %select_n3A_992 = arith.select %eq3A_989, %iota3A_109, %broadcast_in_dim3A_991 : vector<16x50xi1>, vector<16x50xi32>
    %reduce_min3A_993 = arith.constant dense<2147483647> : vector<16xi32>
    %reduce_min3A_994 = vector.multi_reduction <minsi>, %select_n3A_992, %reduce_min3A_993 [1] : vector<16x50xi32> to vector<16xi32>
    %broadcast_in_dim3A_995 = vector.shape_cast %reduce_min3A_994 : vector<16xi32> to vector<16x1xi32>
    %ge3A_996 = arith.cmpf oge, %broadcast_in_dim3A_987, %add3A_984 : vector<16x1xf32>
    %jit3A_997 = arith.constant 50 : i32
    %broadcast_in_dim3A_998 = vector.broadcast %jit3A_997 : i32 to vector<16x1xi32>
    %select_n3A_999 = arith.select %ge3A_996, %broadcast_in_dim3A_995, %broadcast_in_dim3A_998 : vector<16x1xi1>, vector<16x1xi32>
    %eq3A_1000 = vector.broadcast %select_n3A_999 : vector<16x1xi32> to vector<16x50xi32>
    %eq3A_1001 = arith.cmpi eq, %iota3A_109, %eq3A_1000 : vector<16x50xi32>
    %or3A_1002 = arith.ori %or3A_949, %eq3A_1001 : vector<16x50xi1>
    %eq3A_1003 = arith.constant 16 : i32
    %eq3A_1004 = vector.broadcast %eq3A_1003 : i32 to vector<16x50xi32>
    %eq3A_1005 = arith.cmpi eq, %iota3A_109, %eq3A_1004 : vector<16x50xi32>
    %broadcast_in_dim3A_1006 = vector.shape_cast %select_n3A_999 : vector<16x1xi32> to vector<16x1xi32>
    %broadcast_in_dim3A_1007 = vector.broadcast %broadcast_in_dim3A_1006 : vector<16x1xi32> to vector<16x50xi32>
    %select_n3A_1008 = arith.select %eq3A_1005, %broadcast_in_dim3A_1007, %select_n3A_955 : vector<16x50xi1>, vector<16x50xi32>
    %get3A_1009 = arith.constant 0 : index
    %get3A_1010 = arith.constant 17 : index
    %get3A_1011 = vector.load %arg5[%get3A_1009, %get3A_1010] : memref<16x50xi32, #tpu.memory_space<vmem>>, vector<16x1xi32>
    %broadcast_in_dim3A_1012 = vector.shape_cast %get3A_1011 : vector<16x1xi32> to vector<16x1x1xi32>
    %eq3A_1013 = vector.broadcast %iota3A : vector<1x50x1xi32> to vector<16x50x1xi32>
    %eq3A_1014 = vector.broadcast %broadcast_in_dim3A_1012 : vector<16x1x1xi32> to vector<16x50x1xi32>
    %eq3A_1015 = arith.cmpi eq, %eq3A_1013, %eq3A_1014 : vector<16x50x1xi32>
    %jit3A_1016 = arith.constant 0.000000e+00 : f32
    %broadcast_in_dim3A_1017 = vector.shape_cast %eq3A_1015 : vector<16x50x1xi1> to vector<16x50x1xi1>
    %broadcast_in_dim3A_1018 = vector.broadcast %broadcast_in_dim3A_1017 : vector<16x50x1xi1> to vector<16x50x50xi1>
    %broadcast_in_dim3A_1019 = vector.broadcast %jit3A_1016 : f32 to vector<16x50x50xf32>
    %select_n3A_1020 = arith.select %broadcast_in_dim3A_1018, %log3A, %broadcast_in_dim3A_1019 : vector<16x50x50xi1>, vector<16x50x50xf32>
    %reduce_sum3A_1021 = arith.constant dense<0.000000e+00> : vector<16x50xf32>
    %reduce_sum3A_1022 = vector.multi_reduction <add>, %select_n3A_1020, %reduce_sum3A_1021 [1] : vector<16x50x50xf32> to vector<16x50xf32>
    %broadcast_in_dim3A_1023 = vector.broadcast %get3A_108 : f32 to vector<16x50xf32>
    %select_n3A_1024 = arith.select %or3A_1002, %broadcast_in_dim3A_1023, %reduce_sum3A_1022 : vector<16x50xi1>, vector<16x50xf32>
    %get3A_1025 = arith.constant 0 : index
    %get3A_1026 = arith.constant 17 : index
    %get3A_1027 = arith.constant 0 : index
    %get3A_1028 = vector.load %arg6[%get3A_1025, %get3A_1026, %get3A_1027] : memref<16x50x51xf32, #tpu.memory_space<vmem>>, vector<16x1x50xf32>
    %get3A_1029 = vector.shape_cast %get3A_1028 : vector<16x1x50xf32> to vector<16x50xf32>
    %add3A_1030 = arith.addf %select_n3A_1024, %get3A_1029 : vector<16x50xf32>
    %get3A_1031 = arith.constant 0 : index
    %get3A_1032 = arith.constant 17 : index
    %get3A_1033 = arith.constant 50 : index
    %get3A_1034 = vector.load %arg6[%get3A_1031, %get3A_1032, %get3A_1033] : memref<16x50x51xf32, #tpu.memory_space<vmem>>, vector<16x1x1xf32>
    %get3A_1035 = vector.shape_cast %get3A_1034 : vector<16x1x1xf32> to vector<16x1xf32>
    %add3A_1036 = vector.broadcast %get3A_105 : f32 to vector<16x1xf32>
    %add3A_1037 = arith.addf %add3A_1036, %get3A_1035 : vector<16x1xf32>
    %reduce_max3A_1038 = arith.constant dense<0xFF800000> : vector<16xf32>
    %reduce_max3A_1039 = vector.multi_reduction <maximumf>, %add3A_1030, %reduce_max3A_1038 [1] : vector<16x50xf32> to vector<16xf32>
    %broadcast_in_dim3A_1040 = vector.shape_cast %reduce_max3A_1039 : vector<16xf32> to vector<16x1xf32>
    %eq3A_1041 = vector.broadcast %broadcast_in_dim3A_1040 : vector<16x1xf32> to vector<16x50xf32>
    %eq3A_1042 = arith.cmpf oeq, %add3A_1030, %eq3A_1041 : vector<16x50xf32>
    %jit3A_1043 = arith.constant 51 : i32
    %broadcast_in_dim3A_1044 = vector.broadcast %jit3A_1043 : i32 to vector<16x50xi32>
    %select_n3A_1045 = arith.select %eq3A_1042, %iota3A_109, %broadcast_in_dim3A_1044 : vector<16x50xi1>, vector<16x50xi32>
    %reduce_min3A_1046 = arith.constant dense<2147483647> : vector<16xi32>
    %reduce_min3A_1047 = vector.multi_reduction <minsi>, %select_n3A_1045, %reduce_min3A_1046 [1] : vector<16x50xi32> to vector<16xi32>
    %broadcast_in_dim3A_1048 = vector.shape_cast %reduce_min3A_1047 : vector<16xi32> to vector<16x1xi32>
    %ge3A_1049 = arith.cmpf oge, %broadcast_in_dim3A_1040, %add3A_1037 : vector<16x1xf32>
    %jit3A_1050 = arith.constant 50 : i32
    %broadcast_in_dim3A_1051 = vector.broadcast %jit3A_1050 : i32 to vector<16x1xi32>
    %select_n3A_1052 = arith.select %ge3A_1049, %broadcast_in_dim3A_1048, %broadcast_in_dim3A_1051 : vector<16x1xi1>, vector<16x1xi32>
    %eq3A_1053 = vector.broadcast %select_n3A_1052 : vector<16x1xi32> to vector<16x50xi32>
    %eq3A_1054 = arith.cmpi eq, %iota3A_109, %eq3A_1053 : vector<16x50xi32>
    %or3A_1055 = arith.ori %or3A_1002, %eq3A_1054 : vector<16x50xi1>
    %eq3A_1056 = arith.constant 17 : i32
    %eq3A_1057 = vector.broadcast %eq3A_1056 : i32 to vector<16x50xi32>
    %eq3A_1058 = arith.cmpi eq, %iota3A_109, %eq3A_1057 : vector<16x50xi32>
    %broadcast_in_dim3A_1059 = vector.shape_cast %select_n3A_1052 : vector<16x1xi32> to vector<16x1xi32>
    %broadcast_in_dim3A_1060 = vector.broadcast %broadcast_in_dim3A_1059 : vector<16x1xi32> to vector<16x50xi32>
    %select_n3A_1061 = arith.select %eq3A_1058, %broadcast_in_dim3A_1060, %select_n3A_1008 : vector<16x50xi1>, vector<16x50xi32>
    %get3A_1062 = arith.constant 0 : index
    %get3A_1063 = arith.constant 18 : index
    %get3A_1064 = vector.load %arg5[%get3A_1062, %get3A_1063] : memref<16x50xi32, #tpu.memory_space<vmem>>, vector<16x1xi32>
    %broadcast_in_dim3A_1065 = vector.shape_cast %get3A_1064 : vector<16x1xi32> to vector<16x1x1xi32>
    %eq3A_1066 = vector.broadcast %iota3A : vector<1x50x1xi32> to vector<16x50x1xi32>
    %eq3A_1067 = vector.broadcast %broadcast_in_dim3A_1065 : vector<16x1x1xi32> to vector<16x50x1xi32>
    %eq3A_1068 = arith.cmpi eq, %eq3A_1066, %eq3A_1067 : vector<16x50x1xi32>
    %jit3A_1069 = arith.constant 0.000000e+00 : f32
    %broadcast_in_dim3A_1070 = vector.shape_cast %eq3A_1068 : vector<16x50x1xi1> to vector<16x50x1xi1>
    %broadcast_in_dim3A_1071 = vector.broadcast %broadcast_in_dim3A_1070 : vector<16x50x1xi1> to vector<16x50x50xi1>
    %broadcast_in_dim3A_1072 = vector.broadcast %jit3A_1069 : f32 to vector<16x50x50xf32>
    %select_n3A_1073 = arith.select %broadcast_in_dim3A_1071, %log3A, %broadcast_in_dim3A_1072 : vector<16x50x50xi1>, vector<16x50x50xf32>
    %reduce_sum3A_1074 = arith.constant dense<0.000000e+00> : vector<16x50xf32>
    %reduce_sum3A_1075 = vector.multi_reduction <add>, %select_n3A_1073, %reduce_sum3A_1074 [1] : vector<16x50x50xf32> to vector<16x50xf32>
    %broadcast_in_dim3A_1076 = vector.broadcast %get3A_108 : f32 to vector<16x50xf32>
    %select_n3A_1077 = arith.select %or3A_1055, %broadcast_in_dim3A_1076, %reduce_sum3A_1075 : vector<16x50xi1>, vector<16x50xf32>
    %get3A_1078 = arith.constant 0 : index
    %get3A_1079 = arith.constant 18 : index
    %get3A_1080 = arith.constant 0 : index
    %get3A_1081 = vector.load %arg6[%get3A_1078, %get3A_1079, %get3A_1080] : memref<16x50x51xf32, #tpu.memory_space<vmem>>, vector<16x1x50xf32>
    %get3A_1082 = vector.shape_cast %get3A_1081 : vector<16x1x50xf32> to vector<16x50xf32>
    %add3A_1083 = arith.addf %select_n3A_1077, %get3A_1082 : vector<16x50xf32>
    %get3A_1084 = arith.constant 0 : index
    %get3A_1085 = arith.constant 18 : index
    %get3A_1086 = arith.constant 50 : index
    %get3A_1087 = vector.load %arg6[%get3A_1084, %get3A_1085, %get3A_1086] : memref<16x50x51xf32, #tpu.memory_space<vmem>>, vector<16x1x1xf32>
    %get3A_1088 = vector.shape_cast %get3A_1087 : vector<16x1x1xf32> to vector<16x1xf32>
    %add3A_1089 = vector.broadcast %get3A_105 : f32 to vector<16x1xf32>
    %add3A_1090 = arith.addf %add3A_1089, %get3A_1088 : vector<16x1xf32>
    %reduce_max3A_1091 = arith.constant dense<0xFF800000> : vector<16xf32>
    %reduce_max3A_1092 = vector.multi_reduction <maximumf>, %add3A_1083, %reduce_max3A_1091 [1] : vector<16x50xf32> to vector<16xf32>
    %broadcast_in_dim3A_1093 = vector.shape_cast %reduce_max3A_1092 : vector<16xf32> to vector<16x1xf32>
    %eq3A_1094 = vector.broadcast %broadcast_in_dim3A_1093 : vector<16x1xf32> to vector<16x50xf32>
    %eq3A_1095 = arith.cmpf oeq, %add3A_1083, %eq3A_1094 : vector<16x50xf32>
    %jit3A_1096 = arith.constant 51 : i32
    %broadcast_in_dim3A_1097 = vector.broadcast %jit3A_1096 : i32 to vector<16x50xi32>
    %select_n3A_1098 = arith.select %eq3A_1095, %iota3A_109, %broadcast_in_dim3A_1097 : vector<16x50xi1>, vector<16x50xi32>
    %reduce_min3A_1099 = arith.constant dense<2147483647> : vector<16xi32>
    %reduce_min3A_1100 = vector.multi_reduction <minsi>, %select_n3A_1098, %reduce_min3A_1099 [1] : vector<16x50xi32> to vector<16xi32>
    %broadcast_in_dim3A_1101 = vector.shape_cast %reduce_min3A_1100 : vector<16xi32> to vector<16x1xi32>
    %ge3A_1102 = arith.cmpf oge, %broadcast_in_dim3A_1093, %add3A_1090 : vector<16x1xf32>
    %jit3A_1103 = arith.constant 50 : i32
    %broadcast_in_dim3A_1104 = vector.broadcast %jit3A_1103 : i32 to vector<16x1xi32>
    %select_n3A_1105 = arith.select %ge3A_1102, %broadcast_in_dim3A_1101, %broadcast_in_dim3A_1104 : vector<16x1xi1>, vector<16x1xi32>
    %eq3A_1106 = vector.broadcast %select_n3A_1105 : vector<16x1xi32> to vector<16x50xi32>
    %eq3A_1107 = arith.cmpi eq, %iota3A_109, %eq3A_1106 : vector<16x50xi32>
    %or3A_1108 = arith.ori %or3A_1055, %eq3A_1107 : vector<16x50xi1>
    %eq3A_1109 = arith.constant 18 : i32
    %eq3A_1110 = vector.broadcast %eq3A_1109 : i32 to vector<16x50xi32>
    %eq3A_1111 = arith.cmpi eq, %iota3A_109, %eq3A_1110 : vector<16x50xi32>
    %broadcast_in_dim3A_1112 = vector.shape_cast %select_n3A_1105 : vector<16x1xi32> to vector<16x1xi32>
    %broadcast_in_dim3A_1113 = vector.broadcast %broadcast_in_dim3A_1112 : vector<16x1xi32> to vector<16x50xi32>
    %select_n3A_1114 = arith.select %eq3A_1111, %broadcast_in_dim3A_1113, %select_n3A_1061 : vector<16x50xi1>, vector<16x50xi32>
    %get3A_1115 = arith.constant 0 : index
    %get3A_1116 = arith.constant 19 : index
    %get3A_1117 = vector.load %arg5[%get3A_1115, %get3A_1116] : memref<16x50xi32, #tpu.memory_space<vmem>>, vector<16x1xi32>
    %broadcast_in_dim3A_1118 = vector.shape_cast %get3A_1117 : vector<16x1xi32> to vector<16x1x1xi32>
    %eq3A_1119 = vector.broadcast %iota3A : vector<1x50x1xi32> to vector<16x50x1xi32>
    %eq3A_1120 = vector.broadcast %broadcast_in_dim3A_1118 : vector<16x1x1xi32> to vector<16x50x1xi32>
    %eq3A_1121 = arith.cmpi eq, %eq3A_1119, %eq3A_1120 : vector<16x50x1xi32>
    %jit3A_1122 = arith.constant 0.000000e+00 : f32
    %broadcast_in_dim3A_1123 = vector.shape_cast %eq3A_1121 : vector<16x50x1xi1> to vector<16x50x1xi1>
    %broadcast_in_dim3A_1124 = vector.broadcast %broadcast_in_dim3A_1123 : vector<16x50x1xi1> to vector<16x50x50xi1>
    %broadcast_in_dim3A_1125 = vector.broadcast %jit3A_1122 : f32 to vector<16x50x50xf32>
    %select_n3A_1126 = arith.select %broadcast_in_dim3A_1124, %log3A, %broadcast_in_dim3A_1125 : vector<16x50x50xi1>, vector<16x50x50xf32>
    %reduce_sum3A_1127 = arith.constant dense<0.000000e+00> : vector<16x50xf32>
    %reduce_sum3A_1128 = vector.multi_reduction <add>, %select_n3A_1126, %reduce_sum3A_1127 [1] : vector<16x50x50xf32> to vector<16x50xf32>
    %broadcast_in_dim3A_1129 = vector.broadcast %get3A_108 : f32 to vector<16x50xf32>
    %select_n3A_1130 = arith.select %or3A_1108, %broadcast_in_dim3A_1129, %reduce_sum3A_1128 : vector<16x50xi1>, vector<16x50xf32>
    %get3A_1131 = arith.constant 0 : index
    %get3A_1132 = arith.constant 19 : index
    %get3A_1133 = arith.constant 0 : index
    %get3A_1134 = vector.load %arg6[%get3A_1131, %get3A_1132, %get3A_1133] : memref<16x50x51xf32, #tpu.memory_space<vmem>>, vector<16x1x50xf32>
    %get3A_1135 = vector.shape_cast %get3A_1134 : vector<16x1x50xf32> to vector<16x50xf32>
    %add3A_1136 = arith.addf %select_n3A_1130, %get3A_1135 : vector<16x50xf32>
    %get3A_1137 = arith.constant 0 : index
    %get3A_1138 = arith.constant 19 : index
    %get3A_1139 = arith.constant 50 : index
    %get3A_1140 = vector.load %arg6[%get3A_1137, %get3A_1138, %get3A_1139] : memref<16x50x51xf32, #tpu.memory_space<vmem>>, vector<16x1x1xf32>
    %get3A_1141 = vector.shape_cast %get3A_1140 : vector<16x1x1xf32> to vector<16x1xf32>
    %add3A_1142 = vector.broadcast %get3A_105 : f32 to vector<16x1xf32>
    %add3A_1143 = arith.addf %add3A_1142, %get3A_1141 : vector<16x1xf32>
    %reduce_max3A_1144 = arith.constant dense<0xFF800000> : vector<16xf32>
    %reduce_max3A_1145 = vector.multi_reduction <maximumf>, %add3A_1136, %reduce_max3A_1144 [1] : vector<16x50xf32> to vector<16xf32>
    %broadcast_in_dim3A_1146 = vector.shape_cast %reduce_max3A_1145 : vector<16xf32> to vector<16x1xf32>
    %eq3A_1147 = vector.broadcast %broadcast_in_dim3A_1146 : vector<16x1xf32> to vector<16x50xf32>
    %eq3A_1148 = arith.cmpf oeq, %add3A_1136, %eq3A_1147 : vector<16x50xf32>
    %jit3A_1149 = arith.constant 51 : i32
    %broadcast_in_dim3A_1150 = vector.broadcast %jit3A_1149 : i32 to vector<16x50xi32>
    %select_n3A_1151 = arith.select %eq3A_1148, %iota3A_109, %broadcast_in_dim3A_1150 : vector<16x50xi1>, vector<16x50xi32>
    %reduce_min3A_1152 = arith.constant dense<2147483647> : vector<16xi32>
    %reduce_min3A_1153 = vector.multi_reduction <minsi>, %select_n3A_1151, %reduce_min3A_1152 [1] : vector<16x50xi32> to vector<16xi32>
    %broadcast_in_dim3A_1154 = vector.shape_cast %reduce_min3A_1153 : vector<16xi32> to vector<16x1xi32>
    %ge3A_1155 = arith.cmpf oge, %broadcast_in_dim3A_1146, %add3A_1143 : vector<16x1xf32>
    %jit3A_1156 = arith.constant 50 : i32
    %broadcast_in_dim3A_1157 = vector.broadcast %jit3A_1156 : i32 to vector<16x1xi32>
    %select_n3A_1158 = arith.select %ge3A_1155, %broadcast_in_dim3A_1154, %broadcast_in_dim3A_1157 : vector<16x1xi1>, vector<16x1xi32>
    %eq3A_1159 = vector.broadcast %select_n3A_1158 : vector<16x1xi32> to vector<16x50xi32>
    %eq3A_1160 = arith.cmpi eq, %iota3A_109, %eq3A_1159 : vector<16x50xi32>
    %or3A_1161 = arith.ori %or3A_1108, %eq3A_1160 : vector<16x50xi1>
    %eq3A_1162 = arith.constant 19 : i32
    %eq3A_1163 = vector.broadcast %eq3A_1162 : i32 to vector<16x50xi32>
    %eq3A_1164 = arith.cmpi eq, %iota3A_109, %eq3A_1163 : vector<16x50xi32>
    %broadcast_in_dim3A_1165 = vector.shape_cast %select_n3A_1158 : vector<16x1xi32> to vector<16x1xi32>
    %broadcast_in_dim3A_1166 = vector.broadcast %broadcast_in_dim3A_1165 : vector<16x1xi32> to vector<16x50xi32>
    %select_n3A_1167 = arith.select %eq3A_1164, %broadcast_in_dim3A_1166, %select_n3A_1114 : vector<16x50xi1>, vector<16x50xi32>
    %get3A_1168 = arith.constant 0 : index
    %get3A_1169 = arith.constant 20 : index
    %get3A_1170 = vector.load %arg5[%get3A_1168, %get3A_1169] : memref<16x50xi32, #tpu.memory_space<vmem>>, vector<16x1xi32>
    %broadcast_in_dim3A_1171 = vector.shape_cast %get3A_1170 : vector<16x1xi32> to vector<16x1x1xi32>
    %eq3A_1172 = vector.broadcast %iota3A : vector<1x50x1xi32> to vector<16x50x1xi32>
    %eq3A_1173 = vector.broadcast %broadcast_in_dim3A_1171 : vector<16x1x1xi32> to vector<16x50x1xi32>
    %eq3A_1174 = arith.cmpi eq, %eq3A_1172, %eq3A_1173 : vector<16x50x1xi32>
    %jit3A_1175 = arith.constant 0.000000e+00 : f32
    %broadcast_in_dim3A_1176 = vector.shape_cast %eq3A_1174 : vector<16x50x1xi1> to vector<16x50x1xi1>
    %broadcast_in_dim3A_1177 = vector.broadcast %broadcast_in_dim3A_1176 : vector<16x50x1xi1> to vector<16x50x50xi1>
    %broadcast_in_dim3A_1178 = vector.broadcast %jit3A_1175 : f32 to vector<16x50x50xf32>
    %select_n3A_1179 = arith.select %broadcast_in_dim3A_1177, %log3A, %broadcast_in_dim3A_1178 : vector<16x50x50xi1>, vector<16x50x50xf32>
    %reduce_sum3A_1180 = arith.constant dense<0.000000e+00> : vector<16x50xf32>
    %reduce_sum3A_1181 = vector.multi_reduction <add>, %select_n3A_1179, %reduce_sum3A_1180 [1] : vector<16x50x50xf32> to vector<16x50xf32>
    %broadcast_in_dim3A_1182 = vector.broadcast %get3A_108 : f32 to vector<16x50xf32>
    %select_n3A_1183 = arith.select %or3A_1161, %broadcast_in_dim3A_1182, %reduce_sum3A_1181 : vector<16x50xi1>, vector<16x50xf32>
    %get3A_1184 = arith.constant 0 : index
    %get3A_1185 = arith.constant 20 : index
    %get3A_1186 = arith.constant 0 : index
    %get3A_1187 = vector.load %arg6[%get3A_1184, %get3A_1185, %get3A_1186] : memref<16x50x51xf32, #tpu.memory_space<vmem>>, vector<16x1x50xf32>
    %get3A_1188 = vector.shape_cast %get3A_1187 : vector<16x1x50xf32> to vector<16x50xf32>
    %add3A_1189 = arith.addf %select_n3A_1183, %get3A_1188 : vector<16x50xf32>
    %get3A_1190 = arith.constant 0 : index
    %get3A_1191 = arith.constant 20 : index
    %get3A_1192 = arith.constant 50 : index
    %get3A_1193 = vector.load %arg6[%get3A_1190, %get3A_1191, %get3A_1192] : memref<16x50x51xf32, #tpu.memory_space<vmem>>, vector<16x1x1xf32>
    %get3A_1194 = vector.shape_cast %get3A_1193 : vector<16x1x1xf32> to vector<16x1xf32>
    %add3A_1195 = vector.broadcast %get3A_105 : f32 to vector<16x1xf32>
    %add3A_1196 = arith.addf %add3A_1195, %get3A_1194 : vector<16x1xf32>
    %reduce_max3A_1197 = arith.constant dense<0xFF800000> : vector<16xf32>
    %reduce_max3A_1198 = vector.multi_reduction <maximumf>, %add3A_1189, %reduce_max3A_1197 [1] : vector<16x50xf32> to vector<16xf32>
    %broadcast_in_dim3A_1199 = vector.shape_cast %reduce_max3A_1198 : vector<16xf32> to vector<16x1xf32>
    %eq3A_1200 = vector.broadcast %broadcast_in_dim3A_1199 : vector<16x1xf32> to vector<16x50xf32>
    %eq3A_1201 = arith.cmpf oeq, %add3A_1189, %eq3A_1200 : vector<16x50xf32>
    %jit3A_1202 = arith.constant 51 : i32
    %broadcast_in_dim3A_1203 = vector.broadcast %jit3A_1202 : i32 to vector<16x50xi32>
    %select_n3A_1204 = arith.select %eq3A_1201, %iota3A_109, %broadcast_in_dim3A_1203 : vector<16x50xi1>, vector<16x50xi32>
    %reduce_min3A_1205 = arith.constant dense<2147483647> : vector<16xi32>
    %reduce_min3A_1206 = vector.multi_reduction <minsi>, %select_n3A_1204, %reduce_min3A_1205 [1] : vector<16x50xi32> to vector<16xi32>
    %broadcast_in_dim3A_1207 = vector.shape_cast %reduce_min3A_1206 : vector<16xi32> to vector<16x1xi32>
    %ge3A_1208 = arith.cmpf oge, %broadcast_in_dim3A_1199, %add3A_1196 : vector<16x1xf32>
    %jit3A_1209 = arith.constant 50 : i32
    %broadcast_in_dim3A_1210 = vector.broadcast %jit3A_1209 : i32 to vector<16x1xi32>
    %select_n3A_1211 = arith.select %ge3A_1208, %broadcast_in_dim3A_1207, %broadcast_in_dim3A_1210 : vector<16x1xi1>, vector<16x1xi32>
    %eq3A_1212 = vector.broadcast %select_n3A_1211 : vector<16x1xi32> to vector<16x50xi32>
    %eq3A_1213 = arith.cmpi eq, %iota3A_109, %eq3A_1212 : vector<16x50xi32>
    %or3A_1214 = arith.ori %or3A_1161, %eq3A_1213 : vector<16x50xi1>
    %eq3A_1215 = arith.constant 20 : i32
    %eq3A_1216 = vector.broadcast %eq3A_1215 : i32 to vector<16x50xi32>
    %eq3A_1217 = arith.cmpi eq, %iota3A_109, %eq3A_1216 : vector<16x50xi32>
    %broadcast_in_dim3A_1218 = vector.shape_cast %select_n3A_1211 : vector<16x1xi32> to vector<16x1xi32>
    %broadcast_in_dim3A_1219 = vector.broadcast %broadcast_in_dim3A_1218 : vector<16x1xi32> to vector<16x50xi32>
    %select_n3A_1220 = arith.select %eq3A_1217, %broadcast_in_dim3A_1219, %select_n3A_1167 : vector<16x50xi1>, vector<16x50xi32>
    %get3A_1221 = arith.constant 0 : index
    %get3A_1222 = arith.constant 21 : index
    %get3A_1223 = vector.load %arg5[%get3A_1221, %get3A_1222] : memref<16x50xi32, #tpu.memory_space<vmem>>, vector<16x1xi32>
    %broadcast_in_dim3A_1224 = vector.shape_cast %get3A_1223 : vector<16x1xi32> to vector<16x1x1xi32>
    %eq3A_1225 = vector.broadcast %iota3A : vector<1x50x1xi32> to vector<16x50x1xi32>
    %eq3A_1226 = vector.broadcast %broadcast_in_dim3A_1224 : vector<16x1x1xi32> to vector<16x50x1xi32>
    %eq3A_1227 = arith.cmpi eq, %eq3A_1225, %eq3A_1226 : vector<16x50x1xi32>
    %jit3A_1228 = arith.constant 0.000000e+00 : f32
    %broadcast_in_dim3A_1229 = vector.shape_cast %eq3A_1227 : vector<16x50x1xi1> to vector<16x50x1xi1>
    %broadcast_in_dim3A_1230 = vector.broadcast %broadcast_in_dim3A_1229 : vector<16x50x1xi1> to vector<16x50x50xi1>
    %broadcast_in_dim3A_1231 = vector.broadcast %jit3A_1228 : f32 to vector<16x50x50xf32>
    %select_n3A_1232 = arith.select %broadcast_in_dim3A_1230, %log3A, %broadcast_in_dim3A_1231 : vector<16x50x50xi1>, vector<16x50x50xf32>
    %reduce_sum3A_1233 = arith.constant dense<0.000000e+00> : vector<16x50xf32>
    %reduce_sum3A_1234 = vector.multi_reduction <add>, %select_n3A_1232, %reduce_sum3A_1233 [1] : vector<16x50x50xf32> to vector<16x50xf32>
    %broadcast_in_dim3A_1235 = vector.broadcast %get3A_108 : f32 to vector<16x50xf32>
    %select_n3A_1236 = arith.select %or3A_1214, %broadcast_in_dim3A_1235, %reduce_sum3A_1234 : vector<16x50xi1>, vector<16x50xf32>
    %get3A_1237 = arith.constant 0 : index
    %get3A_1238 = arith.constant 21 : index
    %get3A_1239 = arith.constant 0 : index
    %get3A_1240 = vector.load %arg6[%get3A_1237, %get3A_1238, %get3A_1239] : memref<16x50x51xf32, #tpu.memory_space<vmem>>, vector<16x1x50xf32>
    %get3A_1241 = vector.shape_cast %get3A_1240 : vector<16x1x50xf32> to vector<16x50xf32>
    %add3A_1242 = arith.addf %select_n3A_1236, %get3A_1241 : vector<16x50xf32>
    %get3A_1243 = arith.constant 0 : index
    %get3A_1244 = arith.constant 21 : index
    %get3A_1245 = arith.constant 50 : index
    %get3A_1246 = vector.load %arg6[%get3A_1243, %get3A_1244, %get3A_1245] : memref<16x50x51xf32, #tpu.memory_space<vmem>>, vector<16x1x1xf32>
    %get3A_1247 = vector.shape_cast %get3A_1246 : vector<16x1x1xf32> to vector<16x1xf32>
    %add3A_1248 = vector.broadcast %get3A_105 : f32 to vector<16x1xf32>
    %add3A_1249 = arith.addf %add3A_1248, %get3A_1247 : vector<16x1xf32>
    %reduce_max3A_1250 = arith.constant dense<0xFF800000> : vector<16xf32>
    %reduce_max3A_1251 = vector.multi_reduction <maximumf>, %add3A_1242, %reduce_max3A_1250 [1] : vector<16x50xf32> to vector<16xf32>
    %broadcast_in_dim3A_1252 = vector.shape_cast %reduce_max3A_1251 : vector<16xf32> to vector<16x1xf32>
    %eq3A_1253 = vector.broadcast %broadcast_in_dim3A_1252 : vector<16x1xf32> to vector<16x50xf32>
    %eq3A_1254 = arith.cmpf oeq, %add3A_1242, %eq3A_1253 : vector<16x50xf32>
    %jit3A_1255 = arith.constant 51 : i32
    %broadcast_in_dim3A_1256 = vector.broadcast %jit3A_1255 : i32 to vector<16x50xi32>
    %select_n3A_1257 = arith.select %eq3A_1254, %iota3A_109, %broadcast_in_dim3A_1256 : vector<16x50xi1>, vector<16x50xi32>
    %reduce_min3A_1258 = arith.constant dense<2147483647> : vector<16xi32>
    %reduce_min3A_1259 = vector.multi_reduction <minsi>, %select_n3A_1257, %reduce_min3A_1258 [1] : vector<16x50xi32> to vector<16xi32>
    %broadcast_in_dim3A_1260 = vector.shape_cast %reduce_min3A_1259 : vector<16xi32> to vector<16x1xi32>
    %ge3A_1261 = arith.cmpf oge, %broadcast_in_dim3A_1252, %add3A_1249 : vector<16x1xf32>
    %jit3A_1262 = arith.constant 50 : i32
    %broadcast_in_dim3A_1263 = vector.broadcast %jit3A_1262 : i32 to vector<16x1xi32>
    %select_n3A_1264 = arith.select %ge3A_1261, %broadcast_in_dim3A_1260, %broadcast_in_dim3A_1263 : vector<16x1xi1>, vector<16x1xi32>
    %eq3A_1265 = vector.broadcast %select_n3A_1264 : vector<16x1xi32> to vector<16x50xi32>
    %eq3A_1266 = arith.cmpi eq, %iota3A_109, %eq3A_1265 : vector<16x50xi32>
    %or3A_1267 = arith.ori %or3A_1214, %eq3A_1266 : vector<16x50xi1>
    %eq3A_1268 = arith.constant 21 : i32
    %eq3A_1269 = vector.broadcast %eq3A_1268 : i32 to vector<16x50xi32>
    %eq3A_1270 = arith.cmpi eq, %iota3A_109, %eq3A_1269 : vector<16x50xi32>
    %broadcast_in_dim3A_1271 = vector.shape_cast %select_n3A_1264 : vector<16x1xi32> to vector<16x1xi32>
    %broadcast_in_dim3A_1272 = vector.broadcast %broadcast_in_dim3A_1271 : vector<16x1xi32> to vector<16x50xi32>
    %select_n3A_1273 = arith.select %eq3A_1270, %broadcast_in_dim3A_1272, %select_n3A_1220 : vector<16x50xi1>, vector<16x50xi32>
    %get3A_1274 = arith.constant 0 : index
    %get3A_1275 = arith.constant 22 : index
    %get3A_1276 = vector.load %arg5[%get3A_1274, %get3A_1275] : memref<16x50xi32, #tpu.memory_space<vmem>>, vector<16x1xi32>
    %broadcast_in_dim3A_1277 = vector.shape_cast %get3A_1276 : vector<16x1xi32> to vector<16x1x1xi32>
    %eq3A_1278 = vector.broadcast %iota3A : vector<1x50x1xi32> to vector<16x50x1xi32>
    %eq3A_1279 = vector.broadcast %broadcast_in_dim3A_1277 : vector<16x1x1xi32> to vector<16x50x1xi32>
    %eq3A_1280 = arith.cmpi eq, %eq3A_1278, %eq3A_1279 : vector<16x50x1xi32>
    %jit3A_1281 = arith.constant 0.000000e+00 : f32
    %broadcast_in_dim3A_1282 = vector.shape_cast %eq3A_1280 : vector<16x50x1xi1> to vector<16x50x1xi1>
    %broadcast_in_dim3A_1283 = vector.broadcast %broadcast_in_dim3A_1282 : vector<16x50x1xi1> to vector<16x50x50xi1>
    %broadcast_in_dim3A_1284 = vector.broadcast %jit3A_1281 : f32 to vector<16x50x50xf32>
    %select_n3A_1285 = arith.select %broadcast_in_dim3A_1283, %log3A, %broadcast_in_dim3A_1284 : vector<16x50x50xi1>, vector<16x50x50xf32>
    %reduce_sum3A_1286 = arith.constant dense<0.000000e+00> : vector<16x50xf32>
    %reduce_sum3A_1287 = vector.multi_reduction <add>, %select_n3A_1285, %reduce_sum3A_1286 [1] : vector<16x50x50xf32> to vector<16x50xf32>
    %broadcast_in_dim3A_1288 = vector.broadcast %get3A_108 : f32 to vector<16x50xf32>
    %select_n3A_1289 = arith.select %or3A_1267, %broadcast_in_dim3A_1288, %reduce_sum3A_1287 : vector<16x50xi1>, vector<16x50xf32>
    %get3A_1290 = arith.constant 0 : index
    %get3A_1291 = arith.constant 22 : index
    %get3A_1292 = arith.constant 0 : index
    %get3A_1293 = vector.load %arg6[%get3A_1290, %get3A_1291, %get3A_1292] : memref<16x50x51xf32, #tpu.memory_space<vmem>>, vector<16x1x50xf32>
    %get3A_1294 = vector.shape_cast %get3A_1293 : vector<16x1x50xf32> to vector<16x50xf32>
    %add3A_1295 = arith.addf %select_n3A_1289, %get3A_1294 : vector<16x50xf32>
    %get3A_1296 = arith.constant 0 : index
    %get3A_1297 = arith.constant 22 : index
    %get3A_1298 = arith.constant 50 : index
    %get3A_1299 = vector.load %arg6[%get3A_1296, %get3A_1297, %get3A_1298] : memref<16x50x51xf32, #tpu.memory_space<vmem>>, vector<16x1x1xf32>
    %get3A_1300 = vector.shape_cast %get3A_1299 : vector<16x1x1xf32> to vector<16x1xf32>
    %add3A_1301 = vector.broadcast %get3A_105 : f32 to vector<16x1xf32>
    %add3A_1302 = arith.addf %add3A_1301, %get3A_1300 : vector<16x1xf32>
    %reduce_max3A_1303 = arith.constant dense<0xFF800000> : vector<16xf32>
    %reduce_max3A_1304 = vector.multi_reduction <maximumf>, %add3A_1295, %reduce_max3A_1303 [1] : vector<16x50xf32> to vector<16xf32>
    %broadcast_in_dim3A_1305 = vector.shape_cast %reduce_max3A_1304 : vector<16xf32> to vector<16x1xf32>
    %eq3A_1306 = vector.broadcast %broadcast_in_dim3A_1305 : vector<16x1xf32> to vector<16x50xf32>
    %eq3A_1307 = arith.cmpf oeq, %add3A_1295, %eq3A_1306 : vector<16x50xf32>
    %jit3A_1308 = arith.constant 51 : i32
    %broadcast_in_dim3A_1309 = vector.broadcast %jit3A_1308 : i32 to vector<16x50xi32>
    %select_n3A_1310 = arith.select %eq3A_1307, %iota3A_109, %broadcast_in_dim3A_1309 : vector<16x50xi1>, vector<16x50xi32>
    %reduce_min3A_1311 = arith.constant dense<2147483647> : vector<16xi32>
    %reduce_min3A_1312 = vector.multi_reduction <minsi>, %select_n3A_1310, %reduce_min3A_1311 [1] : vector<16x50xi32> to vector<16xi32>
    %broadcast_in_dim3A_1313 = vector.shape_cast %reduce_min3A_1312 : vector<16xi32> to vector<16x1xi32>
    %ge3A_1314 = arith.cmpf oge, %broadcast_in_dim3A_1305, %add3A_1302 : vector<16x1xf32>
    %jit3A_1315 = arith.constant 50 : i32
    %broadcast_in_dim3A_1316 = vector.broadcast %jit3A_1315 : i32 to vector<16x1xi32>
    %select_n3A_1317 = arith.select %ge3A_1314, %broadcast_in_dim3A_1313, %broadcast_in_dim3A_1316 : vector<16x1xi1>, vector<16x1xi32>
    %eq3A_1318 = vector.broadcast %select_n3A_1317 : vector<16x1xi32> to vector<16x50xi32>
    %eq3A_1319 = arith.cmpi eq, %iota3A_109, %eq3A_1318 : vector<16x50xi32>
    %or3A_1320 = arith.ori %or3A_1267, %eq3A_1319 : vector<16x50xi1>
    %eq3A_1321 = arith.constant 22 : i32
    %eq3A_1322 = vector.broadcast %eq3A_1321 : i32 to vector<16x50xi32>
    %eq3A_1323 = arith.cmpi eq, %iota3A_109, %eq3A_1322 : vector<16x50xi32>
    %broadcast_in_dim3A_1324 = vector.shape_cast %select_n3A_1317 : vector<16x1xi32> to vector<16x1xi32>
    %broadcast_in_dim3A_1325 = vector.broadcast %broadcast_in_dim3A_1324 : vector<16x1xi32> to vector<16x50xi32>
    %select_n3A_1326 = arith.select %eq3A_1323, %broadcast_in_dim3A_1325, %select_n3A_1273 : vector<16x50xi1>, vector<16x50xi32>
    %get3A_1327 = arith.constant 0 : index
    %get3A_1328 = arith.constant 23 : index
    %get3A_1329 = vector.load %arg5[%get3A_1327, %get3A_1328] : memref<16x50xi32, #tpu.memory_space<vmem>>, vector<16x1xi32>
    %broadcast_in_dim3A_1330 = vector.shape_cast %get3A_1329 : vector<16x1xi32> to vector<16x1x1xi32>
    %eq3A_1331 = vector.broadcast %iota3A : vector<1x50x1xi32> to vector<16x50x1xi32>
    %eq3A_1332 = vector.broadcast %broadcast_in_dim3A_1330 : vector<16x1x1xi32> to vector<16x50x1xi32>
    %eq3A_1333 = arith.cmpi eq, %eq3A_1331, %eq3A_1332 : vector<16x50x1xi32>
    %jit3A_1334 = arith.constant 0.000000e+00 : f32
    %broadcast_in_dim3A_1335 = vector.shape_cast %eq3A_1333 : vector<16x50x1xi1> to vector<16x50x1xi1>
    %broadcast_in_dim3A_1336 = vector.broadcast %broadcast_in_dim3A_1335 : vector<16x50x1xi1> to vector<16x50x50xi1>
    %broadcast_in_dim3A_1337 = vector.broadcast %jit3A_1334 : f32 to vector<16x50x50xf32>
    %select_n3A_1338 = arith.select %broadcast_in_dim3A_1336, %log3A, %broadcast_in_dim3A_1337 : vector<16x50x50xi1>, vector<16x50x50xf32>
    %reduce_sum3A_1339 = arith.constant dense<0.000000e+00> : vector<16x50xf32>
    %reduce_sum3A_1340 = vector.multi_reduction <add>, %select_n3A_1338, %reduce_sum3A_1339 [1] : vector<16x50x50xf32> to vector<16x50xf32>
    %broadcast_in_dim3A_1341 = vector.broadcast %get3A_108 : f32 to vector<16x50xf32>
    %select_n3A_1342 = arith.select %or3A_1320, %broadcast_in_dim3A_1341, %reduce_sum3A_1340 : vector<16x50xi1>, vector<16x50xf32>
    %get3A_1343 = arith.constant 0 : index
    %get3A_1344 = arith.constant 23 : index
    %get3A_1345 = arith.constant 0 : index
    %get3A_1346 = vector.load %arg6[%get3A_1343, %get3A_1344, %get3A_1345] : memref<16x50x51xf32, #tpu.memory_space<vmem>>, vector<16x1x50xf32>
    %get3A_1347 = vector.shape_cast %get3A_1346 : vector<16x1x50xf32> to vector<16x50xf32>
    %add3A_1348 = arith.addf %select_n3A_1342, %get3A_1347 : vector<16x50xf32>
    %get3A_1349 = arith.constant 0 : index
    %get3A_1350 = arith.constant 23 : index
    %get3A_1351 = arith.constant 50 : index
    %get3A_1352 = vector.load %arg6[%get3A_1349, %get3A_1350, %get3A_1351] : memref<16x50x51xf32, #tpu.memory_space<vmem>>, vector<16x1x1xf32>
    %get3A_1353 = vector.shape_cast %get3A_1352 : vector<16x1x1xf32> to vector<16x1xf32>
    %add3A_1354 = vector.broadcast %get3A_105 : f32 to vector<16x1xf32>
    %add3A_1355 = arith.addf %add3A_1354, %get3A_1353 : vector<16x1xf32>
    %reduce_max3A_1356 = arith.constant dense<0xFF800000> : vector<16xf32>
    %reduce_max3A_1357 = vector.multi_reduction <maximumf>, %add3A_1348, %reduce_max3A_1356 [1] : vector<16x50xf32> to vector<16xf32>
    %broadcast_in_dim3A_1358 = vector.shape_cast %reduce_max3A_1357 : vector<16xf32> to vector<16x1xf32>
    %eq3A_1359 = vector.broadcast %broadcast_in_dim3A_1358 : vector<16x1xf32> to vector<16x50xf32>
    %eq3A_1360 = arith.cmpf oeq, %add3A_1348, %eq3A_1359 : vector<16x50xf32>
    %jit3A_1361 = arith.constant 51 : i32
    %broadcast_in_dim3A_1362 = vector.broadcast %jit3A_1361 : i32 to vector<16x50xi32>
    %select_n3A_1363 = arith.select %eq3A_1360, %iota3A_109, %broadcast_in_dim3A_1362 : vector<16x50xi1>, vector<16x50xi32>
    %reduce_min3A_1364 = arith.constant dense<2147483647> : vector<16xi32>
    %reduce_min3A_1365 = vector.multi_reduction <minsi>, %select_n3A_1363, %reduce_min3A_1364 [1] : vector<16x50xi32> to vector<16xi32>
    %broadcast_in_dim3A_1366 = vector.shape_cast %reduce_min3A_1365 : vector<16xi32> to vector<16x1xi32>
    %ge3A_1367 = arith.cmpf oge, %broadcast_in_dim3A_1358, %add3A_1355 : vector<16x1xf32>
    %jit3A_1368 = arith.constant 50 : i32
    %broadcast_in_dim3A_1369 = vector.broadcast %jit3A_1368 : i32 to vector<16x1xi32>
    %select_n3A_1370 = arith.select %ge3A_1367, %broadcast_in_dim3A_1366, %broadcast_in_dim3A_1369 : vector<16x1xi1>, vector<16x1xi32>
    %eq3A_1371 = vector.broadcast %select_n3A_1370 : vector<16x1xi32> to vector<16x50xi32>
    %eq3A_1372 = arith.cmpi eq, %iota3A_109, %eq3A_1371 : vector<16x50xi32>
    %or3A_1373 = arith.ori %or3A_1320, %eq3A_1372 : vector<16x50xi1>
    %eq3A_1374 = arith.constant 23 : i32
    %eq3A_1375 = vector.broadcast %eq3A_1374 : i32 to vector<16x50xi32>
    %eq3A_1376 = arith.cmpi eq, %iota3A_109, %eq3A_1375 : vector<16x50xi32>
    %broadcast_in_dim3A_1377 = vector.shape_cast %select_n3A_1370 : vector<16x1xi32> to vector<16x1xi32>
    %broadcast_in_dim3A_1378 = vector.broadcast %broadcast_in_dim3A_1377 : vector<16x1xi32> to vector<16x50xi32>
    %select_n3A_1379 = arith.select %eq3A_1376, %broadcast_in_dim3A_1378, %select_n3A_1326 : vector<16x50xi1>, vector<16x50xi32>
    %get3A_1380 = arith.constant 0 : index
    %get3A_1381 = arith.constant 24 : index
    %get3A_1382 = vector.load %arg5[%get3A_1380, %get3A_1381] : memref<16x50xi32, #tpu.memory_space<vmem>>, vector<16x1xi32>
    %broadcast_in_dim3A_1383 = vector.shape_cast %get3A_1382 : vector<16x1xi32> to vector<16x1x1xi32>
    %eq3A_1384 = vector.broadcast %iota3A : vector<1x50x1xi32> to vector<16x50x1xi32>
    %eq3A_1385 = vector.broadcast %broadcast_in_dim3A_1383 : vector<16x1x1xi32> to vector<16x50x1xi32>
    %eq3A_1386 = arith.cmpi eq, %eq3A_1384, %eq3A_1385 : vector<16x50x1xi32>
    %jit3A_1387 = arith.constant 0.000000e+00 : f32
    %broadcast_in_dim3A_1388 = vector.shape_cast %eq3A_1386 : vector<16x50x1xi1> to vector<16x50x1xi1>
    %broadcast_in_dim3A_1389 = vector.broadcast %broadcast_in_dim3A_1388 : vector<16x50x1xi1> to vector<16x50x50xi1>
    %broadcast_in_dim3A_1390 = vector.broadcast %jit3A_1387 : f32 to vector<16x50x50xf32>
    %select_n3A_1391 = arith.select %broadcast_in_dim3A_1389, %log3A, %broadcast_in_dim3A_1390 : vector<16x50x50xi1>, vector<16x50x50xf32>
    %reduce_sum3A_1392 = arith.constant dense<0.000000e+00> : vector<16x50xf32>
    %reduce_sum3A_1393 = vector.multi_reduction <add>, %select_n3A_1391, %reduce_sum3A_1392 [1] : vector<16x50x50xf32> to vector<16x50xf32>
    %broadcast_in_dim3A_1394 = vector.broadcast %get3A_108 : f32 to vector<16x50xf32>
    %select_n3A_1395 = arith.select %or3A_1373, %broadcast_in_dim3A_1394, %reduce_sum3A_1393 : vector<16x50xi1>, vector<16x50xf32>
    %get3A_1396 = arith.constant 0 : index
    %get3A_1397 = arith.constant 24 : index
    %get3A_1398 = arith.constant 0 : index
    %get3A_1399 = vector.load %arg6[%get3A_1396, %get3A_1397, %get3A_1398] : memref<16x50x51xf32, #tpu.memory_space<vmem>>, vector<16x1x50xf32>
    %get3A_1400 = vector.shape_cast %get3A_1399 : vector<16x1x50xf32> to vector<16x50xf32>
    %add3A_1401 = arith.addf %select_n3A_1395, %get3A_1400 : vector<16x50xf32>
    %get3A_1402 = arith.constant 0 : index
    %get3A_1403 = arith.constant 24 : index
    %get3A_1404 = arith.constant 50 : index
    %get3A_1405 = vector.load %arg6[%get3A_1402, %get3A_1403, %get3A_1404] : memref<16x50x51xf32, #tpu.memory_space<vmem>>, vector<16x1x1xf32>
    %get3A_1406 = vector.shape_cast %get3A_1405 : vector<16x1x1xf32> to vector<16x1xf32>
    %add3A_1407 = vector.broadcast %get3A_105 : f32 to vector<16x1xf32>
    %add3A_1408 = arith.addf %add3A_1407, %get3A_1406 : vector<16x1xf32>
    %reduce_max3A_1409 = arith.constant dense<0xFF800000> : vector<16xf32>
    %reduce_max3A_1410 = vector.multi_reduction <maximumf>, %add3A_1401, %reduce_max3A_1409 [1] : vector<16x50xf32> to vector<16xf32>
    %broadcast_in_dim3A_1411 = vector.shape_cast %reduce_max3A_1410 : vector<16xf32> to vector<16x1xf32>
    %eq3A_1412 = vector.broadcast %broadcast_in_dim3A_1411 : vector<16x1xf32> to vector<16x50xf32>
    %eq3A_1413 = arith.cmpf oeq, %add3A_1401, %eq3A_1412 : vector<16x50xf32>
    %jit3A_1414 = arith.constant 51 : i32
    %broadcast_in_dim3A_1415 = vector.broadcast %jit3A_1414 : i32 to vector<16x50xi32>
    %select_n3A_1416 = arith.select %eq3A_1413, %iota3A_109, %broadcast_in_dim3A_1415 : vector<16x50xi1>, vector<16x50xi32>
    %reduce_min3A_1417 = arith.constant dense<2147483647> : vector<16xi32>
    %reduce_min3A_1418 = vector.multi_reduction <minsi>, %select_n3A_1416, %reduce_min3A_1417 [1] : vector<16x50xi32> to vector<16xi32>
    %broadcast_in_dim3A_1419 = vector.shape_cast %reduce_min3A_1418 : vector<16xi32> to vector<16x1xi32>
    %ge3A_1420 = arith.cmpf oge, %broadcast_in_dim3A_1411, %add3A_1408 : vector<16x1xf32>
    %jit3A_1421 = arith.constant 50 : i32
    %broadcast_in_dim3A_1422 = vector.broadcast %jit3A_1421 : i32 to vector<16x1xi32>
    %select_n3A_1423 = arith.select %ge3A_1420, %broadcast_in_dim3A_1419, %broadcast_in_dim3A_1422 : vector<16x1xi1>, vector<16x1xi32>
    %eq3A_1424 = vector.broadcast %select_n3A_1423 : vector<16x1xi32> to vector<16x50xi32>
    %eq3A_1425 = arith.cmpi eq, %iota3A_109, %eq3A_1424 : vector<16x50xi32>
    %or3A_1426 = arith.ori %or3A_1373, %eq3A_1425 : vector<16x50xi1>
    %eq3A_1427 = arith.constant 24 : i32
    %eq3A_1428 = vector.broadcast %eq3A_1427 : i32 to vector<16x50xi32>
    %eq3A_1429 = arith.cmpi eq, %iota3A_109, %eq3A_1428 : vector<16x50xi32>
    %broadcast_in_dim3A_1430 = vector.shape_cast %select_n3A_1423 : vector<16x1xi32> to vector<16x1xi32>
    %broadcast_in_dim3A_1431 = vector.broadcast %broadcast_in_dim3A_1430 : vector<16x1xi32> to vector<16x50xi32>
    %select_n3A_1432 = arith.select %eq3A_1429, %broadcast_in_dim3A_1431, %select_n3A_1379 : vector<16x50xi1>, vector<16x50xi32>
    %get3A_1433 = arith.constant 0 : index
    %get3A_1434 = arith.constant 25 : index
    %get3A_1435 = vector.load %arg5[%get3A_1433, %get3A_1434] : memref<16x50xi32, #tpu.memory_space<vmem>>, vector<16x1xi32>
    %broadcast_in_dim3A_1436 = vector.shape_cast %get3A_1435 : vector<16x1xi32> to vector<16x1x1xi32>
    %eq3A_1437 = vector.broadcast %iota3A : vector<1x50x1xi32> to vector<16x50x1xi32>
    %eq3A_1438 = vector.broadcast %broadcast_in_dim3A_1436 : vector<16x1x1xi32> to vector<16x50x1xi32>
    %eq3A_1439 = arith.cmpi eq, %eq3A_1437, %eq3A_1438 : vector<16x50x1xi32>
    %jit3A_1440 = arith.constant 0.000000e+00 : f32
    %broadcast_in_dim3A_1441 = vector.shape_cast %eq3A_1439 : vector<16x50x1xi1> to vector<16x50x1xi1>
    %broadcast_in_dim3A_1442 = vector.broadcast %broadcast_in_dim3A_1441 : vector<16x50x1xi1> to vector<16x50x50xi1>
    %broadcast_in_dim3A_1443 = vector.broadcast %jit3A_1440 : f32 to vector<16x50x50xf32>
    %select_n3A_1444 = arith.select %broadcast_in_dim3A_1442, %log3A, %broadcast_in_dim3A_1443 : vector<16x50x50xi1>, vector<16x50x50xf32>
    %reduce_sum3A_1445 = arith.constant dense<0.000000e+00> : vector<16x50xf32>
    %reduce_sum3A_1446 = vector.multi_reduction <add>, %select_n3A_1444, %reduce_sum3A_1445 [1] : vector<16x50x50xf32> to vector<16x50xf32>
    %broadcast_in_dim3A_1447 = vector.broadcast %get3A_108 : f32 to vector<16x50xf32>
    %select_n3A_1448 = arith.select %or3A_1426, %broadcast_in_dim3A_1447, %reduce_sum3A_1446 : vector<16x50xi1>, vector<16x50xf32>
    %get3A_1449 = arith.constant 0 : index
    %get3A_1450 = arith.constant 25 : index
    %get3A_1451 = arith.constant 0 : index
    %get3A_1452 = vector.load %arg6[%get3A_1449, %get3A_1450, %get3A_1451] : memref<16x50x51xf32, #tpu.memory_space<vmem>>, vector<16x1x50xf32>
    %get3A_1453 = vector.shape_cast %get3A_1452 : vector<16x1x50xf32> to vector<16x50xf32>
    %add3A_1454 = arith.addf %select_n3A_1448, %get3A_1453 : vector<16x50xf32>
    %get3A_1455 = arith.constant 0 : index
    %get3A_1456 = arith.constant 25 : index
    %get3A_1457 = arith.constant 50 : index
    %get3A_1458 = vector.load %arg6[%get3A_1455, %get3A_1456, %get3A_1457] : memref<16x50x51xf32, #tpu.memory_space<vmem>>, vector<16x1x1xf32>
    %get3A_1459 = vector.shape_cast %get3A_1458 : vector<16x1x1xf32> to vector<16x1xf32>
    %add3A_1460 = vector.broadcast %get3A_105 : f32 to vector<16x1xf32>
    %add3A_1461 = arith.addf %add3A_1460, %get3A_1459 : vector<16x1xf32>
    %reduce_max3A_1462 = arith.constant dense<0xFF800000> : vector<16xf32>
    %reduce_max3A_1463 = vector.multi_reduction <maximumf>, %add3A_1454, %reduce_max3A_1462 [1] : vector<16x50xf32> to vector<16xf32>
    %broadcast_in_dim3A_1464 = vector.shape_cast %reduce_max3A_1463 : vector<16xf32> to vector<16x1xf32>
    %eq3A_1465 = vector.broadcast %broadcast_in_dim3A_1464 : vector<16x1xf32> to vector<16x50xf32>
    %eq3A_1466 = arith.cmpf oeq, %add3A_1454, %eq3A_1465 : vector<16x50xf32>
    %jit3A_1467 = arith.constant 51 : i32
    %broadcast_in_dim3A_1468 = vector.broadcast %jit3A_1467 : i32 to vector<16x50xi32>
    %select_n3A_1469 = arith.select %eq3A_1466, %iota3A_109, %broadcast_in_dim3A_1468 : vector<16x50xi1>, vector<16x50xi32>
    %reduce_min3A_1470 = arith.constant dense<2147483647> : vector<16xi32>
    %reduce_min3A_1471 = vector.multi_reduction <minsi>, %select_n3A_1469, %reduce_min3A_1470 [1] : vector<16x50xi32> to vector<16xi32>
    %broadcast_in_dim3A_1472 = vector.shape_cast %reduce_min3A_1471 : vector<16xi32> to vector<16x1xi32>
    %ge3A_1473 = arith.cmpf oge, %broadcast_in_dim3A_1464, %add3A_1461 : vector<16x1xf32>
    %jit3A_1474 = arith.constant 50 : i32
    %broadcast_in_dim3A_1475 = vector.broadcast %jit3A_1474 : i32 to vector<16x1xi32>
    %select_n3A_1476 = arith.select %ge3A_1473, %broadcast_in_dim3A_1472, %broadcast_in_dim3A_1475 : vector<16x1xi1>, vector<16x1xi32>
    %eq3A_1477 = vector.broadcast %select_n3A_1476 : vector<16x1xi32> to vector<16x50xi32>
    %eq3A_1478 = arith.cmpi eq, %iota3A_109, %eq3A_1477 : vector<16x50xi32>
    %or3A_1479 = arith.ori %or3A_1426, %eq3A_1478 : vector<16x50xi1>
    %eq3A_1480 = arith.constant 25 : i32
    %eq3A_1481 = vector.broadcast %eq3A_1480 : i32 to vector<16x50xi32>
    %eq3A_1482 = arith.cmpi eq, %iota3A_109, %eq3A_1481 : vector<16x50xi32>
    %broadcast_in_dim3A_1483 = vector.shape_cast %select_n3A_1476 : vector<16x1xi32> to vector<16x1xi32>
    %broadcast_in_dim3A_1484 = vector.broadcast %broadcast_in_dim3A_1483 : vector<16x1xi32> to vector<16x50xi32>
    %select_n3A_1485 = arith.select %eq3A_1482, %broadcast_in_dim3A_1484, %select_n3A_1432 : vector<16x50xi1>, vector<16x50xi32>
    %get3A_1486 = arith.constant 0 : index
    %get3A_1487 = arith.constant 26 : index
    %get3A_1488 = vector.load %arg5[%get3A_1486, %get3A_1487] : memref<16x50xi32, #tpu.memory_space<vmem>>, vector<16x1xi32>
    %broadcast_in_dim3A_1489 = vector.shape_cast %get3A_1488 : vector<16x1xi32> to vector<16x1x1xi32>
    %eq3A_1490 = vector.broadcast %iota3A : vector<1x50x1xi32> to vector<16x50x1xi32>
    %eq3A_1491 = vector.broadcast %broadcast_in_dim3A_1489 : vector<16x1x1xi32> to vector<16x50x1xi32>
    %eq3A_1492 = arith.cmpi eq, %eq3A_1490, %eq3A_1491 : vector<16x50x1xi32>
    %jit3A_1493 = arith.constant 0.000000e+00 : f32
    %broadcast_in_dim3A_1494 = vector.shape_cast %eq3A_1492 : vector<16x50x1xi1> to vector<16x50x1xi1>
    %broadcast_in_dim3A_1495 = vector.broadcast %broadcast_in_dim3A_1494 : vector<16x50x1xi1> to vector<16x50x50xi1>
    %broadcast_in_dim3A_1496 = vector.broadcast %jit3A_1493 : f32 to vector<16x50x50xf32>
    %select_n3A_1497 = arith.select %broadcast_in_dim3A_1495, %log3A, %broadcast_in_dim3A_1496 : vector<16x50x50xi1>, vector<16x50x50xf32>
    %reduce_sum3A_1498 = arith.constant dense<0.000000e+00> : vector<16x50xf32>
    %reduce_sum3A_1499 = vector.multi_reduction <add>, %select_n3A_1497, %reduce_sum3A_1498 [1] : vector<16x50x50xf32> to vector<16x50xf32>
    %broadcast_in_dim3A_1500 = vector.broadcast %get3A_108 : f32 to vector<16x50xf32>
    %select_n3A_1501 = arith.select %or3A_1479, %broadcast_in_dim3A_1500, %reduce_sum3A_1499 : vector<16x50xi1>, vector<16x50xf32>
    %get3A_1502 = arith.constant 0 : index
    %get3A_1503 = arith.constant 26 : index
    %get3A_1504 = arith.constant 0 : index
    %get3A_1505 = vector.load %arg6[%get3A_1502, %get3A_1503, %get3A_1504] : memref<16x50x51xf32, #tpu.memory_space<vmem>>, vector<16x1x50xf32>
    %get3A_1506 = vector.shape_cast %get3A_1505 : vector<16x1x50xf32> to vector<16x50xf32>
    %add3A_1507 = arith.addf %select_n3A_1501, %get3A_1506 : vector<16x50xf32>
    %get3A_1508 = arith.constant 0 : index
    %get3A_1509 = arith.constant 26 : index
    %get3A_1510 = arith.constant 50 : index
    %get3A_1511 = vector.load %arg6[%get3A_1508, %get3A_1509, %get3A_1510] : memref<16x50x51xf32, #tpu.memory_space<vmem>>, vector<16x1x1xf32>
    %get3A_1512 = vector.shape_cast %get3A_1511 : vector<16x1x1xf32> to vector<16x1xf32>
    %add3A_1513 = vector.broadcast %get3A_105 : f32 to vector<16x1xf32>
    %add3A_1514 = arith.addf %add3A_1513, %get3A_1512 : vector<16x1xf32>
    %reduce_max3A_1515 = arith.constant dense<0xFF800000> : vector<16xf32>
    %reduce_max3A_1516 = vector.multi_reduction <maximumf>, %add3A_1507, %reduce_max3A_1515 [1] : vector<16x50xf32> to vector<16xf32>
    %broadcast_in_dim3A_1517 = vector.shape_cast %reduce_max3A_1516 : vector<16xf32> to vector<16x1xf32>
    %eq3A_1518 = vector.broadcast %broadcast_in_dim3A_1517 : vector<16x1xf32> to vector<16x50xf32>
    %eq3A_1519 = arith.cmpf oeq, %add3A_1507, %eq3A_1518 : vector<16x50xf32>
    %jit3A_1520 = arith.constant 51 : i32
    %broadcast_in_dim3A_1521 = vector.broadcast %jit3A_1520 : i32 to vector<16x50xi32>
    %select_n3A_1522 = arith.select %eq3A_1519, %iota3A_109, %broadcast_in_dim3A_1521 : vector<16x50xi1>, vector<16x50xi32>
    %reduce_min3A_1523 = arith.constant dense<2147483647> : vector<16xi32>
    %reduce_min3A_1524 = vector.multi_reduction <minsi>, %select_n3A_1522, %reduce_min3A_1523 [1] : vector<16x50xi32> to vector<16xi32>
    %broadcast_in_dim3A_1525 = vector.shape_cast %reduce_min3A_1524 : vector<16xi32> to vector<16x1xi32>
    %ge3A_1526 = arith.cmpf oge, %broadcast_in_dim3A_1517, %add3A_1514 : vector<16x1xf32>
    %jit3A_1527 = arith.constant 50 : i32
    %broadcast_in_dim3A_1528 = vector.broadcast %jit3A_1527 : i32 to vector<16x1xi32>
    %select_n3A_1529 = arith.select %ge3A_1526, %broadcast_in_dim3A_1525, %broadcast_in_dim3A_1528 : vector<16x1xi1>, vector<16x1xi32>
    %eq3A_1530 = vector.broadcast %select_n3A_1529 : vector<16x1xi32> to vector<16x50xi32>
    %eq3A_1531 = arith.cmpi eq, %iota3A_109, %eq3A_1530 : vector<16x50xi32>
    %or3A_1532 = arith.ori %or3A_1479, %eq3A_1531 : vector<16x50xi1>
    %eq3A_1533 = arith.constant 26 : i32
    %eq3A_1534 = vector.broadcast %eq3A_1533 : i32 to vector<16x50xi32>
    %eq3A_1535 = arith.cmpi eq, %iota3A_109, %eq3A_1534 : vector<16x50xi32>
    %broadcast_in_dim3A_1536 = vector.shape_cast %select_n3A_1529 : vector<16x1xi32> to vector<16x1xi32>
    %broadcast_in_dim3A_1537 = vector.broadcast %broadcast_in_dim3A_1536 : vector<16x1xi32> to vector<16x50xi32>
    %select_n3A_1538 = arith.select %eq3A_1535, %broadcast_in_dim3A_1537, %select_n3A_1485 : vector<16x50xi1>, vector<16x50xi32>
    %get3A_1539 = arith.constant 0 : index
    %get3A_1540 = arith.constant 27 : index
    %get3A_1541 = vector.load %arg5[%get3A_1539, %get3A_1540] : memref<16x50xi32, #tpu.memory_space<vmem>>, vector<16x1xi32>
    %broadcast_in_dim3A_1542 = vector.shape_cast %get3A_1541 : vector<16x1xi32> to vector<16x1x1xi32>
    %eq3A_1543 = vector.broadcast %iota3A : vector<1x50x1xi32> to vector<16x50x1xi32>
    %eq3A_1544 = vector.broadcast %broadcast_in_dim3A_1542 : vector<16x1x1xi32> to vector<16x50x1xi32>
    %eq3A_1545 = arith.cmpi eq, %eq3A_1543, %eq3A_1544 : vector<16x50x1xi32>
    %jit3A_1546 = arith.constant 0.000000e+00 : f32
    %broadcast_in_dim3A_1547 = vector.shape_cast %eq3A_1545 : vector<16x50x1xi1> to vector<16x50x1xi1>
    %broadcast_in_dim3A_1548 = vector.broadcast %broadcast_in_dim3A_1547 : vector<16x50x1xi1> to vector<16x50x50xi1>
    %broadcast_in_dim3A_1549 = vector.broadcast %jit3A_1546 : f32 to vector<16x50x50xf32>
    %select_n3A_1550 = arith.select %broadcast_in_dim3A_1548, %log3A, %broadcast_in_dim3A_1549 : vector<16x50x50xi1>, vector<16x50x50xf32>
    %reduce_sum3A_1551 = arith.constant dense<0.000000e+00> : vector<16x50xf32>
    %reduce_sum3A_1552 = vector.multi_reduction <add>, %select_n3A_1550, %reduce_sum3A_1551 [1] : vector<16x50x50xf32> to vector<16x50xf32>
    %broadcast_in_dim3A_1553 = vector.broadcast %get3A_108 : f32 to vector<16x50xf32>
    %select_n3A_1554 = arith.select %or3A_1532, %broadcast_in_dim3A_1553, %reduce_sum3A_1552 : vector<16x50xi1>, vector<16x50xf32>
    %get3A_1555 = arith.constant 0 : index
    %get3A_1556 = arith.constant 27 : index
    %get3A_1557 = arith.constant 0 : index
    %get3A_1558 = vector.load %arg6[%get3A_1555, %get3A_1556, %get3A_1557] : memref<16x50x51xf32, #tpu.memory_space<vmem>>, vector<16x1x50xf32>
    %get3A_1559 = vector.shape_cast %get3A_1558 : vector<16x1x50xf32> to vector<16x50xf32>
    %add3A_1560 = arith.addf %select_n3A_1554, %get3A_1559 : vector<16x50xf32>
    %get3A_1561 = arith.constant 0 : index
    %get3A_1562 = arith.constant 27 : index
    %get3A_1563 = arith.constant 50 : index
    %get3A_1564 = vector.load %arg6[%get3A_1561, %get3A_1562, %get3A_1563] : memref<16x50x51xf32, #tpu.memory_space<vmem>>, vector<16x1x1xf32>
    %get3A_1565 = vector.shape_cast %get3A_1564 : vector<16x1x1xf32> to vector<16x1xf32>
    %add3A_1566 = vector.broadcast %get3A_105 : f32 to vector<16x1xf32>
    %add3A_1567 = arith.addf %add3A_1566, %get3A_1565 : vector<16x1xf32>
    %reduce_max3A_1568 = arith.constant dense<0xFF800000> : vector<16xf32>
    %reduce_max3A_1569 = vector.multi_reduction <maximumf>, %add3A_1560, %reduce_max3A_1568 [1] : vector<16x50xf32> to vector<16xf32>
    %broadcast_in_dim3A_1570 = vector.shape_cast %reduce_max3A_1569 : vector<16xf32> to vector<16x1xf32>
    %eq3A_1571 = vector.broadcast %broadcast_in_dim3A_1570 : vector<16x1xf32> to vector<16x50xf32>
    %eq3A_1572 = arith.cmpf oeq, %add3A_1560, %eq3A_1571 : vector<16x50xf32>
    %jit3A_1573 = arith.constant 51 : i32
    %broadcast_in_dim3A_1574 = vector.broadcast %jit3A_1573 : i32 to vector<16x50xi32>
    %select_n3A_1575 = arith.select %eq3A_1572, %iota3A_109, %broadcast_in_dim3A_1574 : vector<16x50xi1>, vector<16x50xi32>
    %reduce_min3A_1576 = arith.constant dense<2147483647> : vector<16xi32>
    %reduce_min3A_1577 = vector.multi_reduction <minsi>, %select_n3A_1575, %reduce_min3A_1576 [1] : vector<16x50xi32> to vector<16xi32>
    %broadcast_in_dim3A_1578 = vector.shape_cast %reduce_min3A_1577 : vector<16xi32> to vector<16x1xi32>
    %ge3A_1579 = arith.cmpf oge, %broadcast_in_dim3A_1570, %add3A_1567 : vector<16x1xf32>
    %jit3A_1580 = arith.constant 50 : i32
    %broadcast_in_dim3A_1581 = vector.broadcast %jit3A_1580 : i32 to vector<16x1xi32>
    %select_n3A_1582 = arith.select %ge3A_1579, %broadcast_in_dim3A_1578, %broadcast_in_dim3A_1581 : vector<16x1xi1>, vector<16x1xi32>
    %eq3A_1583 = vector.broadcast %select_n3A_1582 : vector<16x1xi32> to vector<16x50xi32>
    %eq3A_1584 = arith.cmpi eq, %iota3A_109, %eq3A_1583 : vector<16x50xi32>
    %or3A_1585 = arith.ori %or3A_1532, %eq3A_1584 : vector<16x50xi1>
    %eq3A_1586 = arith.constant 27 : i32
    %eq3A_1587 = vector.broadcast %eq3A_1586 : i32 to vector<16x50xi32>
    %eq3A_1588 = arith.cmpi eq, %iota3A_109, %eq3A_1587 : vector<16x50xi32>
    %broadcast_in_dim3A_1589 = vector.shape_cast %select_n3A_1582 : vector<16x1xi32> to vector<16x1xi32>
    %broadcast_in_dim3A_1590 = vector.broadcast %broadcast_in_dim3A_1589 : vector<16x1xi32> to vector<16x50xi32>
    %select_n3A_1591 = arith.select %eq3A_1588, %broadcast_in_dim3A_1590, %select_n3A_1538 : vector<16x50xi1>, vector<16x50xi32>
    %get3A_1592 = arith.constant 0 : index
    %get3A_1593 = arith.constant 28 : index
    %get3A_1594 = vector.load %arg5[%get3A_1592, %get3A_1593] : memref<16x50xi32, #tpu.memory_space<vmem>>, vector<16x1xi32>
    %broadcast_in_dim3A_1595 = vector.shape_cast %get3A_1594 : vector<16x1xi32> to vector<16x1x1xi32>
    %eq3A_1596 = vector.broadcast %iota3A : vector<1x50x1xi32> to vector<16x50x1xi32>
    %eq3A_1597 = vector.broadcast %broadcast_in_dim3A_1595 : vector<16x1x1xi32> to vector<16x50x1xi32>
    %eq3A_1598 = arith.cmpi eq, %eq3A_1596, %eq3A_1597 : vector<16x50x1xi32>
    %jit3A_1599 = arith.constant 0.000000e+00 : f32
    %broadcast_in_dim3A_1600 = vector.shape_cast %eq3A_1598 : vector<16x50x1xi1> to vector<16x50x1xi1>
    %broadcast_in_dim3A_1601 = vector.broadcast %broadcast_in_dim3A_1600 : vector<16x50x1xi1> to vector<16x50x50xi1>
    %broadcast_in_dim3A_1602 = vector.broadcast %jit3A_1599 : f32 to vector<16x50x50xf32>
    %select_n3A_1603 = arith.select %broadcast_in_dim3A_1601, %log3A, %broadcast_in_dim3A_1602 : vector<16x50x50xi1>, vector<16x50x50xf32>
    %reduce_sum3A_1604 = arith.constant dense<0.000000e+00> : vector<16x50xf32>
    %reduce_sum3A_1605 = vector.multi_reduction <add>, %select_n3A_1603, %reduce_sum3A_1604 [1] : vector<16x50x50xf32> to vector<16x50xf32>
    %broadcast_in_dim3A_1606 = vector.broadcast %get3A_108 : f32 to vector<16x50xf32>
    %select_n3A_1607 = arith.select %or3A_1585, %broadcast_in_dim3A_1606, %reduce_sum3A_1605 : vector<16x50xi1>, vector<16x50xf32>
    %get3A_1608 = arith.constant 0 : index
    %get3A_1609 = arith.constant 28 : index
    %get3A_1610 = arith.constant 0 : index
    %get3A_1611 = vector.load %arg6[%get3A_1608, %get3A_1609, %get3A_1610] : memref<16x50x51xf32, #tpu.memory_space<vmem>>, vector<16x1x50xf32>
    %get3A_1612 = vector.shape_cast %get3A_1611 : vector<16x1x50xf32> to vector<16x50xf32>
    %add3A_1613 = arith.addf %select_n3A_1607, %get3A_1612 : vector<16x50xf32>
    %get3A_1614 = arith.constant 0 : index
    %get3A_1615 = arith.constant 28 : index
    %get3A_1616 = arith.constant 50 : index
    %get3A_1617 = vector.load %arg6[%get3A_1614, %get3A_1615, %get3A_1616] : memref<16x50x51xf32, #tpu.memory_space<vmem>>, vector<16x1x1xf32>
    %get3A_1618 = vector.shape_cast %get3A_1617 : vector<16x1x1xf32> to vector<16x1xf32>
    %add3A_1619 = vector.broadcast %get3A_105 : f32 to vector<16x1xf32>
    %add3A_1620 = arith.addf %add3A_1619, %get3A_1618 : vector<16x1xf32>
    %reduce_max3A_1621 = arith.constant dense<0xFF800000> : vector<16xf32>
    %reduce_max3A_1622 = vector.multi_reduction <maximumf>, %add3A_1613, %reduce_max3A_1621 [1] : vector<16x50xf32> to vector<16xf32>
    %broadcast_in_dim3A_1623 = vector.shape_cast %reduce_max3A_1622 : vector<16xf32> to vector<16x1xf32>
    %eq3A_1624 = vector.broadcast %broadcast_in_dim3A_1623 : vector<16x1xf32> to vector<16x50xf32>
    %eq3A_1625 = arith.cmpf oeq, %add3A_1613, %eq3A_1624 : vector<16x50xf32>
    %jit3A_1626 = arith.constant 51 : i32
    %broadcast_in_dim3A_1627 = vector.broadcast %jit3A_1626 : i32 to vector<16x50xi32>
    %select_n3A_1628 = arith.select %eq3A_1625, %iota3A_109, %broadcast_in_dim3A_1627 : vector<16x50xi1>, vector<16x50xi32>
    %reduce_min3A_1629 = arith.constant dense<2147483647> : vector<16xi32>
    %reduce_min3A_1630 = vector.multi_reduction <minsi>, %select_n3A_1628, %reduce_min3A_1629 [1] : vector<16x50xi32> to vector<16xi32>
    %broadcast_in_dim3A_1631 = vector.shape_cast %reduce_min3A_1630 : vector<16xi32> to vector<16x1xi32>
    %ge3A_1632 = arith.cmpf oge, %broadcast_in_dim3A_1623, %add3A_1620 : vector<16x1xf32>
    %jit3A_1633 = arith.constant 50 : i32
    %broadcast_in_dim3A_1634 = vector.broadcast %jit3A_1633 : i32 to vector<16x1xi32>
    %select_n3A_1635 = arith.select %ge3A_1632, %broadcast_in_dim3A_1631, %broadcast_in_dim3A_1634 : vector<16x1xi1>, vector<16x1xi32>
    %eq3A_1636 = vector.broadcast %select_n3A_1635 : vector<16x1xi32> to vector<16x50xi32>
    %eq3A_1637 = arith.cmpi eq, %iota3A_109, %eq3A_1636 : vector<16x50xi32>
    %or3A_1638 = arith.ori %or3A_1585, %eq3A_1637 : vector<16x50xi1>
    %eq3A_1639 = arith.constant 28 : i32
    %eq3A_1640 = vector.broadcast %eq3A_1639 : i32 to vector<16x50xi32>
    %eq3A_1641 = arith.cmpi eq, %iota3A_109, %eq3A_1640 : vector<16x50xi32>
    %broadcast_in_dim3A_1642 = vector.shape_cast %select_n3A_1635 : vector<16x1xi32> to vector<16x1xi32>
    %broadcast_in_dim3A_1643 = vector.broadcast %broadcast_in_dim3A_1642 : vector<16x1xi32> to vector<16x50xi32>
    %select_n3A_1644 = arith.select %eq3A_1641, %broadcast_in_dim3A_1643, %select_n3A_1591 : vector<16x50xi1>, vector<16x50xi32>
    %get3A_1645 = arith.constant 0 : index
    %get3A_1646 = arith.constant 29 : index
    %get3A_1647 = vector.load %arg5[%get3A_1645, %get3A_1646] : memref<16x50xi32, #tpu.memory_space<vmem>>, vector<16x1xi32>
    %broadcast_in_dim3A_1648 = vector.shape_cast %get3A_1647 : vector<16x1xi32> to vector<16x1x1xi32>
    %eq3A_1649 = vector.broadcast %iota3A : vector<1x50x1xi32> to vector<16x50x1xi32>
    %eq3A_1650 = vector.broadcast %broadcast_in_dim3A_1648 : vector<16x1x1xi32> to vector<16x50x1xi32>
    %eq3A_1651 = arith.cmpi eq, %eq3A_1649, %eq3A_1650 : vector<16x50x1xi32>
    %jit3A_1652 = arith.constant 0.000000e+00 : f32
    %broadcast_in_dim3A_1653 = vector.shape_cast %eq3A_1651 : vector<16x50x1xi1> to vector<16x50x1xi1>
    %broadcast_in_dim3A_1654 = vector.broadcast %broadcast_in_dim3A_1653 : vector<16x50x1xi1> to vector<16x50x50xi1>
    %broadcast_in_dim3A_1655 = vector.broadcast %jit3A_1652 : f32 to vector<16x50x50xf32>
    %select_n3A_1656 = arith.select %broadcast_in_dim3A_1654, %log3A, %broadcast_in_dim3A_1655 : vector<16x50x50xi1>, vector<16x50x50xf32>
    %reduce_sum3A_1657 = arith.constant dense<0.000000e+00> : vector<16x50xf32>
    %reduce_sum3A_1658 = vector.multi_reduction <add>, %select_n3A_1656, %reduce_sum3A_1657 [1] : vector<16x50x50xf32> to vector<16x50xf32>
    %broadcast_in_dim3A_1659 = vector.broadcast %get3A_108 : f32 to vector<16x50xf32>
    %select_n3A_1660 = arith.select %or3A_1638, %broadcast_in_dim3A_1659, %reduce_sum3A_1658 : vector<16x50xi1>, vector<16x50xf32>
    %get3A_1661 = arith.constant 0 : index
    %get3A_1662 = arith.constant 29 : index
    %get3A_1663 = arith.constant 0 : index
    %get3A_1664 = vector.load %arg6[%get3A_1661, %get3A_1662, %get3A_1663] : memref<16x50x51xf32, #tpu.memory_space<vmem>>, vector<16x1x50xf32>
    %get3A_1665 = vector.shape_cast %get3A_1664 : vector<16x1x50xf32> to vector<16x50xf32>
    %add3A_1666 = arith.addf %select_n3A_1660, %get3A_1665 : vector<16x50xf32>
    %get3A_1667 = arith.constant 0 : index
    %get3A_1668 = arith.constant 29 : index
    %get3A_1669 = arith.constant 50 : index
    %get3A_1670 = vector.load %arg6[%get3A_1667, %get3A_1668, %get3A_1669] : memref<16x50x51xf32, #tpu.memory_space<vmem>>, vector<16x1x1xf32>
    %get3A_1671 = vector.shape_cast %get3A_1670 : vector<16x1x1xf32> to vector<16x1xf32>
    %add3A_1672 = vector.broadcast %get3A_105 : f32 to vector<16x1xf32>
    %add3A_1673 = arith.addf %add3A_1672, %get3A_1671 : vector<16x1xf32>
    %reduce_max3A_1674 = arith.constant dense<0xFF800000> : vector<16xf32>
    %reduce_max3A_1675 = vector.multi_reduction <maximumf>, %add3A_1666, %reduce_max3A_1674 [1] : vector<16x50xf32> to vector<16xf32>
    %broadcast_in_dim3A_1676 = vector.shape_cast %reduce_max3A_1675 : vector<16xf32> to vector<16x1xf32>
    %eq3A_1677 = vector.broadcast %broadcast_in_dim3A_1676 : vector<16x1xf32> to vector<16x50xf32>
    %eq3A_1678 = arith.cmpf oeq, %add3A_1666, %eq3A_1677 : vector<16x50xf32>
    %jit3A_1679 = arith.constant 51 : i32
    %broadcast_in_dim3A_1680 = vector.broadcast %jit3A_1679 : i32 to vector<16x50xi32>
    %select_n3A_1681 = arith.select %eq3A_1678, %iota3A_109, %broadcast_in_dim3A_1680 : vector<16x50xi1>, vector<16x50xi32>
    %reduce_min3A_1682 = arith.constant dense<2147483647> : vector<16xi32>
    %reduce_min3A_1683 = vector.multi_reduction <minsi>, %select_n3A_1681, %reduce_min3A_1682 [1] : vector<16x50xi32> to vector<16xi32>
    %broadcast_in_dim3A_1684 = vector.shape_cast %reduce_min3A_1683 : vector<16xi32> to vector<16x1xi32>
    %ge3A_1685 = arith.cmpf oge, %broadcast_in_dim3A_1676, %add3A_1673 : vector<16x1xf32>
    %jit3A_1686 = arith.constant 50 : i32
    %broadcast_in_dim3A_1687 = vector.broadcast %jit3A_1686 : i32 to vector<16x1xi32>
    %select_n3A_1688 = arith.select %ge3A_1685, %broadcast_in_dim3A_1684, %broadcast_in_dim3A_1687 : vector<16x1xi1>, vector<16x1xi32>
    %eq3A_1689 = vector.broadcast %select_n3A_1688 : vector<16x1xi32> to vector<16x50xi32>
    %eq3A_1690 = arith.cmpi eq, %iota3A_109, %eq3A_1689 : vector<16x50xi32>
    %or3A_1691 = arith.ori %or3A_1638, %eq3A_1690 : vector<16x50xi1>
    %eq3A_1692 = arith.constant 29 : i32
    %eq3A_1693 = vector.broadcast %eq3A_1692 : i32 to vector<16x50xi32>
    %eq3A_1694 = arith.cmpi eq, %iota3A_109, %eq3A_1693 : vector<16x50xi32>
    %broadcast_in_dim3A_1695 = vector.shape_cast %select_n3A_1688 : vector<16x1xi32> to vector<16x1xi32>
    %broadcast_in_dim3A_1696 = vector.broadcast %broadcast_in_dim3A_1695 : vector<16x1xi32> to vector<16x50xi32>
    %select_n3A_1697 = arith.select %eq3A_1694, %broadcast_in_dim3A_1696, %select_n3A_1644 : vector<16x50xi1>, vector<16x50xi32>
    %get3A_1698 = arith.constant 0 : index
    %get3A_1699 = arith.constant 30 : index
    %get3A_1700 = vector.load %arg5[%get3A_1698, %get3A_1699] : memref<16x50xi32, #tpu.memory_space<vmem>>, vector<16x1xi32>
    %broadcast_in_dim3A_1701 = vector.shape_cast %get3A_1700 : vector<16x1xi32> to vector<16x1x1xi32>
    %eq3A_1702 = vector.broadcast %iota3A : vector<1x50x1xi32> to vector<16x50x1xi32>
    %eq3A_1703 = vector.broadcast %broadcast_in_dim3A_1701 : vector<16x1x1xi32> to vector<16x50x1xi32>
    %eq3A_1704 = arith.cmpi eq, %eq3A_1702, %eq3A_1703 : vector<16x50x1xi32>
    %jit3A_1705 = arith.constant 0.000000e+00 : f32
    %broadcast_in_dim3A_1706 = vector.shape_cast %eq3A_1704 : vector<16x50x1xi1> to vector<16x50x1xi1>
    %broadcast_in_dim3A_1707 = vector.broadcast %broadcast_in_dim3A_1706 : vector<16x50x1xi1> to vector<16x50x50xi1>
    %broadcast_in_dim3A_1708 = vector.broadcast %jit3A_1705 : f32 to vector<16x50x50xf32>
    %select_n3A_1709 = arith.select %broadcast_in_dim3A_1707, %log3A, %broadcast_in_dim3A_1708 : vector<16x50x50xi1>, vector<16x50x50xf32>
    %reduce_sum3A_1710 = arith.constant dense<0.000000e+00> : vector<16x50xf32>
    %reduce_sum3A_1711 = vector.multi_reduction <add>, %select_n3A_1709, %reduce_sum3A_1710 [1] : vector<16x50x50xf32> to vector<16x50xf32>
    %broadcast_in_dim3A_1712 = vector.broadcast %get3A_108 : f32 to vector<16x50xf32>
    %select_n3A_1713 = arith.select %or3A_1691, %broadcast_in_dim3A_1712, %reduce_sum3A_1711 : vector<16x50xi1>, vector<16x50xf32>
    %get3A_1714 = arith.constant 0 : index
    %get3A_1715 = arith.constant 30 : index
    %get3A_1716 = arith.constant 0 : index
    %get3A_1717 = vector.load %arg6[%get3A_1714, %get3A_1715, %get3A_1716] : memref<16x50x51xf32, #tpu.memory_space<vmem>>, vector<16x1x50xf32>
    %get3A_1718 = vector.shape_cast %get3A_1717 : vector<16x1x50xf32> to vector<16x50xf32>
    %add3A_1719 = arith.addf %select_n3A_1713, %get3A_1718 : vector<16x50xf32>
    %get3A_1720 = arith.constant 0 : index
    %get3A_1721 = arith.constant 30 : index
    %get3A_1722 = arith.constant 50 : index
    %get3A_1723 = vector.load %arg6[%get3A_1720, %get3A_1721, %get3A_1722] : memref<16x50x51xf32, #tpu.memory_space<vmem>>, vector<16x1x1xf32>
    %get3A_1724 = vector.shape_cast %get3A_1723 : vector<16x1x1xf32> to vector<16x1xf32>
    %add3A_1725 = vector.broadcast %get3A_105 : f32 to vector<16x1xf32>
    %add3A_1726 = arith.addf %add3A_1725, %get3A_1724 : vector<16x1xf32>
    %reduce_max3A_1727 = arith.constant dense<0xFF800000> : vector<16xf32>
    %reduce_max3A_1728 = vector.multi_reduction <maximumf>, %add3A_1719, %reduce_max3A_1727 [1] : vector<16x50xf32> to vector<16xf32>
    %broadcast_in_dim3A_1729 = vector.shape_cast %reduce_max3A_1728 : vector<16xf32> to vector<16x1xf32>
    %eq3A_1730 = vector.broadcast %broadcast_in_dim3A_1729 : vector<16x1xf32> to vector<16x50xf32>
    %eq3A_1731 = arith.cmpf oeq, %add3A_1719, %eq3A_1730 : vector<16x50xf32>
    %jit3A_1732 = arith.constant 51 : i32
    %broadcast_in_dim3A_1733 = vector.broadcast %jit3A_1732 : i32 to vector<16x50xi32>
    %select_n3A_1734 = arith.select %eq3A_1731, %iota3A_109, %broadcast_in_dim3A_1733 : vector<16x50xi1>, vector<16x50xi32>
    %reduce_min3A_1735 = arith.constant dense<2147483647> : vector<16xi32>
    %reduce_min3A_1736 = vector.multi_reduction <minsi>, %select_n3A_1734, %reduce_min3A_1735 [1] : vector<16x50xi32> to vector<16xi32>
    %broadcast_in_dim3A_1737 = vector.shape_cast %reduce_min3A_1736 : vector<16xi32> to vector<16x1xi32>
    %ge3A_1738 = arith.cmpf oge, %broadcast_in_dim3A_1729, %add3A_1726 : vector<16x1xf32>
    %jit3A_1739 = arith.constant 50 : i32
    %broadcast_in_dim3A_1740 = vector.broadcast %jit3A_1739 : i32 to vector<16x1xi32>
    %select_n3A_1741 = arith.select %ge3A_1738, %broadcast_in_dim3A_1737, %broadcast_in_dim3A_1740 : vector<16x1xi1>, vector<16x1xi32>
    %eq3A_1742 = vector.broadcast %select_n3A_1741 : vector<16x1xi32> to vector<16x50xi32>
    %eq3A_1743 = arith.cmpi eq, %iota3A_109, %eq3A_1742 : vector<16x50xi32>
    %or3A_1744 = arith.ori %or3A_1691, %eq3A_1743 : vector<16x50xi1>
    %eq3A_1745 = arith.constant 30 : i32
    %eq3A_1746 = vector.broadcast %eq3A_1745 : i32 to vector<16x50xi32>
    %eq3A_1747 = arith.cmpi eq, %iota3A_109, %eq3A_1746 : vector<16x50xi32>
    %broadcast_in_dim3A_1748 = vector.shape_cast %select_n3A_1741 : vector<16x1xi32> to vector<16x1xi32>
    %broadcast_in_dim3A_1749 = vector.broadcast %broadcast_in_dim3A_1748 : vector<16x1xi32> to vector<16x50xi32>
    %select_n3A_1750 = arith.select %eq3A_1747, %broadcast_in_dim3A_1749, %select_n3A_1697 : vector<16x50xi1>, vector<16x50xi32>
    %get3A_1751 = arith.constant 0 : index
    %get3A_1752 = arith.constant 31 : index
    %get3A_1753 = vector.load %arg5[%get3A_1751, %get3A_1752] : memref<16x50xi32, #tpu.memory_space<vmem>>, vector<16x1xi32>
    %broadcast_in_dim3A_1754 = vector.shape_cast %get3A_1753 : vector<16x1xi32> to vector<16x1x1xi32>
    %eq3A_1755 = vector.broadcast %iota3A : vector<1x50x1xi32> to vector<16x50x1xi32>
    %eq3A_1756 = vector.broadcast %broadcast_in_dim3A_1754 : vector<16x1x1xi32> to vector<16x50x1xi32>
    %eq3A_1757 = arith.cmpi eq, %eq3A_1755, %eq3A_1756 : vector<16x50x1xi32>
    %jit3A_1758 = arith.constant 0.000000e+00 : f32
    %broadcast_in_dim3A_1759 = vector.shape_cast %eq3A_1757 : vector<16x50x1xi1> to vector<16x50x1xi1>
    %broadcast_in_dim3A_1760 = vector.broadcast %broadcast_in_dim3A_1759 : vector<16x50x1xi1> to vector<16x50x50xi1>
    %broadcast_in_dim3A_1761 = vector.broadcast %jit3A_1758 : f32 to vector<16x50x50xf32>
    %select_n3A_1762 = arith.select %broadcast_in_dim3A_1760, %log3A, %broadcast_in_dim3A_1761 : vector<16x50x50xi1>, vector<16x50x50xf32>
    %reduce_sum3A_1763 = arith.constant dense<0.000000e+00> : vector<16x50xf32>
    %reduce_sum3A_1764 = vector.multi_reduction <add>, %select_n3A_1762, %reduce_sum3A_1763 [1] : vector<16x50x50xf32> to vector<16x50xf32>
    %broadcast_in_dim3A_1765 = vector.broadcast %get3A_108 : f32 to vector<16x50xf32>
    %select_n3A_1766 = arith.select %or3A_1744, %broadcast_in_dim3A_1765, %reduce_sum3A_1764 : vector<16x50xi1>, vector<16x50xf32>
    %get3A_1767 = arith.constant 0 : index
    %get3A_1768 = arith.constant 31 : index
    %get3A_1769 = arith.constant 0 : index
    %get3A_1770 = vector.load %arg6[%get3A_1767, %get3A_1768, %get3A_1769] : memref<16x50x51xf32, #tpu.memory_space<vmem>>, vector<16x1x50xf32>
    %get3A_1771 = vector.shape_cast %get3A_1770 : vector<16x1x50xf32> to vector<16x50xf32>
    %add3A_1772 = arith.addf %select_n3A_1766, %get3A_1771 : vector<16x50xf32>
    %get3A_1773 = arith.constant 0 : index
    %get3A_1774 = arith.constant 31 : index
    %get3A_1775 = arith.constant 50 : index
    %get3A_1776 = vector.load %arg6[%get3A_1773, %get3A_1774, %get3A_1775] : memref<16x50x51xf32, #tpu.memory_space<vmem>>, vector<16x1x1xf32>
    %get3A_1777 = vector.shape_cast %get3A_1776 : vector<16x1x1xf32> to vector<16x1xf32>
    %add3A_1778 = vector.broadcast %get3A_105 : f32 to vector<16x1xf32>
    %add3A_1779 = arith.addf %add3A_1778, %get3A_1777 : vector<16x1xf32>
    %reduce_max3A_1780 = arith.constant dense<0xFF800000> : vector<16xf32>
    %reduce_max3A_1781 = vector.multi_reduction <maximumf>, %add3A_1772, %reduce_max3A_1780 [1] : vector<16x50xf32> to vector<16xf32>
    %broadcast_in_dim3A_1782 = vector.shape_cast %reduce_max3A_1781 : vector<16xf32> to vector<16x1xf32>
    %eq3A_1783 = vector.broadcast %broadcast_in_dim3A_1782 : vector<16x1xf32> to vector<16x50xf32>
    %eq3A_1784 = arith.cmpf oeq, %add3A_1772, %eq3A_1783 : vector<16x50xf32>
    %jit3A_1785 = arith.constant 51 : i32
    %broadcast_in_dim3A_1786 = vector.broadcast %jit3A_1785 : i32 to vector<16x50xi32>
    %select_n3A_1787 = arith.select %eq3A_1784, %iota3A_109, %broadcast_in_dim3A_1786 : vector<16x50xi1>, vector<16x50xi32>
    %reduce_min3A_1788 = arith.constant dense<2147483647> : vector<16xi32>
    %reduce_min3A_1789 = vector.multi_reduction <minsi>, %select_n3A_1787, %reduce_min3A_1788 [1] : vector<16x50xi32> to vector<16xi32>
    %broadcast_in_dim3A_1790 = vector.shape_cast %reduce_min3A_1789 : vector<16xi32> to vector<16x1xi32>
    %ge3A_1791 = arith.cmpf oge, %broadcast_in_dim3A_1782, %add3A_1779 : vector<16x1xf32>
    %jit3A_1792 = arith.constant 50 : i32
    %broadcast_in_dim3A_1793 = vector.broadcast %jit3A_1792 : i32 to vector<16x1xi32>
    %select_n3A_1794 = arith.select %ge3A_1791, %broadcast_in_dim3A_1790, %broadcast_in_dim3A_1793 : vector<16x1xi1>, vector<16x1xi32>
    %eq3A_1795 = vector.broadcast %select_n3A_1794 : vector<16x1xi32> to vector<16x50xi32>
    %eq3A_1796 = arith.cmpi eq, %iota3A_109, %eq3A_1795 : vector<16x50xi32>
    %or3A_1797 = arith.ori %or3A_1744, %eq3A_1796 : vector<16x50xi1>
    %eq3A_1798 = arith.constant 31 : i32
    %eq3A_1799 = vector.broadcast %eq3A_1798 : i32 to vector<16x50xi32>
    %eq3A_1800 = arith.cmpi eq, %iota3A_109, %eq3A_1799 : vector<16x50xi32>
    %broadcast_in_dim3A_1801 = vector.shape_cast %select_n3A_1794 : vector<16x1xi32> to vector<16x1xi32>
    %broadcast_in_dim3A_1802 = vector.broadcast %broadcast_in_dim3A_1801 : vector<16x1xi32> to vector<16x50xi32>
    %select_n3A_1803 = arith.select %eq3A_1800, %broadcast_in_dim3A_1802, %select_n3A_1750 : vector<16x50xi1>, vector<16x50xi32>
    %get3A_1804 = arith.constant 0 : index
    %get3A_1805 = arith.constant 32 : index
    %get3A_1806 = vector.load %arg5[%get3A_1804, %get3A_1805] : memref<16x50xi32, #tpu.memory_space<vmem>>, vector<16x1xi32>
    %broadcast_in_dim3A_1807 = vector.shape_cast %get3A_1806 : vector<16x1xi32> to vector<16x1x1xi32>
    %eq3A_1808 = vector.broadcast %iota3A : vector<1x50x1xi32> to vector<16x50x1xi32>
    %eq3A_1809 = vector.broadcast %broadcast_in_dim3A_1807 : vector<16x1x1xi32> to vector<16x50x1xi32>
    %eq3A_1810 = arith.cmpi eq, %eq3A_1808, %eq3A_1809 : vector<16x50x1xi32>
    %jit3A_1811 = arith.constant 0.000000e+00 : f32
    %broadcast_in_dim3A_1812 = vector.shape_cast %eq3A_1810 : vector<16x50x1xi1> to vector<16x50x1xi1>
    %broadcast_in_dim3A_1813 = vector.broadcast %broadcast_in_dim3A_1812 : vector<16x50x1xi1> to vector<16x50x50xi1>
    %broadcast_in_dim3A_1814 = vector.broadcast %jit3A_1811 : f32 to vector<16x50x50xf32>
    %select_n3A_1815 = arith.select %broadcast_in_dim3A_1813, %log3A, %broadcast_in_dim3A_1814 : vector<16x50x50xi1>, vector<16x50x50xf32>
    %reduce_sum3A_1816 = arith.constant dense<0.000000e+00> : vector<16x50xf32>
    %reduce_sum3A_1817 = vector.multi_reduction <add>, %select_n3A_1815, %reduce_sum3A_1816 [1] : vector<16x50x50xf32> to vector<16x50xf32>
    %broadcast_in_dim3A_1818 = vector.broadcast %get3A_108 : f32 to vector<16x50xf32>
    %select_n3A_1819 = arith.select %or3A_1797, %broadcast_in_dim3A_1818, %reduce_sum3A_1817 : vector<16x50xi1>, vector<16x50xf32>
    %get3A_1820 = arith.constant 0 : index
    %get3A_1821 = arith.constant 32 : index
    %get3A_1822 = arith.constant 0 : index
    %get3A_1823 = vector.load %arg6[%get3A_1820, %get3A_1821, %get3A_1822] : memref<16x50x51xf32, #tpu.memory_space<vmem>>, vector<16x1x50xf32>
    %get3A_1824 = vector.shape_cast %get3A_1823 : vector<16x1x50xf32> to vector<16x50xf32>
    %add3A_1825 = arith.addf %select_n3A_1819, %get3A_1824 : vector<16x50xf32>
    %get3A_1826 = arith.constant 0 : index
    %get3A_1827 = arith.constant 32 : index
    %get3A_1828 = arith.constant 50 : index
    %get3A_1829 = vector.load %arg6[%get3A_1826, %get3A_1827, %get3A_1828] : memref<16x50x51xf32, #tpu.memory_space<vmem>>, vector<16x1x1xf32>
    %get3A_1830 = vector.shape_cast %get3A_1829 : vector<16x1x1xf32> to vector<16x1xf32>
    %add3A_1831 = vector.broadcast %get3A_105 : f32 to vector<16x1xf32>
    %add3A_1832 = arith.addf %add3A_1831, %get3A_1830 : vector<16x1xf32>
    %reduce_max3A_1833 = arith.constant dense<0xFF800000> : vector<16xf32>
    %reduce_max3A_1834 = vector.multi_reduction <maximumf>, %add3A_1825, %reduce_max3A_1833 [1] : vector<16x50xf32> to vector<16xf32>
    %broadcast_in_dim3A_1835 = vector.shape_cast %reduce_max3A_1834 : vector<16xf32> to vector<16x1xf32>
    %eq3A_1836 = vector.broadcast %broadcast_in_dim3A_1835 : vector<16x1xf32> to vector<16x50xf32>
    %eq3A_1837 = arith.cmpf oeq, %add3A_1825, %eq3A_1836 : vector<16x50xf32>
    %jit3A_1838 = arith.constant 51 : i32
    %broadcast_in_dim3A_1839 = vector.broadcast %jit3A_1838 : i32 to vector<16x50xi32>
    %select_n3A_1840 = arith.select %eq3A_1837, %iota3A_109, %broadcast_in_dim3A_1839 : vector<16x50xi1>, vector<16x50xi32>
    %reduce_min3A_1841 = arith.constant dense<2147483647> : vector<16xi32>
    %reduce_min3A_1842 = vector.multi_reduction <minsi>, %select_n3A_1840, %reduce_min3A_1841 [1] : vector<16x50xi32> to vector<16xi32>
    %broadcast_in_dim3A_1843 = vector.shape_cast %reduce_min3A_1842 : vector<16xi32> to vector<16x1xi32>
    %ge3A_1844 = arith.cmpf oge, %broadcast_in_dim3A_1835, %add3A_1832 : vector<16x1xf32>
    %jit3A_1845 = arith.constant 50 : i32
    %broadcast_in_dim3A_1846 = vector.broadcast %jit3A_1845 : i32 to vector<16x1xi32>
    %select_n3A_1847 = arith.select %ge3A_1844, %broadcast_in_dim3A_1843, %broadcast_in_dim3A_1846 : vector<16x1xi1>, vector<16x1xi32>
    %eq3A_1848 = vector.broadcast %select_n3A_1847 : vector<16x1xi32> to vector<16x50xi32>
    %eq3A_1849 = arith.cmpi eq, %iota3A_109, %eq3A_1848 : vector<16x50xi32>
    %or3A_1850 = arith.ori %or3A_1797, %eq3A_1849 : vector<16x50xi1>
    %eq3A_1851 = arith.constant 32 : i32
    %eq3A_1852 = vector.broadcast %eq3A_1851 : i32 to vector<16x50xi32>
    %eq3A_1853 = arith.cmpi eq, %iota3A_109, %eq3A_1852 : vector<16x50xi32>
    %broadcast_in_dim3A_1854 = vector.shape_cast %select_n3A_1847 : vector<16x1xi32> to vector<16x1xi32>
    %broadcast_in_dim3A_1855 = vector.broadcast %broadcast_in_dim3A_1854 : vector<16x1xi32> to vector<16x50xi32>
    %select_n3A_1856 = arith.select %eq3A_1853, %broadcast_in_dim3A_1855, %select_n3A_1803 : vector<16x50xi1>, vector<16x50xi32>
    %get3A_1857 = arith.constant 0 : index
    %get3A_1858 = arith.constant 33 : index
    %get3A_1859 = vector.load %arg5[%get3A_1857, %get3A_1858] : memref<16x50xi32, #tpu.memory_space<vmem>>, vector<16x1xi32>
    %broadcast_in_dim3A_1860 = vector.shape_cast %get3A_1859 : vector<16x1xi32> to vector<16x1x1xi32>
    %eq3A_1861 = vector.broadcast %iota3A : vector<1x50x1xi32> to vector<16x50x1xi32>
    %eq3A_1862 = vector.broadcast %broadcast_in_dim3A_1860 : vector<16x1x1xi32> to vector<16x50x1xi32>
    %eq3A_1863 = arith.cmpi eq, %eq3A_1861, %eq3A_1862 : vector<16x50x1xi32>
    %jit3A_1864 = arith.constant 0.000000e+00 : f32
    %broadcast_in_dim3A_1865 = vector.shape_cast %eq3A_1863 : vector<16x50x1xi1> to vector<16x50x1xi1>
    %broadcast_in_dim3A_1866 = vector.broadcast %broadcast_in_dim3A_1865 : vector<16x50x1xi1> to vector<16x50x50xi1>
    %broadcast_in_dim3A_1867 = vector.broadcast %jit3A_1864 : f32 to vector<16x50x50xf32>
    %select_n3A_1868 = arith.select %broadcast_in_dim3A_1866, %log3A, %broadcast_in_dim3A_1867 : vector<16x50x50xi1>, vector<16x50x50xf32>
    %reduce_sum3A_1869 = arith.constant dense<0.000000e+00> : vector<16x50xf32>
    %reduce_sum3A_1870 = vector.multi_reduction <add>, %select_n3A_1868, %reduce_sum3A_1869 [1] : vector<16x50x50xf32> to vector<16x50xf32>
    %broadcast_in_dim3A_1871 = vector.broadcast %get3A_108 : f32 to vector<16x50xf32>
    %select_n3A_1872 = arith.select %or3A_1850, %broadcast_in_dim3A_1871, %reduce_sum3A_1870 : vector<16x50xi1>, vector<16x50xf32>
    %get3A_1873 = arith.constant 0 : index
    %get3A_1874 = arith.constant 33 : index
    %get3A_1875 = arith.constant 0 : index
    %get3A_1876 = vector.load %arg6[%get3A_1873, %get3A_1874, %get3A_1875] : memref<16x50x51xf32, #tpu.memory_space<vmem>>, vector<16x1x50xf32>
    %get3A_1877 = vector.shape_cast %get3A_1876 : vector<16x1x50xf32> to vector<16x50xf32>
    %add3A_1878 = arith.addf %select_n3A_1872, %get3A_1877 : vector<16x50xf32>
    %get3A_1879 = arith.constant 0 : index
    %get3A_1880 = arith.constant 33 : index
    %get3A_1881 = arith.constant 50 : index
    %get3A_1882 = vector.load %arg6[%get3A_1879, %get3A_1880, %get3A_1881] : memref<16x50x51xf32, #tpu.memory_space<vmem>>, vector<16x1x1xf32>
    %get3A_1883 = vector.shape_cast %get3A_1882 : vector<16x1x1xf32> to vector<16x1xf32>
    %add3A_1884 = vector.broadcast %get3A_105 : f32 to vector<16x1xf32>
    %add3A_1885 = arith.addf %add3A_1884, %get3A_1883 : vector<16x1xf32>
    %reduce_max3A_1886 = arith.constant dense<0xFF800000> : vector<16xf32>
    %reduce_max3A_1887 = vector.multi_reduction <maximumf>, %add3A_1878, %reduce_max3A_1886 [1] : vector<16x50xf32> to vector<16xf32>
    %broadcast_in_dim3A_1888 = vector.shape_cast %reduce_max3A_1887 : vector<16xf32> to vector<16x1xf32>
    %eq3A_1889 = vector.broadcast %broadcast_in_dim3A_1888 : vector<16x1xf32> to vector<16x50xf32>
    %eq3A_1890 = arith.cmpf oeq, %add3A_1878, %eq3A_1889 : vector<16x50xf32>
    %jit3A_1891 = arith.constant 51 : i32
    %broadcast_in_dim3A_1892 = vector.broadcast %jit3A_1891 : i32 to vector<16x50xi32>
    %select_n3A_1893 = arith.select %eq3A_1890, %iota3A_109, %broadcast_in_dim3A_1892 : vector<16x50xi1>, vector<16x50xi32>
    %reduce_min3A_1894 = arith.constant dense<2147483647> : vector<16xi32>
    %reduce_min3A_1895 = vector.multi_reduction <minsi>, %select_n3A_1893, %reduce_min3A_1894 [1] : vector<16x50xi32> to vector<16xi32>
    %broadcast_in_dim3A_1896 = vector.shape_cast %reduce_min3A_1895 : vector<16xi32> to vector<16x1xi32>
    %ge3A_1897 = arith.cmpf oge, %broadcast_in_dim3A_1888, %add3A_1885 : vector<16x1xf32>
    %jit3A_1898 = arith.constant 50 : i32
    %broadcast_in_dim3A_1899 = vector.broadcast %jit3A_1898 : i32 to vector<16x1xi32>
    %select_n3A_1900 = arith.select %ge3A_1897, %broadcast_in_dim3A_1896, %broadcast_in_dim3A_1899 : vector<16x1xi1>, vector<16x1xi32>
    %eq3A_1901 = vector.broadcast %select_n3A_1900 : vector<16x1xi32> to vector<16x50xi32>
    %eq3A_1902 = arith.cmpi eq, %iota3A_109, %eq3A_1901 : vector<16x50xi32>
    %or3A_1903 = arith.ori %or3A_1850, %eq3A_1902 : vector<16x50xi1>
    %eq3A_1904 = arith.constant 33 : i32
    %eq3A_1905 = vector.broadcast %eq3A_1904 : i32 to vector<16x50xi32>
    %eq3A_1906 = arith.cmpi eq, %iota3A_109, %eq3A_1905 : vector<16x50xi32>
    %broadcast_in_dim3A_1907 = vector.shape_cast %select_n3A_1900 : vector<16x1xi32> to vector<16x1xi32>
    %broadcast_in_dim3A_1908 = vector.broadcast %broadcast_in_dim3A_1907 : vector<16x1xi32> to vector<16x50xi32>
    %select_n3A_1909 = arith.select %eq3A_1906, %broadcast_in_dim3A_1908, %select_n3A_1856 : vector<16x50xi1>, vector<16x50xi32>
    %get3A_1910 = arith.constant 0 : index
    %get3A_1911 = arith.constant 34 : index
    %get3A_1912 = vector.load %arg5[%get3A_1910, %get3A_1911] : memref<16x50xi32, #tpu.memory_space<vmem>>, vector<16x1xi32>
    %broadcast_in_dim3A_1913 = vector.shape_cast %get3A_1912 : vector<16x1xi32> to vector<16x1x1xi32>
    %eq3A_1914 = vector.broadcast %iota3A : vector<1x50x1xi32> to vector<16x50x1xi32>
    %eq3A_1915 = vector.broadcast %broadcast_in_dim3A_1913 : vector<16x1x1xi32> to vector<16x50x1xi32>
    %eq3A_1916 = arith.cmpi eq, %eq3A_1914, %eq3A_1915 : vector<16x50x1xi32>
    %jit3A_1917 = arith.constant 0.000000e+00 : f32
    %broadcast_in_dim3A_1918 = vector.shape_cast %eq3A_1916 : vector<16x50x1xi1> to vector<16x50x1xi1>
    %broadcast_in_dim3A_1919 = vector.broadcast %broadcast_in_dim3A_1918 : vector<16x50x1xi1> to vector<16x50x50xi1>
    %broadcast_in_dim3A_1920 = vector.broadcast %jit3A_1917 : f32 to vector<16x50x50xf32>
    %select_n3A_1921 = arith.select %broadcast_in_dim3A_1919, %log3A, %broadcast_in_dim3A_1920 : vector<16x50x50xi1>, vector<16x50x50xf32>
    %reduce_sum3A_1922 = arith.constant dense<0.000000e+00> : vector<16x50xf32>
    %reduce_sum3A_1923 = vector.multi_reduction <add>, %select_n3A_1921, %reduce_sum3A_1922 [1] : vector<16x50x50xf32> to vector<16x50xf32>
    %broadcast_in_dim3A_1924 = vector.broadcast %get3A_108 : f32 to vector<16x50xf32>
    %select_n3A_1925 = arith.select %or3A_1903, %broadcast_in_dim3A_1924, %reduce_sum3A_1923 : vector<16x50xi1>, vector<16x50xf32>
    %get3A_1926 = arith.constant 0 : index
    %get3A_1927 = arith.constant 34 : index
    %get3A_1928 = arith.constant 0 : index
    %get3A_1929 = vector.load %arg6[%get3A_1926, %get3A_1927, %get3A_1928] : memref<16x50x51xf32, #tpu.memory_space<vmem>>, vector<16x1x50xf32>
    %get3A_1930 = vector.shape_cast %get3A_1929 : vector<16x1x50xf32> to vector<16x50xf32>
    %add3A_1931 = arith.addf %select_n3A_1925, %get3A_1930 : vector<16x50xf32>
    %get3A_1932 = arith.constant 0 : index
    %get3A_1933 = arith.constant 34 : index
    %get3A_1934 = arith.constant 50 : index
    %get3A_1935 = vector.load %arg6[%get3A_1932, %get3A_1933, %get3A_1934] : memref<16x50x51xf32, #tpu.memory_space<vmem>>, vector<16x1x1xf32>
    %get3A_1936 = vector.shape_cast %get3A_1935 : vector<16x1x1xf32> to vector<16x1xf32>
    %add3A_1937 = vector.broadcast %get3A_105 : f32 to vector<16x1xf32>
    %add3A_1938 = arith.addf %add3A_1937, %get3A_1936 : vector<16x1xf32>
    %reduce_max3A_1939 = arith.constant dense<0xFF800000> : vector<16xf32>
    %reduce_max3A_1940 = vector.multi_reduction <maximumf>, %add3A_1931, %reduce_max3A_1939 [1] : vector<16x50xf32> to vector<16xf32>
    %broadcast_in_dim3A_1941 = vector.shape_cast %reduce_max3A_1940 : vector<16xf32> to vector<16x1xf32>
    %eq3A_1942 = vector.broadcast %broadcast_in_dim3A_1941 : vector<16x1xf32> to vector<16x50xf32>
    %eq3A_1943 = arith.cmpf oeq, %add3A_1931, %eq3A_1942 : vector<16x50xf32>
    %jit3A_1944 = arith.constant 51 : i32
    %broadcast_in_dim3A_1945 = vector.broadcast %jit3A_1944 : i32 to vector<16x50xi32>
    %select_n3A_1946 = arith.select %eq3A_1943, %iota3A_109, %broadcast_in_dim3A_1945 : vector<16x50xi1>, vector<16x50xi32>
    %reduce_min3A_1947 = arith.constant dense<2147483647> : vector<16xi32>
    %reduce_min3A_1948 = vector.multi_reduction <minsi>, %select_n3A_1946, %reduce_min3A_1947 [1] : vector<16x50xi32> to vector<16xi32>
    %broadcast_in_dim3A_1949 = vector.shape_cast %reduce_min3A_1948 : vector<16xi32> to vector<16x1xi32>
    %ge3A_1950 = arith.cmpf oge, %broadcast_in_dim3A_1941, %add3A_1938 : vector<16x1xf32>
    %jit3A_1951 = arith.constant 50 : i32
    %broadcast_in_dim3A_1952 = vector.broadcast %jit3A_1951 : i32 to vector<16x1xi32>
    %select_n3A_1953 = arith.select %ge3A_1950, %broadcast_in_dim3A_1949, %broadcast_in_dim3A_1952 : vector<16x1xi1>, vector<16x1xi32>
    %eq3A_1954 = vector.broadcast %select_n3A_1953 : vector<16x1xi32> to vector<16x50xi32>
    %eq3A_1955 = arith.cmpi eq, %iota3A_109, %eq3A_1954 : vector<16x50xi32>
    %or3A_1956 = arith.ori %or3A_1903, %eq3A_1955 : vector<16x50xi1>
    %eq3A_1957 = arith.constant 34 : i32
    %eq3A_1958 = vector.broadcast %eq3A_1957 : i32 to vector<16x50xi32>
    %eq3A_1959 = arith.cmpi eq, %iota3A_109, %eq3A_1958 : vector<16x50xi32>
    %broadcast_in_dim3A_1960 = vector.shape_cast %select_n3A_1953 : vector<16x1xi32> to vector<16x1xi32>
    %broadcast_in_dim3A_1961 = vector.broadcast %broadcast_in_dim3A_1960 : vector<16x1xi32> to vector<16x50xi32>
    %select_n3A_1962 = arith.select %eq3A_1959, %broadcast_in_dim3A_1961, %select_n3A_1909 : vector<16x50xi1>, vector<16x50xi32>
    %get3A_1963 = arith.constant 0 : index
    %get3A_1964 = arith.constant 35 : index
    %get3A_1965 = vector.load %arg5[%get3A_1963, %get3A_1964] : memref<16x50xi32, #tpu.memory_space<vmem>>, vector<16x1xi32>
    %broadcast_in_dim3A_1966 = vector.shape_cast %get3A_1965 : vector<16x1xi32> to vector<16x1x1xi32>
    %eq3A_1967 = vector.broadcast %iota3A : vector<1x50x1xi32> to vector<16x50x1xi32>
    %eq3A_1968 = vector.broadcast %broadcast_in_dim3A_1966 : vector<16x1x1xi32> to vector<16x50x1xi32>
    %eq3A_1969 = arith.cmpi eq, %eq3A_1967, %eq3A_1968 : vector<16x50x1xi32>
    %jit3A_1970 = arith.constant 0.000000e+00 : f32
    %broadcast_in_dim3A_1971 = vector.shape_cast %eq3A_1969 : vector<16x50x1xi1> to vector<16x50x1xi1>
    %broadcast_in_dim3A_1972 = vector.broadcast %broadcast_in_dim3A_1971 : vector<16x50x1xi1> to vector<16x50x50xi1>
    %broadcast_in_dim3A_1973 = vector.broadcast %jit3A_1970 : f32 to vector<16x50x50xf32>
    %select_n3A_1974 = arith.select %broadcast_in_dim3A_1972, %log3A, %broadcast_in_dim3A_1973 : vector<16x50x50xi1>, vector<16x50x50xf32>
    %reduce_sum3A_1975 = arith.constant dense<0.000000e+00> : vector<16x50xf32>
    %reduce_sum3A_1976 = vector.multi_reduction <add>, %select_n3A_1974, %reduce_sum3A_1975 [1] : vector<16x50x50xf32> to vector<16x50xf32>
    %broadcast_in_dim3A_1977 = vector.broadcast %get3A_108 : f32 to vector<16x50xf32>
    %select_n3A_1978 = arith.select %or3A_1956, %broadcast_in_dim3A_1977, %reduce_sum3A_1976 : vector<16x50xi1>, vector<16x50xf32>
    %get3A_1979 = arith.constant 0 : index
    %get3A_1980 = arith.constant 35 : index
    %get3A_1981 = arith.constant 0 : index
    %get3A_1982 = vector.load %arg6[%get3A_1979, %get3A_1980, %get3A_1981] : memref<16x50x51xf32, #tpu.memory_space<vmem>>, vector<16x1x50xf32>
    %get3A_1983 = vector.shape_cast %get3A_1982 : vector<16x1x50xf32> to vector<16x50xf32>
    %add3A_1984 = arith.addf %select_n3A_1978, %get3A_1983 : vector<16x50xf32>
    %get3A_1985 = arith.constant 0 : index
    %get3A_1986 = arith.constant 35 : index
    %get3A_1987 = arith.constant 50 : index
    %get3A_1988 = vector.load %arg6[%get3A_1985, %get3A_1986, %get3A_1987] : memref<16x50x51xf32, #tpu.memory_space<vmem>>, vector<16x1x1xf32>
    %get3A_1989 = vector.shape_cast %get3A_1988 : vector<16x1x1xf32> to vector<16x1xf32>
    %add3A_1990 = vector.broadcast %get3A_105 : f32 to vector<16x1xf32>
    %add3A_1991 = arith.addf %add3A_1990, %get3A_1989 : vector<16x1xf32>
    %reduce_max3A_1992 = arith.constant dense<0xFF800000> : vector<16xf32>
    %reduce_max3A_1993 = vector.multi_reduction <maximumf>, %add3A_1984, %reduce_max3A_1992 [1] : vector<16x50xf32> to vector<16xf32>
    %broadcast_in_dim3A_1994 = vector.shape_cast %reduce_max3A_1993 : vector<16xf32> to vector<16x1xf32>
    %eq3A_1995 = vector.broadcast %broadcast_in_dim3A_1994 : vector<16x1xf32> to vector<16x50xf32>
    %eq3A_1996 = arith.cmpf oeq, %add3A_1984, %eq3A_1995 : vector<16x50xf32>
    %jit3A_1997 = arith.constant 51 : i32
    %broadcast_in_dim3A_1998 = vector.broadcast %jit3A_1997 : i32 to vector<16x50xi32>
    %select_n3A_1999 = arith.select %eq3A_1996, %iota3A_109, %broadcast_in_dim3A_1998 : vector<16x50xi1>, vector<16x50xi32>
    %reduce_min3A_2000 = arith.constant dense<2147483647> : vector<16xi32>
    %reduce_min3A_2001 = vector.multi_reduction <minsi>, %select_n3A_1999, %reduce_min3A_2000 [1] : vector<16x50xi32> to vector<16xi32>
    %broadcast_in_dim3A_2002 = vector.shape_cast %reduce_min3A_2001 : vector<16xi32> to vector<16x1xi32>
    %ge3A_2003 = arith.cmpf oge, %broadcast_in_dim3A_1994, %add3A_1991 : vector<16x1xf32>
    %jit3A_2004 = arith.constant 50 : i32
    %broadcast_in_dim3A_2005 = vector.broadcast %jit3A_2004 : i32 to vector<16x1xi32>
    %select_n3A_2006 = arith.select %ge3A_2003, %broadcast_in_dim3A_2002, %broadcast_in_dim3A_2005 : vector<16x1xi1>, vector<16x1xi32>
    %eq3A_2007 = vector.broadcast %select_n3A_2006 : vector<16x1xi32> to vector<16x50xi32>
    %eq3A_2008 = arith.cmpi eq, %iota3A_109, %eq3A_2007 : vector<16x50xi32>
    %or3A_2009 = arith.ori %or3A_1956, %eq3A_2008 : vector<16x50xi1>
    %eq3A_2010 = arith.constant 35 : i32
    %eq3A_2011 = vector.broadcast %eq3A_2010 : i32 to vector<16x50xi32>
    %eq3A_2012 = arith.cmpi eq, %iota3A_109, %eq3A_2011 : vector<16x50xi32>
    %broadcast_in_dim3A_2013 = vector.shape_cast %select_n3A_2006 : vector<16x1xi32> to vector<16x1xi32>
    %broadcast_in_dim3A_2014 = vector.broadcast %broadcast_in_dim3A_2013 : vector<16x1xi32> to vector<16x50xi32>
    %select_n3A_2015 = arith.select %eq3A_2012, %broadcast_in_dim3A_2014, %select_n3A_1962 : vector<16x50xi1>, vector<16x50xi32>
    %get3A_2016 = arith.constant 0 : index
    %get3A_2017 = arith.constant 36 : index
    %get3A_2018 = vector.load %arg5[%get3A_2016, %get3A_2017] : memref<16x50xi32, #tpu.memory_space<vmem>>, vector<16x1xi32>
    %broadcast_in_dim3A_2019 = vector.shape_cast %get3A_2018 : vector<16x1xi32> to vector<16x1x1xi32>
    %eq3A_2020 = vector.broadcast %iota3A : vector<1x50x1xi32> to vector<16x50x1xi32>
    %eq3A_2021 = vector.broadcast %broadcast_in_dim3A_2019 : vector<16x1x1xi32> to vector<16x50x1xi32>
    %eq3A_2022 = arith.cmpi eq, %eq3A_2020, %eq3A_2021 : vector<16x50x1xi32>
    %jit3A_2023 = arith.constant 0.000000e+00 : f32
    %broadcast_in_dim3A_2024 = vector.shape_cast %eq3A_2022 : vector<16x50x1xi1> to vector<16x50x1xi1>
    %broadcast_in_dim3A_2025 = vector.broadcast %broadcast_in_dim3A_2024 : vector<16x50x1xi1> to vector<16x50x50xi1>
    %broadcast_in_dim3A_2026 = vector.broadcast %jit3A_2023 : f32 to vector<16x50x50xf32>
    %select_n3A_2027 = arith.select %broadcast_in_dim3A_2025, %log3A, %broadcast_in_dim3A_2026 : vector<16x50x50xi1>, vector<16x50x50xf32>
    %reduce_sum3A_2028 = arith.constant dense<0.000000e+00> : vector<16x50xf32>
    %reduce_sum3A_2029 = vector.multi_reduction <add>, %select_n3A_2027, %reduce_sum3A_2028 [1] : vector<16x50x50xf32> to vector<16x50xf32>
    %broadcast_in_dim3A_2030 = vector.broadcast %get3A_108 : f32 to vector<16x50xf32>
    %select_n3A_2031 = arith.select %or3A_2009, %broadcast_in_dim3A_2030, %reduce_sum3A_2029 : vector<16x50xi1>, vector<16x50xf32>
    %get3A_2032 = arith.constant 0 : index
    %get3A_2033 = arith.constant 36 : index
    %get3A_2034 = arith.constant 0 : index
    %get3A_2035 = vector.load %arg6[%get3A_2032, %get3A_2033, %get3A_2034] : memref<16x50x51xf32, #tpu.memory_space<vmem>>, vector<16x1x50xf32>
    %get3A_2036 = vector.shape_cast %get3A_2035 : vector<16x1x50xf32> to vector<16x50xf32>
    %add3A_2037 = arith.addf %select_n3A_2031, %get3A_2036 : vector<16x50xf32>
    %get3A_2038 = arith.constant 0 : index
    %get3A_2039 = arith.constant 36 : index
    %get3A_2040 = arith.constant 50 : index
    %get3A_2041 = vector.load %arg6[%get3A_2038, %get3A_2039, %get3A_2040] : memref<16x50x51xf32, #tpu.memory_space<vmem>>, vector<16x1x1xf32>
    %get3A_2042 = vector.shape_cast %get3A_2041 : vector<16x1x1xf32> to vector<16x1xf32>
    %add3A_2043 = vector.broadcast %get3A_105 : f32 to vector<16x1xf32>
    %add3A_2044 = arith.addf %add3A_2043, %get3A_2042 : vector<16x1xf32>
    %reduce_max3A_2045 = arith.constant dense<0xFF800000> : vector<16xf32>
    %reduce_max3A_2046 = vector.multi_reduction <maximumf>, %add3A_2037, %reduce_max3A_2045 [1] : vector<16x50xf32> to vector<16xf32>
    %broadcast_in_dim3A_2047 = vector.shape_cast %reduce_max3A_2046 : vector<16xf32> to vector<16x1xf32>
    %eq3A_2048 = vector.broadcast %broadcast_in_dim3A_2047 : vector<16x1xf32> to vector<16x50xf32>
    %eq3A_2049 = arith.cmpf oeq, %add3A_2037, %eq3A_2048 : vector<16x50xf32>
    %jit3A_2050 = arith.constant 51 : i32
    %broadcast_in_dim3A_2051 = vector.broadcast %jit3A_2050 : i32 to vector<16x50xi32>
    %select_n3A_2052 = arith.select %eq3A_2049, %iota3A_109, %broadcast_in_dim3A_2051 : vector<16x50xi1>, vector<16x50xi32>
    %reduce_min3A_2053 = arith.constant dense<2147483647> : vector<16xi32>
    %reduce_min3A_2054 = vector.multi_reduction <minsi>, %select_n3A_2052, %reduce_min3A_2053 [1] : vector<16x50xi32> to vector<16xi32>
    %broadcast_in_dim3A_2055 = vector.shape_cast %reduce_min3A_2054 : vector<16xi32> to vector<16x1xi32>
    %ge3A_2056 = arith.cmpf oge, %broadcast_in_dim3A_2047, %add3A_2044 : vector<16x1xf32>
    %jit3A_2057 = arith.constant 50 : i32
    %broadcast_in_dim3A_2058 = vector.broadcast %jit3A_2057 : i32 to vector<16x1xi32>
    %select_n3A_2059 = arith.select %ge3A_2056, %broadcast_in_dim3A_2055, %broadcast_in_dim3A_2058 : vector<16x1xi1>, vector<16x1xi32>
    %eq3A_2060 = vector.broadcast %select_n3A_2059 : vector<16x1xi32> to vector<16x50xi32>
    %eq3A_2061 = arith.cmpi eq, %iota3A_109, %eq3A_2060 : vector<16x50xi32>
    %or3A_2062 = arith.ori %or3A_2009, %eq3A_2061 : vector<16x50xi1>
    %eq3A_2063 = arith.constant 36 : i32
    %eq3A_2064 = vector.broadcast %eq3A_2063 : i32 to vector<16x50xi32>
    %eq3A_2065 = arith.cmpi eq, %iota3A_109, %eq3A_2064 : vector<16x50xi32>
    %broadcast_in_dim3A_2066 = vector.shape_cast %select_n3A_2059 : vector<16x1xi32> to vector<16x1xi32>
    %broadcast_in_dim3A_2067 = vector.broadcast %broadcast_in_dim3A_2066 : vector<16x1xi32> to vector<16x50xi32>
    %select_n3A_2068 = arith.select %eq3A_2065, %broadcast_in_dim3A_2067, %select_n3A_2015 : vector<16x50xi1>, vector<16x50xi32>
    %get3A_2069 = arith.constant 0 : index
    %get3A_2070 = arith.constant 37 : index
    %get3A_2071 = vector.load %arg5[%get3A_2069, %get3A_2070] : memref<16x50xi32, #tpu.memory_space<vmem>>, vector<16x1xi32>
    %broadcast_in_dim3A_2072 = vector.shape_cast %get3A_2071 : vector<16x1xi32> to vector<16x1x1xi32>
    %eq3A_2073 = vector.broadcast %iota3A : vector<1x50x1xi32> to vector<16x50x1xi32>
    %eq3A_2074 = vector.broadcast %broadcast_in_dim3A_2072 : vector<16x1x1xi32> to vector<16x50x1xi32>
    %eq3A_2075 = arith.cmpi eq, %eq3A_2073, %eq3A_2074 : vector<16x50x1xi32>
    %jit3A_2076 = arith.constant 0.000000e+00 : f32
    %broadcast_in_dim3A_2077 = vector.shape_cast %eq3A_2075 : vector<16x50x1xi1> to vector<16x50x1xi1>
    %broadcast_in_dim3A_2078 = vector.broadcast %broadcast_in_dim3A_2077 : vector<16x50x1xi1> to vector<16x50x50xi1>
    %broadcast_in_dim3A_2079 = vector.broadcast %jit3A_2076 : f32 to vector<16x50x50xf32>
    %select_n3A_2080 = arith.select %broadcast_in_dim3A_2078, %log3A, %broadcast_in_dim3A_2079 : vector<16x50x50xi1>, vector<16x50x50xf32>
    %reduce_sum3A_2081 = arith.constant dense<0.000000e+00> : vector<16x50xf32>
    %reduce_sum3A_2082 = vector.multi_reduction <add>, %select_n3A_2080, %reduce_sum3A_2081 [1] : vector<16x50x50xf32> to vector<16x50xf32>
    %broadcast_in_dim3A_2083 = vector.broadcast %get3A_108 : f32 to vector<16x50xf32>
    %select_n3A_2084 = arith.select %or3A_2062, %broadcast_in_dim3A_2083, %reduce_sum3A_2082 : vector<16x50xi1>, vector<16x50xf32>
    %get3A_2085 = arith.constant 0 : index
    %get3A_2086 = arith.constant 37 : index
    %get3A_2087 = arith.constant 0 : index
    %get3A_2088 = vector.load %arg6[%get3A_2085, %get3A_2086, %get3A_2087] : memref<16x50x51xf32, #tpu.memory_space<vmem>>, vector<16x1x50xf32>
    %get3A_2089 = vector.shape_cast %get3A_2088 : vector<16x1x50xf32> to vector<16x50xf32>
    %add3A_2090 = arith.addf %select_n3A_2084, %get3A_2089 : vector<16x50xf32>
    %get3A_2091 = arith.constant 0 : index
    %get3A_2092 = arith.constant 37 : index
    %get3A_2093 = arith.constant 50 : index
    %get3A_2094 = vector.load %arg6[%get3A_2091, %get3A_2092, %get3A_2093] : memref<16x50x51xf32, #tpu.memory_space<vmem>>, vector<16x1x1xf32>
    %get3A_2095 = vector.shape_cast %get3A_2094 : vector<16x1x1xf32> to vector<16x1xf32>
    %add3A_2096 = vector.broadcast %get3A_105 : f32 to vector<16x1xf32>
    %add3A_2097 = arith.addf %add3A_2096, %get3A_2095 : vector<16x1xf32>
    %reduce_max3A_2098 = arith.constant dense<0xFF800000> : vector<16xf32>
    %reduce_max3A_2099 = vector.multi_reduction <maximumf>, %add3A_2090, %reduce_max3A_2098 [1] : vector<16x50xf32> to vector<16xf32>
    %broadcast_in_dim3A_2100 = vector.shape_cast %reduce_max3A_2099 : vector<16xf32> to vector<16x1xf32>
    %eq3A_2101 = vector.broadcast %broadcast_in_dim3A_2100 : vector<16x1xf32> to vector<16x50xf32>
    %eq3A_2102 = arith.cmpf oeq, %add3A_2090, %eq3A_2101 : vector<16x50xf32>
    %jit3A_2103 = arith.constant 51 : i32
    %broadcast_in_dim3A_2104 = vector.broadcast %jit3A_2103 : i32 to vector<16x50xi32>
    %select_n3A_2105 = arith.select %eq3A_2102, %iota3A_109, %broadcast_in_dim3A_2104 : vector<16x50xi1>, vector<16x50xi32>
    %reduce_min3A_2106 = arith.constant dense<2147483647> : vector<16xi32>
    %reduce_min3A_2107 = vector.multi_reduction <minsi>, %select_n3A_2105, %reduce_min3A_2106 [1] : vector<16x50xi32> to vector<16xi32>
    %broadcast_in_dim3A_2108 = vector.shape_cast %reduce_min3A_2107 : vector<16xi32> to vector<16x1xi32>
    %ge3A_2109 = arith.cmpf oge, %broadcast_in_dim3A_2100, %add3A_2097 : vector<16x1xf32>
    %jit3A_2110 = arith.constant 50 : i32
    %broadcast_in_dim3A_2111 = vector.broadcast %jit3A_2110 : i32 to vector<16x1xi32>
    %select_n3A_2112 = arith.select %ge3A_2109, %broadcast_in_dim3A_2108, %broadcast_in_dim3A_2111 : vector<16x1xi1>, vector<16x1xi32>
    %eq3A_2113 = vector.broadcast %select_n3A_2112 : vector<16x1xi32> to vector<16x50xi32>
    %eq3A_2114 = arith.cmpi eq, %iota3A_109, %eq3A_2113 : vector<16x50xi32>
    %or3A_2115 = arith.ori %or3A_2062, %eq3A_2114 : vector<16x50xi1>
    %eq3A_2116 = arith.constant 37 : i32
    %eq3A_2117 = vector.broadcast %eq3A_2116 : i32 to vector<16x50xi32>
    %eq3A_2118 = arith.cmpi eq, %iota3A_109, %eq3A_2117 : vector<16x50xi32>
    %broadcast_in_dim3A_2119 = vector.shape_cast %select_n3A_2112 : vector<16x1xi32> to vector<16x1xi32>
    %broadcast_in_dim3A_2120 = vector.broadcast %broadcast_in_dim3A_2119 : vector<16x1xi32> to vector<16x50xi32>
    %select_n3A_2121 = arith.select %eq3A_2118, %broadcast_in_dim3A_2120, %select_n3A_2068 : vector<16x50xi1>, vector<16x50xi32>
    %get3A_2122 = arith.constant 0 : index
    %get3A_2123 = arith.constant 38 : index
    %get3A_2124 = vector.load %arg5[%get3A_2122, %get3A_2123] : memref<16x50xi32, #tpu.memory_space<vmem>>, vector<16x1xi32>
    %broadcast_in_dim3A_2125 = vector.shape_cast %get3A_2124 : vector<16x1xi32> to vector<16x1x1xi32>
    %eq3A_2126 = vector.broadcast %iota3A : vector<1x50x1xi32> to vector<16x50x1xi32>
    %eq3A_2127 = vector.broadcast %broadcast_in_dim3A_2125 : vector<16x1x1xi32> to vector<16x50x1xi32>
    %eq3A_2128 = arith.cmpi eq, %eq3A_2126, %eq3A_2127 : vector<16x50x1xi32>
    %jit3A_2129 = arith.constant 0.000000e+00 : f32
    %broadcast_in_dim3A_2130 = vector.shape_cast %eq3A_2128 : vector<16x50x1xi1> to vector<16x50x1xi1>
    %broadcast_in_dim3A_2131 = vector.broadcast %broadcast_in_dim3A_2130 : vector<16x50x1xi1> to vector<16x50x50xi1>
    %broadcast_in_dim3A_2132 = vector.broadcast %jit3A_2129 : f32 to vector<16x50x50xf32>
    %select_n3A_2133 = arith.select %broadcast_in_dim3A_2131, %log3A, %broadcast_in_dim3A_2132 : vector<16x50x50xi1>, vector<16x50x50xf32>
    %reduce_sum3A_2134 = arith.constant dense<0.000000e+00> : vector<16x50xf32>
    %reduce_sum3A_2135 = vector.multi_reduction <add>, %select_n3A_2133, %reduce_sum3A_2134 [1] : vector<16x50x50xf32> to vector<16x50xf32>
    %broadcast_in_dim3A_2136 = vector.broadcast %get3A_108 : f32 to vector<16x50xf32>
    %select_n3A_2137 = arith.select %or3A_2115, %broadcast_in_dim3A_2136, %reduce_sum3A_2135 : vector<16x50xi1>, vector<16x50xf32>
    %get3A_2138 = arith.constant 0 : index
    %get3A_2139 = arith.constant 38 : index
    %get3A_2140 = arith.constant 0 : index
    %get3A_2141 = vector.load %arg6[%get3A_2138, %get3A_2139, %get3A_2140] : memref<16x50x51xf32, #tpu.memory_space<vmem>>, vector<16x1x50xf32>
    %get3A_2142 = vector.shape_cast %get3A_2141 : vector<16x1x50xf32> to vector<16x50xf32>
    %add3A_2143 = arith.addf %select_n3A_2137, %get3A_2142 : vector<16x50xf32>
    %get3A_2144 = arith.constant 0 : index
    %get3A_2145 = arith.constant 38 : index
    %get3A_2146 = arith.constant 50 : index
    %get3A_2147 = vector.load %arg6[%get3A_2144, %get3A_2145, %get3A_2146] : memref<16x50x51xf32, #tpu.memory_space<vmem>>, vector<16x1x1xf32>
    %get3A_2148 = vector.shape_cast %get3A_2147 : vector<16x1x1xf32> to vector<16x1xf32>
    %add3A_2149 = vector.broadcast %get3A_105 : f32 to vector<16x1xf32>
    %add3A_2150 = arith.addf %add3A_2149, %get3A_2148 : vector<16x1xf32>
    %reduce_max3A_2151 = arith.constant dense<0xFF800000> : vector<16xf32>
    %reduce_max3A_2152 = vector.multi_reduction <maximumf>, %add3A_2143, %reduce_max3A_2151 [1] : vector<16x50xf32> to vector<16xf32>
    %broadcast_in_dim3A_2153 = vector.shape_cast %reduce_max3A_2152 : vector<16xf32> to vector<16x1xf32>
    %eq3A_2154 = vector.broadcast %broadcast_in_dim3A_2153 : vector<16x1xf32> to vector<16x50xf32>
    %eq3A_2155 = arith.cmpf oeq, %add3A_2143, %eq3A_2154 : vector<16x50xf32>
    %jit3A_2156 = arith.constant 51 : i32
    %broadcast_in_dim3A_2157 = vector.broadcast %jit3A_2156 : i32 to vector<16x50xi32>
    %select_n3A_2158 = arith.select %eq3A_2155, %iota3A_109, %broadcast_in_dim3A_2157 : vector<16x50xi1>, vector<16x50xi32>
    %reduce_min3A_2159 = arith.constant dense<2147483647> : vector<16xi32>
    %reduce_min3A_2160 = vector.multi_reduction <minsi>, %select_n3A_2158, %reduce_min3A_2159 [1] : vector<16x50xi32> to vector<16xi32>
    %broadcast_in_dim3A_2161 = vector.shape_cast %reduce_min3A_2160 : vector<16xi32> to vector<16x1xi32>
    %ge3A_2162 = arith.cmpf oge, %broadcast_in_dim3A_2153, %add3A_2150 : vector<16x1xf32>
    %jit3A_2163 = arith.constant 50 : i32
    %broadcast_in_dim3A_2164 = vector.broadcast %jit3A_2163 : i32 to vector<16x1xi32>
    %select_n3A_2165 = arith.select %ge3A_2162, %broadcast_in_dim3A_2161, %broadcast_in_dim3A_2164 : vector<16x1xi1>, vector<16x1xi32>
    %eq3A_2166 = vector.broadcast %select_n3A_2165 : vector<16x1xi32> to vector<16x50xi32>
    %eq3A_2167 = arith.cmpi eq, %iota3A_109, %eq3A_2166 : vector<16x50xi32>
    %or3A_2168 = arith.ori %or3A_2115, %eq3A_2167 : vector<16x50xi1>
    %eq3A_2169 = arith.constant 38 : i32
    %eq3A_2170 = vector.broadcast %eq3A_2169 : i32 to vector<16x50xi32>
    %eq3A_2171 = arith.cmpi eq, %iota3A_109, %eq3A_2170 : vector<16x50xi32>
    %broadcast_in_dim3A_2172 = vector.shape_cast %select_n3A_2165 : vector<16x1xi32> to vector<16x1xi32>
    %broadcast_in_dim3A_2173 = vector.broadcast %broadcast_in_dim3A_2172 : vector<16x1xi32> to vector<16x50xi32>
    %select_n3A_2174 = arith.select %eq3A_2171, %broadcast_in_dim3A_2173, %select_n3A_2121 : vector<16x50xi1>, vector<16x50xi32>
    %get3A_2175 = arith.constant 0 : index
    %get3A_2176 = arith.constant 39 : index
    %get3A_2177 = vector.load %arg5[%get3A_2175, %get3A_2176] : memref<16x50xi32, #tpu.memory_space<vmem>>, vector<16x1xi32>
    %broadcast_in_dim3A_2178 = vector.shape_cast %get3A_2177 : vector<16x1xi32> to vector<16x1x1xi32>
    %eq3A_2179 = vector.broadcast %iota3A : vector<1x50x1xi32> to vector<16x50x1xi32>
    %eq3A_2180 = vector.broadcast %broadcast_in_dim3A_2178 : vector<16x1x1xi32> to vector<16x50x1xi32>
    %eq3A_2181 = arith.cmpi eq, %eq3A_2179, %eq3A_2180 : vector<16x50x1xi32>
    %jit3A_2182 = arith.constant 0.000000e+00 : f32
    %broadcast_in_dim3A_2183 = vector.shape_cast %eq3A_2181 : vector<16x50x1xi1> to vector<16x50x1xi1>
    %broadcast_in_dim3A_2184 = vector.broadcast %broadcast_in_dim3A_2183 : vector<16x50x1xi1> to vector<16x50x50xi1>
    %broadcast_in_dim3A_2185 = vector.broadcast %jit3A_2182 : f32 to vector<16x50x50xf32>
    %select_n3A_2186 = arith.select %broadcast_in_dim3A_2184, %log3A, %broadcast_in_dim3A_2185 : vector<16x50x50xi1>, vector<16x50x50xf32>
    %reduce_sum3A_2187 = arith.constant dense<0.000000e+00> : vector<16x50xf32>
    %reduce_sum3A_2188 = vector.multi_reduction <add>, %select_n3A_2186, %reduce_sum3A_2187 [1] : vector<16x50x50xf32> to vector<16x50xf32>
    %broadcast_in_dim3A_2189 = vector.broadcast %get3A_108 : f32 to vector<16x50xf32>
    %select_n3A_2190 = arith.select %or3A_2168, %broadcast_in_dim3A_2189, %reduce_sum3A_2188 : vector<16x50xi1>, vector<16x50xf32>
    %get3A_2191 = arith.constant 0 : index
    %get3A_2192 = arith.constant 39 : index
    %get3A_2193 = arith.constant 0 : index
    %get3A_2194 = vector.load %arg6[%get3A_2191, %get3A_2192, %get3A_2193] : memref<16x50x51xf32, #tpu.memory_space<vmem>>, vector<16x1x50xf32>
    %get3A_2195 = vector.shape_cast %get3A_2194 : vector<16x1x50xf32> to vector<16x50xf32>
    %add3A_2196 = arith.addf %select_n3A_2190, %get3A_2195 : vector<16x50xf32>
    %get3A_2197 = arith.constant 0 : index
    %get3A_2198 = arith.constant 39 : index
    %get3A_2199 = arith.constant 50 : index
    %get3A_2200 = vector.load %arg6[%get3A_2197, %get3A_2198, %get3A_2199] : memref<16x50x51xf32, #tpu.memory_space<vmem>>, vector<16x1x1xf32>
    %get3A_2201 = vector.shape_cast %get3A_2200 : vector<16x1x1xf32> to vector<16x1xf32>
    %add3A_2202 = vector.broadcast %get3A_105 : f32 to vector<16x1xf32>
    %add3A_2203 = arith.addf %add3A_2202, %get3A_2201 : vector<16x1xf32>
    %reduce_max3A_2204 = arith.constant dense<0xFF800000> : vector<16xf32>
    %reduce_max3A_2205 = vector.multi_reduction <maximumf>, %add3A_2196, %reduce_max3A_2204 [1] : vector<16x50xf32> to vector<16xf32>
    %broadcast_in_dim3A_2206 = vector.shape_cast %reduce_max3A_2205 : vector<16xf32> to vector<16x1xf32>
    %eq3A_2207 = vector.broadcast %broadcast_in_dim3A_2206 : vector<16x1xf32> to vector<16x50xf32>
    %eq3A_2208 = arith.cmpf oeq, %add3A_2196, %eq3A_2207 : vector<16x50xf32>
    %jit3A_2209 = arith.constant 51 : i32
    %broadcast_in_dim3A_2210 = vector.broadcast %jit3A_2209 : i32 to vector<16x50xi32>
    %select_n3A_2211 = arith.select %eq3A_2208, %iota3A_109, %broadcast_in_dim3A_2210 : vector<16x50xi1>, vector<16x50xi32>
    %reduce_min3A_2212 = arith.constant dense<2147483647> : vector<16xi32>
    %reduce_min3A_2213 = vector.multi_reduction <minsi>, %select_n3A_2211, %reduce_min3A_2212 [1] : vector<16x50xi32> to vector<16xi32>
    %broadcast_in_dim3A_2214 = vector.shape_cast %reduce_min3A_2213 : vector<16xi32> to vector<16x1xi32>
    %ge3A_2215 = arith.cmpf oge, %broadcast_in_dim3A_2206, %add3A_2203 : vector<16x1xf32>
    %jit3A_2216 = arith.constant 50 : i32
    %broadcast_in_dim3A_2217 = vector.broadcast %jit3A_2216 : i32 to vector<16x1xi32>
    %select_n3A_2218 = arith.select %ge3A_2215, %broadcast_in_dim3A_2214, %broadcast_in_dim3A_2217 : vector<16x1xi1>, vector<16x1xi32>
    %eq3A_2219 = vector.broadcast %select_n3A_2218 : vector<16x1xi32> to vector<16x50xi32>
    %eq3A_2220 = arith.cmpi eq, %iota3A_109, %eq3A_2219 : vector<16x50xi32>
    %or3A_2221 = arith.ori %or3A_2168, %eq3A_2220 : vector<16x50xi1>
    %eq3A_2222 = arith.constant 39 : i32
    %eq3A_2223 = vector.broadcast %eq3A_2222 : i32 to vector<16x50xi32>
    %eq3A_2224 = arith.cmpi eq, %iota3A_109, %eq3A_2223 : vector<16x50xi32>
    %broadcast_in_dim3A_2225 = vector.shape_cast %select_n3A_2218 : vector<16x1xi32> to vector<16x1xi32>
    %broadcast_in_dim3A_2226 = vector.broadcast %broadcast_in_dim3A_2225 : vector<16x1xi32> to vector<16x50xi32>
    %select_n3A_2227 = arith.select %eq3A_2224, %broadcast_in_dim3A_2226, %select_n3A_2174 : vector<16x50xi1>, vector<16x50xi32>
    %get3A_2228 = arith.constant 0 : index
    %get3A_2229 = arith.constant 40 : index
    %get3A_2230 = vector.load %arg5[%get3A_2228, %get3A_2229] : memref<16x50xi32, #tpu.memory_space<vmem>>, vector<16x1xi32>
    %broadcast_in_dim3A_2231 = vector.shape_cast %get3A_2230 : vector<16x1xi32> to vector<16x1x1xi32>
    %eq3A_2232 = vector.broadcast %iota3A : vector<1x50x1xi32> to vector<16x50x1xi32>
    %eq3A_2233 = vector.broadcast %broadcast_in_dim3A_2231 : vector<16x1x1xi32> to vector<16x50x1xi32>
    %eq3A_2234 = arith.cmpi eq, %eq3A_2232, %eq3A_2233 : vector<16x50x1xi32>
    %jit3A_2235 = arith.constant 0.000000e+00 : f32
    %broadcast_in_dim3A_2236 = vector.shape_cast %eq3A_2234 : vector<16x50x1xi1> to vector<16x50x1xi1>
    %broadcast_in_dim3A_2237 = vector.broadcast %broadcast_in_dim3A_2236 : vector<16x50x1xi1> to vector<16x50x50xi1>
    %broadcast_in_dim3A_2238 = vector.broadcast %jit3A_2235 : f32 to vector<16x50x50xf32>
    %select_n3A_2239 = arith.select %broadcast_in_dim3A_2237, %log3A, %broadcast_in_dim3A_2238 : vector<16x50x50xi1>, vector<16x50x50xf32>
    %reduce_sum3A_2240 = arith.constant dense<0.000000e+00> : vector<16x50xf32>
    %reduce_sum3A_2241 = vector.multi_reduction <add>, %select_n3A_2239, %reduce_sum3A_2240 [1] : vector<16x50x50xf32> to vector<16x50xf32>
    %broadcast_in_dim3A_2242 = vector.broadcast %get3A_108 : f32 to vector<16x50xf32>
    %select_n3A_2243 = arith.select %or3A_2221, %broadcast_in_dim3A_2242, %reduce_sum3A_2241 : vector<16x50xi1>, vector<16x50xf32>
    %get3A_2244 = arith.constant 0 : index
    %get3A_2245 = arith.constant 40 : index
    %get3A_2246 = arith.constant 0 : index
    %get3A_2247 = vector.load %arg6[%get3A_2244, %get3A_2245, %get3A_2246] : memref<16x50x51xf32, #tpu.memory_space<vmem>>, vector<16x1x50xf32>
    %get3A_2248 = vector.shape_cast %get3A_2247 : vector<16x1x50xf32> to vector<16x50xf32>
    %add3A_2249 = arith.addf %select_n3A_2243, %get3A_2248 : vector<16x50xf32>
    %get3A_2250 = arith.constant 0 : index
    %get3A_2251 = arith.constant 40 : index
    %get3A_2252 = arith.constant 50 : index
    %get3A_2253 = vector.load %arg6[%get3A_2250, %get3A_2251, %get3A_2252] : memref<16x50x51xf32, #tpu.memory_space<vmem>>, vector<16x1x1xf32>
    %get3A_2254 = vector.shape_cast %get3A_2253 : vector<16x1x1xf32> to vector<16x1xf32>
    %add3A_2255 = vector.broadcast %get3A_105 : f32 to vector<16x1xf32>
    %add3A_2256 = arith.addf %add3A_2255, %get3A_2254 : vector<16x1xf32>
    %reduce_max3A_2257 = arith.constant dense<0xFF800000> : vector<16xf32>
    %reduce_max3A_2258 = vector.multi_reduction <maximumf>, %add3A_2249, %reduce_max3A_2257 [1] : vector<16x50xf32> to vector<16xf32>
    %broadcast_in_dim3A_2259 = vector.shape_cast %reduce_max3A_2258 : vector<16xf32> to vector<16x1xf32>
    %eq3A_2260 = vector.broadcast %broadcast_in_dim3A_2259 : vector<16x1xf32> to vector<16x50xf32>
    %eq3A_2261 = arith.cmpf oeq, %add3A_2249, %eq3A_2260 : vector<16x50xf32>
    %jit3A_2262 = arith.constant 51 : i32
    %broadcast_in_dim3A_2263 = vector.broadcast %jit3A_2262 : i32 to vector<16x50xi32>
    %select_n3A_2264 = arith.select %eq3A_2261, %iota3A_109, %broadcast_in_dim3A_2263 : vector<16x50xi1>, vector<16x50xi32>
    %reduce_min3A_2265 = arith.constant dense<2147483647> : vector<16xi32>
    %reduce_min3A_2266 = vector.multi_reduction <minsi>, %select_n3A_2264, %reduce_min3A_2265 [1] : vector<16x50xi32> to vector<16xi32>
    %broadcast_in_dim3A_2267 = vector.shape_cast %reduce_min3A_2266 : vector<16xi32> to vector<16x1xi32>
    %ge3A_2268 = arith.cmpf oge, %broadcast_in_dim3A_2259, %add3A_2256 : vector<16x1xf32>
    %jit3A_2269 = arith.constant 50 : i32
    %broadcast_in_dim3A_2270 = vector.broadcast %jit3A_2269 : i32 to vector<16x1xi32>
    %select_n3A_2271 = arith.select %ge3A_2268, %broadcast_in_dim3A_2267, %broadcast_in_dim3A_2270 : vector<16x1xi1>, vector<16x1xi32>
    %eq3A_2272 = vector.broadcast %select_n3A_2271 : vector<16x1xi32> to vector<16x50xi32>
    %eq3A_2273 = arith.cmpi eq, %iota3A_109, %eq3A_2272 : vector<16x50xi32>
    %or3A_2274 = arith.ori %or3A_2221, %eq3A_2273 : vector<16x50xi1>
    %eq3A_2275 = arith.constant 40 : i32
    %eq3A_2276 = vector.broadcast %eq3A_2275 : i32 to vector<16x50xi32>
    %eq3A_2277 = arith.cmpi eq, %iota3A_109, %eq3A_2276 : vector<16x50xi32>
    %broadcast_in_dim3A_2278 = vector.shape_cast %select_n3A_2271 : vector<16x1xi32> to vector<16x1xi32>
    %broadcast_in_dim3A_2279 = vector.broadcast %broadcast_in_dim3A_2278 : vector<16x1xi32> to vector<16x50xi32>
    %select_n3A_2280 = arith.select %eq3A_2277, %broadcast_in_dim3A_2279, %select_n3A_2227 : vector<16x50xi1>, vector<16x50xi32>
    %get3A_2281 = arith.constant 0 : index
    %get3A_2282 = arith.constant 41 : index
    %get3A_2283 = vector.load %arg5[%get3A_2281, %get3A_2282] : memref<16x50xi32, #tpu.memory_space<vmem>>, vector<16x1xi32>
    %broadcast_in_dim3A_2284 = vector.shape_cast %get3A_2283 : vector<16x1xi32> to vector<16x1x1xi32>
    %eq3A_2285 = vector.broadcast %iota3A : vector<1x50x1xi32> to vector<16x50x1xi32>
    %eq3A_2286 = vector.broadcast %broadcast_in_dim3A_2284 : vector<16x1x1xi32> to vector<16x50x1xi32>
    %eq3A_2287 = arith.cmpi eq, %eq3A_2285, %eq3A_2286 : vector<16x50x1xi32>
    %jit3A_2288 = arith.constant 0.000000e+00 : f32
    %broadcast_in_dim3A_2289 = vector.shape_cast %eq3A_2287 : vector<16x50x1xi1> to vector<16x50x1xi1>
    %broadcast_in_dim3A_2290 = vector.broadcast %broadcast_in_dim3A_2289 : vector<16x50x1xi1> to vector<16x50x50xi1>
    %broadcast_in_dim3A_2291 = vector.broadcast %jit3A_2288 : f32 to vector<16x50x50xf32>
    %select_n3A_2292 = arith.select %broadcast_in_dim3A_2290, %log3A, %broadcast_in_dim3A_2291 : vector<16x50x50xi1>, vector<16x50x50xf32>
    %reduce_sum3A_2293 = arith.constant dense<0.000000e+00> : vector<16x50xf32>
    %reduce_sum3A_2294 = vector.multi_reduction <add>, %select_n3A_2292, %reduce_sum3A_2293 [1] : vector<16x50x50xf32> to vector<16x50xf32>
    %broadcast_in_dim3A_2295 = vector.broadcast %get3A_108 : f32 to vector<16x50xf32>
    %select_n3A_2296 = arith.select %or3A_2274, %broadcast_in_dim3A_2295, %reduce_sum3A_2294 : vector<16x50xi1>, vector<16x50xf32>
    %get3A_2297 = arith.constant 0 : index
    %get3A_2298 = arith.constant 41 : index
    %get3A_2299 = arith.constant 0 : index
    %get3A_2300 = vector.load %arg6[%get3A_2297, %get3A_2298, %get3A_2299] : memref<16x50x51xf32, #tpu.memory_space<vmem>>, vector<16x1x50xf32>
    %get3A_2301 = vector.shape_cast %get3A_2300 : vector<16x1x50xf32> to vector<16x50xf32>
    %add3A_2302 = arith.addf %select_n3A_2296, %get3A_2301 : vector<16x50xf32>
    %get3A_2303 = arith.constant 0 : index
    %get3A_2304 = arith.constant 41 : index
    %get3A_2305 = arith.constant 50 : index
    %get3A_2306 = vector.load %arg6[%get3A_2303, %get3A_2304, %get3A_2305] : memref<16x50x51xf32, #tpu.memory_space<vmem>>, vector<16x1x1xf32>
    %get3A_2307 = vector.shape_cast %get3A_2306 : vector<16x1x1xf32> to vector<16x1xf32>
    %add3A_2308 = vector.broadcast %get3A_105 : f32 to vector<16x1xf32>
    %add3A_2309 = arith.addf %add3A_2308, %get3A_2307 : vector<16x1xf32>
    %reduce_max3A_2310 = arith.constant dense<0xFF800000> : vector<16xf32>
    %reduce_max3A_2311 = vector.multi_reduction <maximumf>, %add3A_2302, %reduce_max3A_2310 [1] : vector<16x50xf32> to vector<16xf32>
    %broadcast_in_dim3A_2312 = vector.shape_cast %reduce_max3A_2311 : vector<16xf32> to vector<16x1xf32>
    %eq3A_2313 = vector.broadcast %broadcast_in_dim3A_2312 : vector<16x1xf32> to vector<16x50xf32>
    %eq3A_2314 = arith.cmpf oeq, %add3A_2302, %eq3A_2313 : vector<16x50xf32>
    %jit3A_2315 = arith.constant 51 : i32
    %broadcast_in_dim3A_2316 = vector.broadcast %jit3A_2315 : i32 to vector<16x50xi32>
    %select_n3A_2317 = arith.select %eq3A_2314, %iota3A_109, %broadcast_in_dim3A_2316 : vector<16x50xi1>, vector<16x50xi32>
    %reduce_min3A_2318 = arith.constant dense<2147483647> : vector<16xi32>
    %reduce_min3A_2319 = vector.multi_reduction <minsi>, %select_n3A_2317, %reduce_min3A_2318 [1] : vector<16x50xi32> to vector<16xi32>
    %broadcast_in_dim3A_2320 = vector.shape_cast %reduce_min3A_2319 : vector<16xi32> to vector<16x1xi32>
    %ge3A_2321 = arith.cmpf oge, %broadcast_in_dim3A_2312, %add3A_2309 : vector<16x1xf32>
    %jit3A_2322 = arith.constant 50 : i32
    %broadcast_in_dim3A_2323 = vector.broadcast %jit3A_2322 : i32 to vector<16x1xi32>
    %select_n3A_2324 = arith.select %ge3A_2321, %broadcast_in_dim3A_2320, %broadcast_in_dim3A_2323 : vector<16x1xi1>, vector<16x1xi32>
    %eq3A_2325 = vector.broadcast %select_n3A_2324 : vector<16x1xi32> to vector<16x50xi32>
    %eq3A_2326 = arith.cmpi eq, %iota3A_109, %eq3A_2325 : vector<16x50xi32>
    %or3A_2327 = arith.ori %or3A_2274, %eq3A_2326 : vector<16x50xi1>
    %eq3A_2328 = arith.constant 41 : i32
    %eq3A_2329 = vector.broadcast %eq3A_2328 : i32 to vector<16x50xi32>
    %eq3A_2330 = arith.cmpi eq, %iota3A_109, %eq3A_2329 : vector<16x50xi32>
    %broadcast_in_dim3A_2331 = vector.shape_cast %select_n3A_2324 : vector<16x1xi32> to vector<16x1xi32>
    %broadcast_in_dim3A_2332 = vector.broadcast %broadcast_in_dim3A_2331 : vector<16x1xi32> to vector<16x50xi32>
    %select_n3A_2333 = arith.select %eq3A_2330, %broadcast_in_dim3A_2332, %select_n3A_2280 : vector<16x50xi1>, vector<16x50xi32>
    %get3A_2334 = arith.constant 0 : index
    %get3A_2335 = arith.constant 42 : index
    %get3A_2336 = vector.load %arg5[%get3A_2334, %get3A_2335] : memref<16x50xi32, #tpu.memory_space<vmem>>, vector<16x1xi32>
    %broadcast_in_dim3A_2337 = vector.shape_cast %get3A_2336 : vector<16x1xi32> to vector<16x1x1xi32>
    %eq3A_2338 = vector.broadcast %iota3A : vector<1x50x1xi32> to vector<16x50x1xi32>
    %eq3A_2339 = vector.broadcast %broadcast_in_dim3A_2337 : vector<16x1x1xi32> to vector<16x50x1xi32>
    %eq3A_2340 = arith.cmpi eq, %eq3A_2338, %eq3A_2339 : vector<16x50x1xi32>
    %jit3A_2341 = arith.constant 0.000000e+00 : f32
    %broadcast_in_dim3A_2342 = vector.shape_cast %eq3A_2340 : vector<16x50x1xi1> to vector<16x50x1xi1>
    %broadcast_in_dim3A_2343 = vector.broadcast %broadcast_in_dim3A_2342 : vector<16x50x1xi1> to vector<16x50x50xi1>
    %broadcast_in_dim3A_2344 = vector.broadcast %jit3A_2341 : f32 to vector<16x50x50xf32>
    %select_n3A_2345 = arith.select %broadcast_in_dim3A_2343, %log3A, %broadcast_in_dim3A_2344 : vector<16x50x50xi1>, vector<16x50x50xf32>
    %reduce_sum3A_2346 = arith.constant dense<0.000000e+00> : vector<16x50xf32>
    %reduce_sum3A_2347 = vector.multi_reduction <add>, %select_n3A_2345, %reduce_sum3A_2346 [1] : vector<16x50x50xf32> to vector<16x50xf32>
    %broadcast_in_dim3A_2348 = vector.broadcast %get3A_108 : f32 to vector<16x50xf32>
    %select_n3A_2349 = arith.select %or3A_2327, %broadcast_in_dim3A_2348, %reduce_sum3A_2347 : vector<16x50xi1>, vector<16x50xf32>
    %get3A_2350 = arith.constant 0 : index
    %get3A_2351 = arith.constant 42 : index
    %get3A_2352 = arith.constant 0 : index
    %get3A_2353 = vector.load %arg6[%get3A_2350, %get3A_2351, %get3A_2352] : memref<16x50x51xf32, #tpu.memory_space<vmem>>, vector<16x1x50xf32>
    %get3A_2354 = vector.shape_cast %get3A_2353 : vector<16x1x50xf32> to vector<16x50xf32>
    %add3A_2355 = arith.addf %select_n3A_2349, %get3A_2354 : vector<16x50xf32>
    %get3A_2356 = arith.constant 0 : index
    %get3A_2357 = arith.constant 42 : index
    %get3A_2358 = arith.constant 50 : index
    %get3A_2359 = vector.load %arg6[%get3A_2356, %get3A_2357, %get3A_2358] : memref<16x50x51xf32, #tpu.memory_space<vmem>>, vector<16x1x1xf32>
    %get3A_2360 = vector.shape_cast %get3A_2359 : vector<16x1x1xf32> to vector<16x1xf32>
    %add3A_2361 = vector.broadcast %get3A_105 : f32 to vector<16x1xf32>
    %add3A_2362 = arith.addf %add3A_2361, %get3A_2360 : vector<16x1xf32>
    %reduce_max3A_2363 = arith.constant dense<0xFF800000> : vector<16xf32>
    %reduce_max3A_2364 = vector.multi_reduction <maximumf>, %add3A_2355, %reduce_max3A_2363 [1] : vector<16x50xf32> to vector<16xf32>
    %broadcast_in_dim3A_2365 = vector.shape_cast %reduce_max3A_2364 : vector<16xf32> to vector<16x1xf32>
    %eq3A_2366 = vector.broadcast %broadcast_in_dim3A_2365 : vector<16x1xf32> to vector<16x50xf32>
    %eq3A_2367 = arith.cmpf oeq, %add3A_2355, %eq3A_2366 : vector<16x50xf32>
    %jit3A_2368 = arith.constant 51 : i32
    %broadcast_in_dim3A_2369 = vector.broadcast %jit3A_2368 : i32 to vector<16x50xi32>
    %select_n3A_2370 = arith.select %eq3A_2367, %iota3A_109, %broadcast_in_dim3A_2369 : vector<16x50xi1>, vector<16x50xi32>
    %reduce_min3A_2371 = arith.constant dense<2147483647> : vector<16xi32>
    %reduce_min3A_2372 = vector.multi_reduction <minsi>, %select_n3A_2370, %reduce_min3A_2371 [1] : vector<16x50xi32> to vector<16xi32>
    %broadcast_in_dim3A_2373 = vector.shape_cast %reduce_min3A_2372 : vector<16xi32> to vector<16x1xi32>
    %ge3A_2374 = arith.cmpf oge, %broadcast_in_dim3A_2365, %add3A_2362 : vector<16x1xf32>
    %jit3A_2375 = arith.constant 50 : i32
    %broadcast_in_dim3A_2376 = vector.broadcast %jit3A_2375 : i32 to vector<16x1xi32>
    %select_n3A_2377 = arith.select %ge3A_2374, %broadcast_in_dim3A_2373, %broadcast_in_dim3A_2376 : vector<16x1xi1>, vector<16x1xi32>
    %eq3A_2378 = vector.broadcast %select_n3A_2377 : vector<16x1xi32> to vector<16x50xi32>
    %eq3A_2379 = arith.cmpi eq, %iota3A_109, %eq3A_2378 : vector<16x50xi32>
    %or3A_2380 = arith.ori %or3A_2327, %eq3A_2379 : vector<16x50xi1>
    %eq3A_2381 = arith.constant 42 : i32
    %eq3A_2382 = vector.broadcast %eq3A_2381 : i32 to vector<16x50xi32>
    %eq3A_2383 = arith.cmpi eq, %iota3A_109, %eq3A_2382 : vector<16x50xi32>
    %broadcast_in_dim3A_2384 = vector.shape_cast %select_n3A_2377 : vector<16x1xi32> to vector<16x1xi32>
    %broadcast_in_dim3A_2385 = vector.broadcast %broadcast_in_dim3A_2384 : vector<16x1xi32> to vector<16x50xi32>
    %select_n3A_2386 = arith.select %eq3A_2383, %broadcast_in_dim3A_2385, %select_n3A_2333 : vector<16x50xi1>, vector<16x50xi32>
    %get3A_2387 = arith.constant 0 : index
    %get3A_2388 = arith.constant 43 : index
    %get3A_2389 = vector.load %arg5[%get3A_2387, %get3A_2388] : memref<16x50xi32, #tpu.memory_space<vmem>>, vector<16x1xi32>
    %broadcast_in_dim3A_2390 = vector.shape_cast %get3A_2389 : vector<16x1xi32> to vector<16x1x1xi32>
    %eq3A_2391 = vector.broadcast %iota3A : vector<1x50x1xi32> to vector<16x50x1xi32>
    %eq3A_2392 = vector.broadcast %broadcast_in_dim3A_2390 : vector<16x1x1xi32> to vector<16x50x1xi32>
    %eq3A_2393 = arith.cmpi eq, %eq3A_2391, %eq3A_2392 : vector<16x50x1xi32>
    %jit3A_2394 = arith.constant 0.000000e+00 : f32
    %broadcast_in_dim3A_2395 = vector.shape_cast %eq3A_2393 : vector<16x50x1xi1> to vector<16x50x1xi1>
    %broadcast_in_dim3A_2396 = vector.broadcast %broadcast_in_dim3A_2395 : vector<16x50x1xi1> to vector<16x50x50xi1>
    %broadcast_in_dim3A_2397 = vector.broadcast %jit3A_2394 : f32 to vector<16x50x50xf32>
    %select_n3A_2398 = arith.select %broadcast_in_dim3A_2396, %log3A, %broadcast_in_dim3A_2397 : vector<16x50x50xi1>, vector<16x50x50xf32>
    %reduce_sum3A_2399 = arith.constant dense<0.000000e+00> : vector<16x50xf32>
    %reduce_sum3A_2400 = vector.multi_reduction <add>, %select_n3A_2398, %reduce_sum3A_2399 [1] : vector<16x50x50xf32> to vector<16x50xf32>
    %broadcast_in_dim3A_2401 = vector.broadcast %get3A_108 : f32 to vector<16x50xf32>
    %select_n3A_2402 = arith.select %or3A_2380, %broadcast_in_dim3A_2401, %reduce_sum3A_2400 : vector<16x50xi1>, vector<16x50xf32>
    %get3A_2403 = arith.constant 0 : index
    %get3A_2404 = arith.constant 43 : index
    %get3A_2405 = arith.constant 0 : index
    %get3A_2406 = vector.load %arg6[%get3A_2403, %get3A_2404, %get3A_2405] : memref<16x50x51xf32, #tpu.memory_space<vmem>>, vector<16x1x50xf32>
    %get3A_2407 = vector.shape_cast %get3A_2406 : vector<16x1x50xf32> to vector<16x50xf32>
    %add3A_2408 = arith.addf %select_n3A_2402, %get3A_2407 : vector<16x50xf32>
    %get3A_2409 = arith.constant 0 : index
    %get3A_2410 = arith.constant 43 : index
    %get3A_2411 = arith.constant 50 : index
    %get3A_2412 = vector.load %arg6[%get3A_2409, %get3A_2410, %get3A_2411] : memref<16x50x51xf32, #tpu.memory_space<vmem>>, vector<16x1x1xf32>
    %get3A_2413 = vector.shape_cast %get3A_2412 : vector<16x1x1xf32> to vector<16x1xf32>
    %add3A_2414 = vector.broadcast %get3A_105 : f32 to vector<16x1xf32>
    %add3A_2415 = arith.addf %add3A_2414, %get3A_2413 : vector<16x1xf32>
    %reduce_max3A_2416 = arith.constant dense<0xFF800000> : vector<16xf32>
    %reduce_max3A_2417 = vector.multi_reduction <maximumf>, %add3A_2408, %reduce_max3A_2416 [1] : vector<16x50xf32> to vector<16xf32>
    %broadcast_in_dim3A_2418 = vector.shape_cast %reduce_max3A_2417 : vector<16xf32> to vector<16x1xf32>
    %eq3A_2419 = vector.broadcast %broadcast_in_dim3A_2418 : vector<16x1xf32> to vector<16x50xf32>
    %eq3A_2420 = arith.cmpf oeq, %add3A_2408, %eq3A_2419 : vector<16x50xf32>
    %jit3A_2421 = arith.constant 51 : i32
    %broadcast_in_dim3A_2422 = vector.broadcast %jit3A_2421 : i32 to vector<16x50xi32>
    %select_n3A_2423 = arith.select %eq3A_2420, %iota3A_109, %broadcast_in_dim3A_2422 : vector<16x50xi1>, vector<16x50xi32>
    %reduce_min3A_2424 = arith.constant dense<2147483647> : vector<16xi32>
    %reduce_min3A_2425 = vector.multi_reduction <minsi>, %select_n3A_2423, %reduce_min3A_2424 [1] : vector<16x50xi32> to vector<16xi32>
    %broadcast_in_dim3A_2426 = vector.shape_cast %reduce_min3A_2425 : vector<16xi32> to vector<16x1xi32>
    %ge3A_2427 = arith.cmpf oge, %broadcast_in_dim3A_2418, %add3A_2415 : vector<16x1xf32>
    %jit3A_2428 = arith.constant 50 : i32
    %broadcast_in_dim3A_2429 = vector.broadcast %jit3A_2428 : i32 to vector<16x1xi32>
    %select_n3A_2430 = arith.select %ge3A_2427, %broadcast_in_dim3A_2426, %broadcast_in_dim3A_2429 : vector<16x1xi1>, vector<16x1xi32>
    %eq3A_2431 = vector.broadcast %select_n3A_2430 : vector<16x1xi32> to vector<16x50xi32>
    %eq3A_2432 = arith.cmpi eq, %iota3A_109, %eq3A_2431 : vector<16x50xi32>
    %or3A_2433 = arith.ori %or3A_2380, %eq3A_2432 : vector<16x50xi1>
    %eq3A_2434 = arith.constant 43 : i32
    %eq3A_2435 = vector.broadcast %eq3A_2434 : i32 to vector<16x50xi32>
    %eq3A_2436 = arith.cmpi eq, %iota3A_109, %eq3A_2435 : vector<16x50xi32>
    %broadcast_in_dim3A_2437 = vector.shape_cast %select_n3A_2430 : vector<16x1xi32> to vector<16x1xi32>
    %broadcast_in_dim3A_2438 = vector.broadcast %broadcast_in_dim3A_2437 : vector<16x1xi32> to vector<16x50xi32>
    %select_n3A_2439 = arith.select %eq3A_2436, %broadcast_in_dim3A_2438, %select_n3A_2386 : vector<16x50xi1>, vector<16x50xi32>
    %get3A_2440 = arith.constant 0 : index
    %get3A_2441 = arith.constant 44 : index
    %get3A_2442 = vector.load %arg5[%get3A_2440, %get3A_2441] : memref<16x50xi32, #tpu.memory_space<vmem>>, vector<16x1xi32>
    %broadcast_in_dim3A_2443 = vector.shape_cast %get3A_2442 : vector<16x1xi32> to vector<16x1x1xi32>
    %eq3A_2444 = vector.broadcast %iota3A : vector<1x50x1xi32> to vector<16x50x1xi32>
    %eq3A_2445 = vector.broadcast %broadcast_in_dim3A_2443 : vector<16x1x1xi32> to vector<16x50x1xi32>
    %eq3A_2446 = arith.cmpi eq, %eq3A_2444, %eq3A_2445 : vector<16x50x1xi32>
    %jit3A_2447 = arith.constant 0.000000e+00 : f32
    %broadcast_in_dim3A_2448 = vector.shape_cast %eq3A_2446 : vector<16x50x1xi1> to vector<16x50x1xi1>
    %broadcast_in_dim3A_2449 = vector.broadcast %broadcast_in_dim3A_2448 : vector<16x50x1xi1> to vector<16x50x50xi1>
    %broadcast_in_dim3A_2450 = vector.broadcast %jit3A_2447 : f32 to vector<16x50x50xf32>
    %select_n3A_2451 = arith.select %broadcast_in_dim3A_2449, %log3A, %broadcast_in_dim3A_2450 : vector<16x50x50xi1>, vector<16x50x50xf32>
    %reduce_sum3A_2452 = arith.constant dense<0.000000e+00> : vector<16x50xf32>
    %reduce_sum3A_2453 = vector.multi_reduction <add>, %select_n3A_2451, %reduce_sum3A_2452 [1] : vector<16x50x50xf32> to vector<16x50xf32>
    %broadcast_in_dim3A_2454 = vector.broadcast %get3A_108 : f32 to vector<16x50xf32>
    %select_n3A_2455 = arith.select %or3A_2433, %broadcast_in_dim3A_2454, %reduce_sum3A_2453 : vector<16x50xi1>, vector<16x50xf32>
    %get3A_2456 = arith.constant 0 : index
    %get3A_2457 = arith.constant 44 : index
    %get3A_2458 = arith.constant 0 : index
    %get3A_2459 = vector.load %arg6[%get3A_2456, %get3A_2457, %get3A_2458] : memref<16x50x51xf32, #tpu.memory_space<vmem>>, vector<16x1x50xf32>
    %get3A_2460 = vector.shape_cast %get3A_2459 : vector<16x1x50xf32> to vector<16x50xf32>
    %add3A_2461 = arith.addf %select_n3A_2455, %get3A_2460 : vector<16x50xf32>
    %get3A_2462 = arith.constant 0 : index
    %get3A_2463 = arith.constant 44 : index
    %get3A_2464 = arith.constant 50 : index
    %get3A_2465 = vector.load %arg6[%get3A_2462, %get3A_2463, %get3A_2464] : memref<16x50x51xf32, #tpu.memory_space<vmem>>, vector<16x1x1xf32>
    %get3A_2466 = vector.shape_cast %get3A_2465 : vector<16x1x1xf32> to vector<16x1xf32>
    %add3A_2467 = vector.broadcast %get3A_105 : f32 to vector<16x1xf32>
    %add3A_2468 = arith.addf %add3A_2467, %get3A_2466 : vector<16x1xf32>
    %reduce_max3A_2469 = arith.constant dense<0xFF800000> : vector<16xf32>
    %reduce_max3A_2470 = vector.multi_reduction <maximumf>, %add3A_2461, %reduce_max3A_2469 [1] : vector<16x50xf32> to vector<16xf32>
    %broadcast_in_dim3A_2471 = vector.shape_cast %reduce_max3A_2470 : vector<16xf32> to vector<16x1xf32>
    %eq3A_2472 = vector.broadcast %broadcast_in_dim3A_2471 : vector<16x1xf32> to vector<16x50xf32>
    %eq3A_2473 = arith.cmpf oeq, %add3A_2461, %eq3A_2472 : vector<16x50xf32>
    %jit3A_2474 = arith.constant 51 : i32
    %broadcast_in_dim3A_2475 = vector.broadcast %jit3A_2474 : i32 to vector<16x50xi32>
    %select_n3A_2476 = arith.select %eq3A_2473, %iota3A_109, %broadcast_in_dim3A_2475 : vector<16x50xi1>, vector<16x50xi32>
    %reduce_min3A_2477 = arith.constant dense<2147483647> : vector<16xi32>
    %reduce_min3A_2478 = vector.multi_reduction <minsi>, %select_n3A_2476, %reduce_min3A_2477 [1] : vector<16x50xi32> to vector<16xi32>
    %broadcast_in_dim3A_2479 = vector.shape_cast %reduce_min3A_2478 : vector<16xi32> to vector<16x1xi32>
    %ge3A_2480 = arith.cmpf oge, %broadcast_in_dim3A_2471, %add3A_2468 : vector<16x1xf32>
    %jit3A_2481 = arith.constant 50 : i32
    %broadcast_in_dim3A_2482 = vector.broadcast %jit3A_2481 : i32 to vector<16x1xi32>
    %select_n3A_2483 = arith.select %ge3A_2480, %broadcast_in_dim3A_2479, %broadcast_in_dim3A_2482 : vector<16x1xi1>, vector<16x1xi32>
    %eq3A_2484 = vector.broadcast %select_n3A_2483 : vector<16x1xi32> to vector<16x50xi32>
    %eq3A_2485 = arith.cmpi eq, %iota3A_109, %eq3A_2484 : vector<16x50xi32>
    %or3A_2486 = arith.ori %or3A_2433, %eq3A_2485 : vector<16x50xi1>
    %eq3A_2487 = arith.constant 44 : i32
    %eq3A_2488 = vector.broadcast %eq3A_2487 : i32 to vector<16x50xi32>
    %eq3A_2489 = arith.cmpi eq, %iota3A_109, %eq3A_2488 : vector<16x50xi32>
    %broadcast_in_dim3A_2490 = vector.shape_cast %select_n3A_2483 : vector<16x1xi32> to vector<16x1xi32>
    %broadcast_in_dim3A_2491 = vector.broadcast %broadcast_in_dim3A_2490 : vector<16x1xi32> to vector<16x50xi32>
    %select_n3A_2492 = arith.select %eq3A_2489, %broadcast_in_dim3A_2491, %select_n3A_2439 : vector<16x50xi1>, vector<16x50xi32>
    %get3A_2493 = arith.constant 0 : index
    %get3A_2494 = arith.constant 45 : index
    %get3A_2495 = vector.load %arg5[%get3A_2493, %get3A_2494] : memref<16x50xi32, #tpu.memory_space<vmem>>, vector<16x1xi32>
    %broadcast_in_dim3A_2496 = vector.shape_cast %get3A_2495 : vector<16x1xi32> to vector<16x1x1xi32>
    %eq3A_2497 = vector.broadcast %iota3A : vector<1x50x1xi32> to vector<16x50x1xi32>
    %eq3A_2498 = vector.broadcast %broadcast_in_dim3A_2496 : vector<16x1x1xi32> to vector<16x50x1xi32>
    %eq3A_2499 = arith.cmpi eq, %eq3A_2497, %eq3A_2498 : vector<16x50x1xi32>
    %jit3A_2500 = arith.constant 0.000000e+00 : f32
    %broadcast_in_dim3A_2501 = vector.shape_cast %eq3A_2499 : vector<16x50x1xi1> to vector<16x50x1xi1>
    %broadcast_in_dim3A_2502 = vector.broadcast %broadcast_in_dim3A_2501 : vector<16x50x1xi1> to vector<16x50x50xi1>
    %broadcast_in_dim3A_2503 = vector.broadcast %jit3A_2500 : f32 to vector<16x50x50xf32>
    %select_n3A_2504 = arith.select %broadcast_in_dim3A_2502, %log3A, %broadcast_in_dim3A_2503 : vector<16x50x50xi1>, vector<16x50x50xf32>
    %reduce_sum3A_2505 = arith.constant dense<0.000000e+00> : vector<16x50xf32>
    %reduce_sum3A_2506 = vector.multi_reduction <add>, %select_n3A_2504, %reduce_sum3A_2505 [1] : vector<16x50x50xf32> to vector<16x50xf32>
    %broadcast_in_dim3A_2507 = vector.broadcast %get3A_108 : f32 to vector<16x50xf32>
    %select_n3A_2508 = arith.select %or3A_2486, %broadcast_in_dim3A_2507, %reduce_sum3A_2506 : vector<16x50xi1>, vector<16x50xf32>
    %get3A_2509 = arith.constant 0 : index
    %get3A_2510 = arith.constant 45 : index
    %get3A_2511 = arith.constant 0 : index
    %get3A_2512 = vector.load %arg6[%get3A_2509, %get3A_2510, %get3A_2511] : memref<16x50x51xf32, #tpu.memory_space<vmem>>, vector<16x1x50xf32>
    %get3A_2513 = vector.shape_cast %get3A_2512 : vector<16x1x50xf32> to vector<16x50xf32>
    %add3A_2514 = arith.addf %select_n3A_2508, %get3A_2513 : vector<16x50xf32>
    %get3A_2515 = arith.constant 0 : index
    %get3A_2516 = arith.constant 45 : index
    %get3A_2517 = arith.constant 50 : index
    %get3A_2518 = vector.load %arg6[%get3A_2515, %get3A_2516, %get3A_2517] : memref<16x50x51xf32, #tpu.memory_space<vmem>>, vector<16x1x1xf32>
    %get3A_2519 = vector.shape_cast %get3A_2518 : vector<16x1x1xf32> to vector<16x1xf32>
    %add3A_2520 = vector.broadcast %get3A_105 : f32 to vector<16x1xf32>
    %add3A_2521 = arith.addf %add3A_2520, %get3A_2519 : vector<16x1xf32>
    %reduce_max3A_2522 = arith.constant dense<0xFF800000> : vector<16xf32>
    %reduce_max3A_2523 = vector.multi_reduction <maximumf>, %add3A_2514, %reduce_max3A_2522 [1] : vector<16x50xf32> to vector<16xf32>
    %broadcast_in_dim3A_2524 = vector.shape_cast %reduce_max3A_2523 : vector<16xf32> to vector<16x1xf32>
    %eq3A_2525 = vector.broadcast %broadcast_in_dim3A_2524 : vector<16x1xf32> to vector<16x50xf32>
    %eq3A_2526 = arith.cmpf oeq, %add3A_2514, %eq3A_2525 : vector<16x50xf32>
    %jit3A_2527 = arith.constant 51 : i32
    %broadcast_in_dim3A_2528 = vector.broadcast %jit3A_2527 : i32 to vector<16x50xi32>
    %select_n3A_2529 = arith.select %eq3A_2526, %iota3A_109, %broadcast_in_dim3A_2528 : vector<16x50xi1>, vector<16x50xi32>
    %reduce_min3A_2530 = arith.constant dense<2147483647> : vector<16xi32>
    %reduce_min3A_2531 = vector.multi_reduction <minsi>, %select_n3A_2529, %reduce_min3A_2530 [1] : vector<16x50xi32> to vector<16xi32>
    %broadcast_in_dim3A_2532 = vector.shape_cast %reduce_min3A_2531 : vector<16xi32> to vector<16x1xi32>
    %ge3A_2533 = arith.cmpf oge, %broadcast_in_dim3A_2524, %add3A_2521 : vector<16x1xf32>
    %jit3A_2534 = arith.constant 50 : i32
    %broadcast_in_dim3A_2535 = vector.broadcast %jit3A_2534 : i32 to vector<16x1xi32>
    %select_n3A_2536 = arith.select %ge3A_2533, %broadcast_in_dim3A_2532, %broadcast_in_dim3A_2535 : vector<16x1xi1>, vector<16x1xi32>
    %eq3A_2537 = vector.broadcast %select_n3A_2536 : vector<16x1xi32> to vector<16x50xi32>
    %eq3A_2538 = arith.cmpi eq, %iota3A_109, %eq3A_2537 : vector<16x50xi32>
    %or3A_2539 = arith.ori %or3A_2486, %eq3A_2538 : vector<16x50xi1>
    %eq3A_2540 = arith.constant 45 : i32
    %eq3A_2541 = vector.broadcast %eq3A_2540 : i32 to vector<16x50xi32>
    %eq3A_2542 = arith.cmpi eq, %iota3A_109, %eq3A_2541 : vector<16x50xi32>
    %broadcast_in_dim3A_2543 = vector.shape_cast %select_n3A_2536 : vector<16x1xi32> to vector<16x1xi32>
    %broadcast_in_dim3A_2544 = vector.broadcast %broadcast_in_dim3A_2543 : vector<16x1xi32> to vector<16x50xi32>
    %select_n3A_2545 = arith.select %eq3A_2542, %broadcast_in_dim3A_2544, %select_n3A_2492 : vector<16x50xi1>, vector<16x50xi32>
    %get3A_2546 = arith.constant 0 : index
    %get3A_2547 = arith.constant 46 : index
    %get3A_2548 = vector.load %arg5[%get3A_2546, %get3A_2547] : memref<16x50xi32, #tpu.memory_space<vmem>>, vector<16x1xi32>
    %broadcast_in_dim3A_2549 = vector.shape_cast %get3A_2548 : vector<16x1xi32> to vector<16x1x1xi32>
    %eq3A_2550 = vector.broadcast %iota3A : vector<1x50x1xi32> to vector<16x50x1xi32>
    %eq3A_2551 = vector.broadcast %broadcast_in_dim3A_2549 : vector<16x1x1xi32> to vector<16x50x1xi32>
    %eq3A_2552 = arith.cmpi eq, %eq3A_2550, %eq3A_2551 : vector<16x50x1xi32>
    %jit3A_2553 = arith.constant 0.000000e+00 : f32
    %broadcast_in_dim3A_2554 = vector.shape_cast %eq3A_2552 : vector<16x50x1xi1> to vector<16x50x1xi1>
    %broadcast_in_dim3A_2555 = vector.broadcast %broadcast_in_dim3A_2554 : vector<16x50x1xi1> to vector<16x50x50xi1>
    %broadcast_in_dim3A_2556 = vector.broadcast %jit3A_2553 : f32 to vector<16x50x50xf32>
    %select_n3A_2557 = arith.select %broadcast_in_dim3A_2555, %log3A, %broadcast_in_dim3A_2556 : vector<16x50x50xi1>, vector<16x50x50xf32>
    %reduce_sum3A_2558 = arith.constant dense<0.000000e+00> : vector<16x50xf32>
    %reduce_sum3A_2559 = vector.multi_reduction <add>, %select_n3A_2557, %reduce_sum3A_2558 [1] : vector<16x50x50xf32> to vector<16x50xf32>
    %broadcast_in_dim3A_2560 = vector.broadcast %get3A_108 : f32 to vector<16x50xf32>
    %select_n3A_2561 = arith.select %or3A_2539, %broadcast_in_dim3A_2560, %reduce_sum3A_2559 : vector<16x50xi1>, vector<16x50xf32>
    %get3A_2562 = arith.constant 0 : index
    %get3A_2563 = arith.constant 46 : index
    %get3A_2564 = arith.constant 0 : index
    %get3A_2565 = vector.load %arg6[%get3A_2562, %get3A_2563, %get3A_2564] : memref<16x50x51xf32, #tpu.memory_space<vmem>>, vector<16x1x50xf32>
    %get3A_2566 = vector.shape_cast %get3A_2565 : vector<16x1x50xf32> to vector<16x50xf32>
    %add3A_2567 = arith.addf %select_n3A_2561, %get3A_2566 : vector<16x50xf32>
    %get3A_2568 = arith.constant 0 : index
    %get3A_2569 = arith.constant 46 : index
    %get3A_2570 = arith.constant 50 : index
    %get3A_2571 = vector.load %arg6[%get3A_2568, %get3A_2569, %get3A_2570] : memref<16x50x51xf32, #tpu.memory_space<vmem>>, vector<16x1x1xf32>
    %get3A_2572 = vector.shape_cast %get3A_2571 : vector<16x1x1xf32> to vector<16x1xf32>
    %add3A_2573 = vector.broadcast %get3A_105 : f32 to vector<16x1xf32>
    %add3A_2574 = arith.addf %add3A_2573, %get3A_2572 : vector<16x1xf32>
    %reduce_max3A_2575 = arith.constant dense<0xFF800000> : vector<16xf32>
    %reduce_max3A_2576 = vector.multi_reduction <maximumf>, %add3A_2567, %reduce_max3A_2575 [1] : vector<16x50xf32> to vector<16xf32>
    %broadcast_in_dim3A_2577 = vector.shape_cast %reduce_max3A_2576 : vector<16xf32> to vector<16x1xf32>
    %eq3A_2578 = vector.broadcast %broadcast_in_dim3A_2577 : vector<16x1xf32> to vector<16x50xf32>
    %eq3A_2579 = arith.cmpf oeq, %add3A_2567, %eq3A_2578 : vector<16x50xf32>
    %jit3A_2580 = arith.constant 51 : i32
    %broadcast_in_dim3A_2581 = vector.broadcast %jit3A_2580 : i32 to vector<16x50xi32>
    %select_n3A_2582 = arith.select %eq3A_2579, %iota3A_109, %broadcast_in_dim3A_2581 : vector<16x50xi1>, vector<16x50xi32>
    %reduce_min3A_2583 = arith.constant dense<2147483647> : vector<16xi32>
    %reduce_min3A_2584 = vector.multi_reduction <minsi>, %select_n3A_2582, %reduce_min3A_2583 [1] : vector<16x50xi32> to vector<16xi32>
    %broadcast_in_dim3A_2585 = vector.shape_cast %reduce_min3A_2584 : vector<16xi32> to vector<16x1xi32>
    %ge3A_2586 = arith.cmpf oge, %broadcast_in_dim3A_2577, %add3A_2574 : vector<16x1xf32>
    %jit3A_2587 = arith.constant 50 : i32
    %broadcast_in_dim3A_2588 = vector.broadcast %jit3A_2587 : i32 to vector<16x1xi32>
    %select_n3A_2589 = arith.select %ge3A_2586, %broadcast_in_dim3A_2585, %broadcast_in_dim3A_2588 : vector<16x1xi1>, vector<16x1xi32>
    %eq3A_2590 = vector.broadcast %select_n3A_2589 : vector<16x1xi32> to vector<16x50xi32>
    %eq3A_2591 = arith.cmpi eq, %iota3A_109, %eq3A_2590 : vector<16x50xi32>
    %or3A_2592 = arith.ori %or3A_2539, %eq3A_2591 : vector<16x50xi1>
    %eq3A_2593 = arith.constant 46 : i32
    %eq3A_2594 = vector.broadcast %eq3A_2593 : i32 to vector<16x50xi32>
    %eq3A_2595 = arith.cmpi eq, %iota3A_109, %eq3A_2594 : vector<16x50xi32>
    %broadcast_in_dim3A_2596 = vector.shape_cast %select_n3A_2589 : vector<16x1xi32> to vector<16x1xi32>
    %broadcast_in_dim3A_2597 = vector.broadcast %broadcast_in_dim3A_2596 : vector<16x1xi32> to vector<16x50xi32>
    %select_n3A_2598 = arith.select %eq3A_2595, %broadcast_in_dim3A_2597, %select_n3A_2545 : vector<16x50xi1>, vector<16x50xi32>
    %get3A_2599 = arith.constant 0 : index
    %get3A_2600 = arith.constant 47 : index
    %get3A_2601 = vector.load %arg5[%get3A_2599, %get3A_2600] : memref<16x50xi32, #tpu.memory_space<vmem>>, vector<16x1xi32>
    %broadcast_in_dim3A_2602 = vector.shape_cast %get3A_2601 : vector<16x1xi32> to vector<16x1x1xi32>
    %eq3A_2603 = vector.broadcast %iota3A : vector<1x50x1xi32> to vector<16x50x1xi32>
    %eq3A_2604 = vector.broadcast %broadcast_in_dim3A_2602 : vector<16x1x1xi32> to vector<16x50x1xi32>
    %eq3A_2605 = arith.cmpi eq, %eq3A_2603, %eq3A_2604 : vector<16x50x1xi32>
    %jit3A_2606 = arith.constant 0.000000e+00 : f32
    %broadcast_in_dim3A_2607 = vector.shape_cast %eq3A_2605 : vector<16x50x1xi1> to vector<16x50x1xi1>
    %broadcast_in_dim3A_2608 = vector.broadcast %broadcast_in_dim3A_2607 : vector<16x50x1xi1> to vector<16x50x50xi1>
    %broadcast_in_dim3A_2609 = vector.broadcast %jit3A_2606 : f32 to vector<16x50x50xf32>
    %select_n3A_2610 = arith.select %broadcast_in_dim3A_2608, %log3A, %broadcast_in_dim3A_2609 : vector<16x50x50xi1>, vector<16x50x50xf32>
    %reduce_sum3A_2611 = arith.constant dense<0.000000e+00> : vector<16x50xf32>
    %reduce_sum3A_2612 = vector.multi_reduction <add>, %select_n3A_2610, %reduce_sum3A_2611 [1] : vector<16x50x50xf32> to vector<16x50xf32>
    %broadcast_in_dim3A_2613 = vector.broadcast %get3A_108 : f32 to vector<16x50xf32>
    %select_n3A_2614 = arith.select %or3A_2592, %broadcast_in_dim3A_2613, %reduce_sum3A_2612 : vector<16x50xi1>, vector<16x50xf32>
    %get3A_2615 = arith.constant 0 : index
    %get3A_2616 = arith.constant 47 : index
    %get3A_2617 = arith.constant 0 : index
    %get3A_2618 = vector.load %arg6[%get3A_2615, %get3A_2616, %get3A_2617] : memref<16x50x51xf32, #tpu.memory_space<vmem>>, vector<16x1x50xf32>
    %get3A_2619 = vector.shape_cast %get3A_2618 : vector<16x1x50xf32> to vector<16x50xf32>
    %add3A_2620 = arith.addf %select_n3A_2614, %get3A_2619 : vector<16x50xf32>
    %get3A_2621 = arith.constant 0 : index
    %get3A_2622 = arith.constant 47 : index
    %get3A_2623 = arith.constant 50 : index
    %get3A_2624 = vector.load %arg6[%get3A_2621, %get3A_2622, %get3A_2623] : memref<16x50x51xf32, #tpu.memory_space<vmem>>, vector<16x1x1xf32>
    %get3A_2625 = vector.shape_cast %get3A_2624 : vector<16x1x1xf32> to vector<16x1xf32>
    %add3A_2626 = vector.broadcast %get3A_105 : f32 to vector<16x1xf32>
    %add3A_2627 = arith.addf %add3A_2626, %get3A_2625 : vector<16x1xf32>
    %reduce_max3A_2628 = arith.constant dense<0xFF800000> : vector<16xf32>
    %reduce_max3A_2629 = vector.multi_reduction <maximumf>, %add3A_2620, %reduce_max3A_2628 [1] : vector<16x50xf32> to vector<16xf32>
    %broadcast_in_dim3A_2630 = vector.shape_cast %reduce_max3A_2629 : vector<16xf32> to vector<16x1xf32>
    %eq3A_2631 = vector.broadcast %broadcast_in_dim3A_2630 : vector<16x1xf32> to vector<16x50xf32>
    %eq3A_2632 = arith.cmpf oeq, %add3A_2620, %eq3A_2631 : vector<16x50xf32>
    %jit3A_2633 = arith.constant 51 : i32
    %broadcast_in_dim3A_2634 = vector.broadcast %jit3A_2633 : i32 to vector<16x50xi32>
    %select_n3A_2635 = arith.select %eq3A_2632, %iota3A_109, %broadcast_in_dim3A_2634 : vector<16x50xi1>, vector<16x50xi32>
    %reduce_min3A_2636 = arith.constant dense<2147483647> : vector<16xi32>
    %reduce_min3A_2637 = vector.multi_reduction <minsi>, %select_n3A_2635, %reduce_min3A_2636 [1] : vector<16x50xi32> to vector<16xi32>
    %broadcast_in_dim3A_2638 = vector.shape_cast %reduce_min3A_2637 : vector<16xi32> to vector<16x1xi32>
    %ge3A_2639 = arith.cmpf oge, %broadcast_in_dim3A_2630, %add3A_2627 : vector<16x1xf32>
    %jit3A_2640 = arith.constant 50 : i32
    %broadcast_in_dim3A_2641 = vector.broadcast %jit3A_2640 : i32 to vector<16x1xi32>
    %select_n3A_2642 = arith.select %ge3A_2639, %broadcast_in_dim3A_2638, %broadcast_in_dim3A_2641 : vector<16x1xi1>, vector<16x1xi32>
    %eq3A_2643 = vector.broadcast %select_n3A_2642 : vector<16x1xi32> to vector<16x50xi32>
    %eq3A_2644 = arith.cmpi eq, %iota3A_109, %eq3A_2643 : vector<16x50xi32>
    %or3A_2645 = arith.ori %or3A_2592, %eq3A_2644 : vector<16x50xi1>
    %eq3A_2646 = arith.constant 47 : i32
    %eq3A_2647 = vector.broadcast %eq3A_2646 : i32 to vector<16x50xi32>
    %eq3A_2648 = arith.cmpi eq, %iota3A_109, %eq3A_2647 : vector<16x50xi32>
    %broadcast_in_dim3A_2649 = vector.shape_cast %select_n3A_2642 : vector<16x1xi32> to vector<16x1xi32>
    %broadcast_in_dim3A_2650 = vector.broadcast %broadcast_in_dim3A_2649 : vector<16x1xi32> to vector<16x50xi32>
    %select_n3A_2651 = arith.select %eq3A_2648, %broadcast_in_dim3A_2650, %select_n3A_2598 : vector<16x50xi1>, vector<16x50xi32>
    %get3A_2652 = arith.constant 0 : index
    %get3A_2653 = arith.constant 48 : index
    %get3A_2654 = vector.load %arg5[%get3A_2652, %get3A_2653] : memref<16x50xi32, #tpu.memory_space<vmem>>, vector<16x1xi32>
    %broadcast_in_dim3A_2655 = vector.shape_cast %get3A_2654 : vector<16x1xi32> to vector<16x1x1xi32>
    %eq3A_2656 = vector.broadcast %iota3A : vector<1x50x1xi32> to vector<16x50x1xi32>
    %eq3A_2657 = vector.broadcast %broadcast_in_dim3A_2655 : vector<16x1x1xi32> to vector<16x50x1xi32>
    %eq3A_2658 = arith.cmpi eq, %eq3A_2656, %eq3A_2657 : vector<16x50x1xi32>
    %jit3A_2659 = arith.constant 0.000000e+00 : f32
    %broadcast_in_dim3A_2660 = vector.shape_cast %eq3A_2658 : vector<16x50x1xi1> to vector<16x50x1xi1>
    %broadcast_in_dim3A_2661 = vector.broadcast %broadcast_in_dim3A_2660 : vector<16x50x1xi1> to vector<16x50x50xi1>
    %broadcast_in_dim3A_2662 = vector.broadcast %jit3A_2659 : f32 to vector<16x50x50xf32>
    %select_n3A_2663 = arith.select %broadcast_in_dim3A_2661, %log3A, %broadcast_in_dim3A_2662 : vector<16x50x50xi1>, vector<16x50x50xf32>
    %reduce_sum3A_2664 = arith.constant dense<0.000000e+00> : vector<16x50xf32>
    %reduce_sum3A_2665 = vector.multi_reduction <add>, %select_n3A_2663, %reduce_sum3A_2664 [1] : vector<16x50x50xf32> to vector<16x50xf32>
    %broadcast_in_dim3A_2666 = vector.broadcast %get3A_108 : f32 to vector<16x50xf32>
    %select_n3A_2667 = arith.select %or3A_2645, %broadcast_in_dim3A_2666, %reduce_sum3A_2665 : vector<16x50xi1>, vector<16x50xf32>
    %get3A_2668 = arith.constant 0 : index
    %get3A_2669 = arith.constant 48 : index
    %get3A_2670 = arith.constant 0 : index
    %get3A_2671 = vector.load %arg6[%get3A_2668, %get3A_2669, %get3A_2670] : memref<16x50x51xf32, #tpu.memory_space<vmem>>, vector<16x1x50xf32>
    %get3A_2672 = vector.shape_cast %get3A_2671 : vector<16x1x50xf32> to vector<16x50xf32>
    %add3A_2673 = arith.addf %select_n3A_2667, %get3A_2672 : vector<16x50xf32>
    %get3A_2674 = arith.constant 0 : index
    %get3A_2675 = arith.constant 48 : index
    %get3A_2676 = arith.constant 50 : index
    %get3A_2677 = vector.load %arg6[%get3A_2674, %get3A_2675, %get3A_2676] : memref<16x50x51xf32, #tpu.memory_space<vmem>>, vector<16x1x1xf32>
    %get3A_2678 = vector.shape_cast %get3A_2677 : vector<16x1x1xf32> to vector<16x1xf32>
    %add3A_2679 = vector.broadcast %get3A_105 : f32 to vector<16x1xf32>
    %add3A_2680 = arith.addf %add3A_2679, %get3A_2678 : vector<16x1xf32>
    %reduce_max3A_2681 = arith.constant dense<0xFF800000> : vector<16xf32>
    %reduce_max3A_2682 = vector.multi_reduction <maximumf>, %add3A_2673, %reduce_max3A_2681 [1] : vector<16x50xf32> to vector<16xf32>
    %broadcast_in_dim3A_2683 = vector.shape_cast %reduce_max3A_2682 : vector<16xf32> to vector<16x1xf32>
    %eq3A_2684 = vector.broadcast %broadcast_in_dim3A_2683 : vector<16x1xf32> to vector<16x50xf32>
    %eq3A_2685 = arith.cmpf oeq, %add3A_2673, %eq3A_2684 : vector<16x50xf32>
    %jit3A_2686 = arith.constant 51 : i32
    %broadcast_in_dim3A_2687 = vector.broadcast %jit3A_2686 : i32 to vector<16x50xi32>
    %select_n3A_2688 = arith.select %eq3A_2685, %iota3A_109, %broadcast_in_dim3A_2687 : vector<16x50xi1>, vector<16x50xi32>
    %reduce_min3A_2689 = arith.constant dense<2147483647> : vector<16xi32>
    %reduce_min3A_2690 = vector.multi_reduction <minsi>, %select_n3A_2688, %reduce_min3A_2689 [1] : vector<16x50xi32> to vector<16xi32>
    %broadcast_in_dim3A_2691 = vector.shape_cast %reduce_min3A_2690 : vector<16xi32> to vector<16x1xi32>
    %ge3A_2692 = arith.cmpf oge, %broadcast_in_dim3A_2683, %add3A_2680 : vector<16x1xf32>
    %jit3A_2693 = arith.constant 50 : i32
    %broadcast_in_dim3A_2694 = vector.broadcast %jit3A_2693 : i32 to vector<16x1xi32>
    %select_n3A_2695 = arith.select %ge3A_2692, %broadcast_in_dim3A_2691, %broadcast_in_dim3A_2694 : vector<16x1xi1>, vector<16x1xi32>
    %eq3A_2696 = vector.broadcast %select_n3A_2695 : vector<16x1xi32> to vector<16x50xi32>
    %eq3A_2697 = arith.cmpi eq, %iota3A_109, %eq3A_2696 : vector<16x50xi32>
    %or3A_2698 = arith.ori %or3A_2645, %eq3A_2697 : vector<16x50xi1>
    %eq3A_2699 = arith.constant 48 : i32
    %eq3A_2700 = vector.broadcast %eq3A_2699 : i32 to vector<16x50xi32>
    %eq3A_2701 = arith.cmpi eq, %iota3A_109, %eq3A_2700 : vector<16x50xi32>
    %broadcast_in_dim3A_2702 = vector.shape_cast %select_n3A_2695 : vector<16x1xi32> to vector<16x1xi32>
    %broadcast_in_dim3A_2703 = vector.broadcast %broadcast_in_dim3A_2702 : vector<16x1xi32> to vector<16x50xi32>
    %select_n3A_2704 = arith.select %eq3A_2701, %broadcast_in_dim3A_2703, %select_n3A_2651 : vector<16x50xi1>, vector<16x50xi32>
    %get3A_2705 = arith.constant 0 : index
    %get3A_2706 = arith.constant 49 : index
    %get3A_2707 = vector.load %arg5[%get3A_2705, %get3A_2706] : memref<16x50xi32, #tpu.memory_space<vmem>>, vector<16x1xi32>
    %broadcast_in_dim3A_2708 = vector.shape_cast %get3A_2707 : vector<16x1xi32> to vector<16x1x1xi32>
    %eq3A_2709 = vector.broadcast %iota3A : vector<1x50x1xi32> to vector<16x50x1xi32>
    %eq3A_2710 = vector.broadcast %broadcast_in_dim3A_2708 : vector<16x1x1xi32> to vector<16x50x1xi32>
    %eq3A_2711 = arith.cmpi eq, %eq3A_2709, %eq3A_2710 : vector<16x50x1xi32>
    %jit3A_2712 = arith.constant 0.000000e+00 : f32
    %broadcast_in_dim3A_2713 = vector.shape_cast %eq3A_2711 : vector<16x50x1xi1> to vector<16x50x1xi1>
    %broadcast_in_dim3A_2714 = vector.broadcast %broadcast_in_dim3A_2713 : vector<16x50x1xi1> to vector<16x50x50xi1>
    %broadcast_in_dim3A_2715 = vector.broadcast %jit3A_2712 : f32 to vector<16x50x50xf32>
    %select_n3A_2716 = arith.select %broadcast_in_dim3A_2714, %log3A, %broadcast_in_dim3A_2715 : vector<16x50x50xi1>, vector<16x50x50xf32>
    %reduce_sum3A_2717 = arith.constant dense<0.000000e+00> : vector<16x50xf32>
    %reduce_sum3A_2718 = vector.multi_reduction <add>, %select_n3A_2716, %reduce_sum3A_2717 [1] : vector<16x50x50xf32> to vector<16x50xf32>
    %broadcast_in_dim3A_2719 = vector.broadcast %get3A_108 : f32 to vector<16x50xf32>
    %select_n3A_2720 = arith.select %or3A_2698, %broadcast_in_dim3A_2719, %reduce_sum3A_2718 : vector<16x50xi1>, vector<16x50xf32>
    %get3A_2721 = arith.constant 0 : index
    %get3A_2722 = arith.constant 49 : index
    %get3A_2723 = arith.constant 0 : index
    %get3A_2724 = vector.load %arg6[%get3A_2721, %get3A_2722, %get3A_2723] : memref<16x50x51xf32, #tpu.memory_space<vmem>>, vector<16x1x50xf32>
    %get3A_2725 = vector.shape_cast %get3A_2724 : vector<16x1x50xf32> to vector<16x50xf32>
    %add3A_2726 = arith.addf %select_n3A_2720, %get3A_2725 : vector<16x50xf32>
    %get3A_2727 = arith.constant 0 : index
    %get3A_2728 = arith.constant 49 : index
    %get3A_2729 = arith.constant 50 : index
    %get3A_2730 = vector.load %arg6[%get3A_2727, %get3A_2728, %get3A_2729] : memref<16x50x51xf32, #tpu.memory_space<vmem>>, vector<16x1x1xf32>
    %get3A_2731 = vector.shape_cast %get3A_2730 : vector<16x1x1xf32> to vector<16x1xf32>
    %add3A_2732 = vector.broadcast %get3A_105 : f32 to vector<16x1xf32>
    %add3A_2733 = arith.addf %add3A_2732, %get3A_2731 : vector<16x1xf32>
    %reduce_max3A_2734 = arith.constant dense<0xFF800000> : vector<16xf32>
    %reduce_max3A_2735 = vector.multi_reduction <maximumf>, %add3A_2726, %reduce_max3A_2734 [1] : vector<16x50xf32> to vector<16xf32>
    %broadcast_in_dim3A_2736 = vector.shape_cast %reduce_max3A_2735 : vector<16xf32> to vector<16x1xf32>
    %eq3A_2737 = vector.broadcast %broadcast_in_dim3A_2736 : vector<16x1xf32> to vector<16x50xf32>
    %eq3A_2738 = arith.cmpf oeq, %add3A_2726, %eq3A_2737 : vector<16x50xf32>
    %jit3A_2739 = arith.constant 51 : i32
    %broadcast_in_dim3A_2740 = vector.broadcast %jit3A_2739 : i32 to vector<16x50xi32>
    %select_n3A_2741 = arith.select %eq3A_2738, %iota3A_109, %broadcast_in_dim3A_2740 : vector<16x50xi1>, vector<16x50xi32>
    %reduce_min3A_2742 = arith.constant dense<2147483647> : vector<16xi32>
    %reduce_min3A_2743 = vector.multi_reduction <minsi>, %select_n3A_2741, %reduce_min3A_2742 [1] : vector<16x50xi32> to vector<16xi32>
    %broadcast_in_dim3A_2744 = vector.shape_cast %reduce_min3A_2743 : vector<16xi32> to vector<16x1xi32>
    %ge3A_2745 = arith.cmpf oge, %broadcast_in_dim3A_2736, %add3A_2733 : vector<16x1xf32>
    %jit3A_2746 = arith.constant 50 : i32
    %broadcast_in_dim3A_2747 = vector.broadcast %jit3A_2746 : i32 to vector<16x1xi32>
    %select_n3A_2748 = arith.select %ge3A_2745, %broadcast_in_dim3A_2744, %broadcast_in_dim3A_2747 : vector<16x1xi1>, vector<16x1xi32>
    %eq3A_2749 = arith.constant 49 : i32
    %eq3A_2750 = vector.broadcast %eq3A_2749 : i32 to vector<16x50xi32>
    %eq3A_2751 = arith.cmpi eq, %iota3A_109, %eq3A_2750 : vector<16x50xi32>
    %broadcast_in_dim3A_2752 = vector.shape_cast %select_n3A_2748 : vector<16x1xi32> to vector<16x1xi32>
    %broadcast_in_dim3A_2753 = vector.broadcast %broadcast_in_dim3A_2752 : vector<16x1xi32> to vector<16x50xi32>
    %select_n3A_2754 = arith.select %eq3A_2751, %broadcast_in_dim3A_2753, %select_n3A_2704 : vector<16x50xi1>, vector<16x50xi32>
    %swap3A = arith.constant 0 : index
    %swap3A_2755 = arith.constant 0 : index
    %swap3A_2756 = vector.load %arg13[%swap3A, %swap3A_2755] : memref<16x50xi32, #tpu.memory_space<vmem>>, vector<16x50xi32>
    tpu.vector_store %arg13[%swap3A, %swap3A_2755], %select_n3A_2754 {strides = array<i32>} : memref<16x50xi32, #tpu.memory_space<vmem>>, vector<16x50xi32>,
    return
  }
  func.func @transform_0(%arg0: i32) -> (i32, i32) {
    %c0_i32 = arith.constant 0 : i32
    %c0_i32_0 = arith.constant 0 : i32
    %c0_i32_1 = arith.constant 0 : i32
    return %c0_i32, %c0_i32_0 : i32, i32
  }
  func.func @transform_1(%arg0: i32) -> (i32, i32) {
    %c0_i32 = arith.constant 0 : i32
    %c0_i32_0 = arith.constant 0 : i32
    %c0_i32_1 = arith.constant 0 : i32
    return %c0_i32, %c0_i32_0 : i32, i32
  }
  func.func @transform_2(%arg0: i32) -> (i32, i32) {
    %c0_i32 = arith.constant 0 : i32
    %c0_i32_0 = arith.constant 0 : i32
    return %arg0, %c0_i32 : i32, i32
  }
  func.func @transform_3(%arg0: i32) -> (i32, i32, i32) {
    %c0_i32 = arith.constant 0 : i32
    %c0_i32_0 = arith.constant 0 : i32
    %c0_i32_1 = arith.constant 0 : i32
    return %c0_i32, %arg0, %c0_i32_0 : i32, i32, i32
  }
  func.func @transform_4(%arg0: i32) -> (i32, i32) {
    %c0_i32 = arith.constant 0 : i32
    %c0_i32_0 = arith.constant 0 : i32
    return %arg0, %c0_i32 : i32, i32
  }
  func.func @transform_5(%arg0: i32) -> (i32, i32, i32) {
    %c0_i32 = arith.constant 0 : i32
    %c0_i32_0 = arith.constant 0 : i32
    %c0_i32_1 = arith.constant 0 : i32
    return %arg0, %c0_i32, %c0_i32_0 : i32, i32, i32
  }
  func.func @transform_6(%arg0: i32) -> (i32, i32) {
    %c0_i32 = arith.constant 0 : i32
    %c0_i32_0 = arith.constant 0 : i32
    %c0_i32_1 = arith.constant 0 : i32
    return %c0_i32, %c0_i32_0 : i32, i32
  }
  func.func @transform_7(%arg0: i32) -> (i32, i32) {
    %c0_i32 = arith.constant 0 : i32
    %c0_i32_0 = arith.constant 0 : i32
    %c0_i32_1 = arith.constant 0 : i32
    return %c0_i32, %c0_i32_0 : i32, i32
  }
  func.func @transform_8(%arg0: i32) -> (i32, i32) {
    %c0_i32 = arith.constant 0 : i32
    %c0_i32_0 = arith.constant 0 : i32
    %c0_i32_1 = arith.constant 0 : i32
    return %c0_i32, %c0_i32_0 : i32, i32
  }
  func.func @transform_9(%arg0: i32) -> (i32, i32) {
    %c0_i32 = arith.constant 0 : i32
    %c0_i32_0 = arith.constant 0 : i32
    %c0_i32_1 = arith.constant 0 : i32
    return %c0_i32, %c0_i32_0 : i32, i32
  }
  func.func @transform_10(%arg0: i32) -> (i32, i32) {
    %c0_i32 = arith.constant 0 : i32
    %c0_i32_0 = arith.constant 0 : i32
    %c0_i32_1 = arith.constant 0 : i32
    return %c0_i32, %c0_i32_0 : i32, i32
  }
  func.func @transform_11(%arg0: i32) -> (i32, i32) {
    %c0_i32 = arith.constant 0 : i32
    %c0_i32_0 = arith.constant 0 : i32
    %c0_i32_1 = arith.constant 0 : i32
    return %c0_i32, %c0_i32_0 : i32, i32
  }
  func.func @transform_12(%arg0: i32) -> (i32, i32) {
    %c0_i32 = arith.constant 0 : i32
    %c0_i32_0 = arith.constant 0 : i32
    return %arg0, %c0_i32 : i32, i32
  }
}

</mosaic_0001>

<sc_bundles>
// kernel: kernel.4.cloned.1.call-start
scs
__scs_entry_jumppad:
0x0: {  	(pc) =	sbr.rel $0x88, $3  }
0x1: {  	(tag) =	ssettag $0x0;
	lr =	simm.s32 $0x1  }
0x2: {  	[smem:$0x3F98] =	sst lr;
	_ =	strace $0xD0000000  }
0x3: {  	_ = 	snop  }
0x4: {  	_ = 	snop  }
0x5: {  	_ = 	snop  }
0x6: {  	_ = 	snop  }
0x7: {  	_ = 	snop  }
__scs_overlays_trampoline_lowered:
0x8: {  	[smem:$0x3FA7] =	sst s0  }
0x9: {  	[smem:$0x3FA8] =	sst s1  }
0xa: {  	[smem:$0x3FA9] =	sst s2  }
0xb: {  	[smem:$0x3FAA] =	sst s3  }
0xc: {  	[smem:$0x3FAB] =	sst s4  }
0xd: {  	[smem:$0x3FAC] =	sst s5  }
0xe: {  	[smem:$0x3FAD] =	sst s6  }
0xf: {  	[smem:$0x3FAE] =	sst s7  }
0x10: {  	[smem:$0x3FAF] =	sst s8  }
0x11: {  	[smem:$0x3FB0] =	sst s9;
	s0 =	simm.s32 @!p0 $0x0  }
0x12: {  	s1 =	sld [smem:$0x3F96];
	s0 =	simm.s32 @p0 $0x1  }
0x13: {  	[smem:$0x3FB1] =	sst s0;
	s0 =	simm.s32 @!p1 $0x0  }
0x14: {  	s2 =	sld [smem:$0x3F95];
	s0 =	simm.s32 @p1 $0x1  }
0x15: {  	[smem:$0x3FB2] =	sst s0;
	s0 =	simm.s32 @!p2 $0x0  }
0x16: {  	s3 =	sld [smem:$0x3FDB];
	s0 =	simm.s32 @p2 $0x1  }
0x17: {  	s4 =	simm.s32 $0x1BF5;
	[smem:$0x3FB4] =	sst s0  }
0x18: {  	s0 =	sld [smem:$0x3F97];
	_ =	swait.ge [sflag:s4], $0x0  }
0x19: {  	s7 =	sld [smem:$0x3F98]  }
0x1a: {  	s8 =	sadd.s32 $0xFFFFE003, lr  }
0x1b: {  	s9 =	sadd.s32 $0xFFFFFEF7, lr;
	s5 =	simm.s32 $0xFFFFFFFF;
	p2 =	slt.u32 s8, $0xFFFFF086  }
0x1c: {  	p1 =	slt.u32 s9, $0xF7A;
	s5 =	simm.s32 @!p2 $0x0  }
0x1d: {  	s5 =	simm.s32 @p1 $0x1;
	p0 =	seq.s32 s7, s2  }
0x1e: {  	s7 =	smul.u32 @!p0 $0xF7A, s2;
	p2 =	seq.s32 @!p0 s5, $0x0  }
0x1f: {  	s9 =	smul.u32 $0xF7A, s1;
	s8 =	simm.s32 @!p0 $0x1BF5;
	p2 =	por !p2, p0  }
0x20: {  	[sflag:s8] =	ssyncset.s32 @!p0 $0xFFFFF086;
	s6 =	sadd.s32 @!p0 s3, s7;
	s7 =	simm.s32 @!p0 $0x108  }
0x21: {  	s3 =	sadd.s32 s3, s9;
	s6 =	sadd.s32 @!p0 $0x88, s6;
	s7 =	simm.s32 @p2 $0x1082  }
0x22: {  	[simem:s7], [sflag:s8] =	dma.local @!p0 [hbm:s6], $0xF7A  }
0x23: {  	s9 =	sor.u32 $0xD0000000, s2;
	s6 =	simm.s32 $0x108;
	_ =	swait.ge @!p0 [sflag:s8], $0x0  }
0x24: {  	s3 =	sadd.s32 $0x88, s3;
	s6 =	simm.s32 @!p1 $0x1082;
	[sflag:s4] =	ssyncset.s32 $0xFFFFF086  }
0x25: {  	[simem:s6], [sflag:s4] =	dma.local [hbm:s3], $0xF7A  }
0x26: {  	[smem:$0x3F98] =	sst s1;
	(tag) =	ssettag s2;
	_ =	strace s9  }
0x27: {  	s1 =	sld [smem:$0x3FA8]  }
0x28: {  	s2 =	sld [smem:$0x3FA9]  }
0x29: {  	s4 =	sld [smem:$0x3FAB]  }
0x2a: {  	p0 =	seq.s32 s5, $0x0;
	s5 =	sld [smem:$0x3FAC]  }
0x2b: {  	s6 =	sld [smem:$0x3FAD]  }
0x2c: {  	s7 =	sld [smem:$0x3FAE]  }
0x2d: {  	s3 =	simm.s32 $0x108;
	s8 =	sld [smem:$0x3FAF]  }
0x2e: {  	s3 =	simm.s32 @!p0 $0x1082;
	s9 =	sld [smem:$0x3FB0]  }
0x2f: {  	lr =	sadd.s32 s0, s3;
	s0 =	sld [smem:$0x3FA7]  }
0x30: {  	s3 =	sld [smem:$0x3FAA]  }
0x31: {  	[smem:$0x3FB3] =	sst s10  }
0x32: {  	s10 =	sld [smem:$0x3FB1];
	_ =	sdelay $0x3  }
0x33: {  	p0 =	seq.s32 s10, $0x1;
	s10 =	sld [smem:$0x3FB3];
	_ =	sdelay $0x3  }
0x34: {  	[smem:$0x3FB3] =	sst s10  }
0x35: {  	s10 =	sld [smem:$0x3FB2];
	_ =	sdelay $0x3  }
0x36: {  	p1 =	seq.s32 s10, $0x1;
	s10 =	sld [smem:$0x3FB3];
	_ =	sdelay $0x3  }
0x37: {  	[smem:$0x3FB3] =	sst s10  }
0x38: {  	s10 =	sld [smem:$0x3FB4]  }
0x39: {  	_ = 	snop;
	(pc) =	sbr.ind lr, $3  }
0x3a: {  	_ = 	snop  }
0x3b: {  	_ = 	snop  }
0x3c: {  	p2 =	seq.s32 s10, $0x1;
	s10 =	sld [smem:$0x3FB3]  }
0x3d: {  	_ =	shalt  }
0x3e: {  	_ =	shalt  }
0x3f: {  	_ =	shalt  }
0x40: {  	_ =	shalt  }
0x41: {  	_ =	shalt  }
0x42: {  	_ =	shalt  }
0x43: {  	_ =	shalt  }
0x44: {  	_ =	shalt  }
0x45: {  	_ =	shalt  }
0x46: {  	_ =	shalt  }
0x47: {  	_ =	shalt  }
0x48: {  	_ =	shalt  }
0x49: {  	_ =	shalt  }
0x4a: {  	_ =	shalt  }
0x4b: {  	_ =	shalt  }
0x4c: {  	_ =	shalt  }
0x4d: {  	_ =	shalt  }
0x4e: {  	_ =	shalt  }
0x4f: {  	_ =	shalt  }
0x50: {  	_ =	shalt  }
0x51: {  	_ =	shalt  }
0x52: {  	_ =	shalt  }
0x53: {  	_ =	shalt  }
0x54: {  	_ =	shalt  }
0x55: {  	_ =	shalt  }
0x56: {  	_ =	shalt  }
0x57: {  	_ =	shalt  }
0x58: {  	_ =	shalt  }
0x59: {  	_ =	shalt  }
0x5a: {  	_ =	shalt  }
0x5b: {  	_ =	shalt  }
0x5c: {  	_ =	shalt  }
0x5d: {  	_ =	shalt  }
0x5e: {  	_ =	shalt  }
0x5f: {  	_ =	shalt  }
0x60: {  	_ =	shalt  }
0x61: {  	_ =	shalt  }
0x62: {  	_ =	shalt  }
0x63: {  	_ =	shalt  }
0x64: {  	_ =	shalt  }
0x65: {  	_ =	shalt  }
0x66: {  	_ =	shalt  }
0x67: {  	_ =	shalt  }
0x68: {  	_ =	shalt  }
0x69: {  	_ =	shalt  }
0x6a: {  	_ =	shalt  }
0x6b: {  	_ =	shalt  }
0x6c: {  	_ =	shalt  }
0x6d: {  	_ =	shalt  }
0x6e: {  	_ =	shalt  }
0x6f: {  	_ =	shalt  }
0x70: {  	_ =	shalt  }
0x71: {  	_ =	shalt  }
0x72: {  	_ =	shalt  }
0x73: {  	_ =	shalt  }
0x74: {  	_ =	shalt  }
0x75: {  	_ =	shalt  }
0x76: {  	_ =	shalt  }
0x77: {  	_ =	shalt  }
0x78: {  	_ =	shalt  }
0x79: {  	_ =	shalt  }
0x7a: {  	_ =	shalt  }
0x7b: {  	_ =	shalt  }
0x7c: {  	_ =	shalt  }
0x7d: {  	_ =	shalt  }
0x7e: {  	_ =	shalt  }
0x7f: {  	_ =	shalt  }
0x80: {  	_ =	shalt  }
0x81: {  	_ =	shalt  }
0x82: {  	_ =	shalt  }
0x83: {  	_ =	shalt  }
0x84: {  	_ =	shalt  }
0x85: {  	_ =	shalt  }
0x86: {  	_ =	shalt  }
0x87: {  	_ =	shalt  }
.Lfunc_end0:
.L_simem_size_0:
called_computation_lowered:
.L_overlay_start_0:
0x88: {  	s2 =	sld [smem:$0x3FD9]  }
0x89: {  	s3 =	sld [smem:$0x3FFE];
	_ =	sdelay $0x1  }
0x8a: {  	s1 =	srdreg.scid  }
0x8b: {  	s0 =	sand.u32 $0x1, s1  }
0x8c: {  	s16 =	sshll.u32 s0, $0xA;
	s2 =	sadd.s32 s3, s2  }
0x8d: {  	s2 =	sadd.s32 s2, s16  }
0x8e: {  	[smem:$0x3FBF] =	sst s2  }
0x8f: {  	_ = 	snop  }
0x90: {  	(tm) =	ssettm $0x1  }
0x91: {  	s17 =	sld [smem:$0x3FFB];
	_ =	sdelay $0x3  }
0x92: {  	_ =	strace s17  }
0x93: {  	s2 =	sld [smem:$0x3FFC];
	_ =	sdelay $0x3  }
0x94: {  	_ =	strace s2  }
0x95: {  	s2 =	sld [smem:$0x3FFD];
	_ =	sdelay $0x3  }
0x96: {  	_ =	strace s2  }
0x97: {  	_ =	strace $0x8FFFFFFF  }
0x98: {  	s18 =	sld [smem:$0x3FDB];
	_ =	sdelay $0x1  }
0x99: {  	s19 =	simm.s32 $_scs_section_size  }
0x9a: {  	s4 =	simm.s32 $_size__tile_overlayer_lowered;
	s5 =	simm.s32 $_tile_overlayer_lowered  }
0x9b: {  	s22 =	simm.s32 $0x1BFF;
	s21 =	sshll.u32 s5, $0x1;
	s2 =	sadd.s32 s19, s18  }
0x9c: {  	s6 =	simm.s32 $0x0;
	s20 =	sshll.u32 s4, $0x1;
	s4 =	sadd.s32 s21, s2  }
0x9d: {  	[timem:s6], [sflag:s22] =	dma.local [hbm:s4], s20  }
0x9e: {  	_ =	swait.ge [sflag:s22], s20  }
0x9f: {  	s3 =	ssub.s32 $0x0, s20;
	[sflag:s22] =	ssyncset.done $0x0  }
0xa0: {  	[sflag:s22] =	ssyncadd.s32 s3;
	_ =	sdelay $0x1  }
0xa1: {  	s23 =	simm.s32 $0x1B8B  }
0xa2: {  	_ =	swait.ge [sflag:s23], $0x1  }
0xa3: {  	[sflag:s23] =	ssyncset.done $0x0  }
0xa4: {  	s25 =	simm.s32 $0x1B8E;
	s24 =	sld [smem:$0x3FFE];
	[sflag:s23] =	ssyncadd.s32 $0xFFFFFFFF  }
0xa5: {  	s26 =	simm.s32 $execute0_lowered;
	[smem:$0x3FD2] =	sst s25  }
0xa6: {  	s4 =	sshll.u32 s26, $0x1;
	_ =	strace $0x80000046;
	[dreg:$0x1] =	wrdreg $0xFFFFFFFF  }
0xa7: {  	s28 =	simm.s32 $_size_execute0_lowered;
	s2 =	sadd.s32 s2, s4;
	[dreg:$0x0] =	wrdreg $0x0  }
0xa8: {  	s4 =	sshll.u32 s28, $0x1;
	[dreg:$0x2] =	wrdreg s2  }
0xa9: {  	[dreg:$0x3] =	wrdreg s4  }
0xaa: {  	[dreg:$0x4] =	wrdreg $0xC0  }
0xab: {  	_ =	task [dreg:s6], $0x5FFFF  }
0xac: {  	[dreg:$0x1] =	wrdreg $0xFFFFFFFF  }
0xad: {  	[dreg:$0x0] =	wrdreg $0x60  }
0xae: {  	[dreg:$0x2] =	wrdreg s24  }
0xaf: {  	[dreg:$0x3] =	wrdreg $0x140000  }
0xb0: {  	[dreg:$0x4] =	wrdreg $0x9  }
0xb1: {  	_ =	task.clear_ibuf [dreg:s6], $0x5FFFF;
	_ =	strace $0x90000046  }
0xb2: {  	s29 =	simm.s32 $0x9;
	_ =	strace $0x80000048  }
0xb3: {  	_ =	swait.ge [sflag:s29], $0x1  }
0xb4: {  	[sflag:s29] =	ssyncadd.s32 $0xFFFFFFFF  }
0xb5: {  	_ =	strace $0x90000048  }
0xb6: {  	_ =	sfence  }
0xb7: {  	s30 =	sld [smem:$0x0];
	_ =	sdelay $0x2  }
0xb8: {  	s31 =	sshll.u32 s1, $0xD;
	s1 =	sshrl.u32 s1, $0x2  }
0xb9: {  	s3 =	sand.u32 $0x4000, s31;
	s1 =	sadd.s32 s1, s30  }
0xba: {  	s0 =	sor.u32 s3, s0;
	s1 =	sshll.u32 s1, $0x11  }
0xbb: {  	s0 =	sor.u32 s1, s0  }
0xbc: {  	s0 =	sadd.s32 $0x8F2B, s0  }
0xbd: {  	[sflag:s0] =	ssyncadd.remote.s32 $0x1  }
0xbe: {  	_ =	sfence.sel $0xFFFF  }
0xbf: {  	[dreg:$0x0] =	wrdreg $0xFFFFFFFF;
	(pc) =	sbr.abs _section_cstart, $3  }
0xc0: {  	[dreg:$0x1] =	wrdreg $0xFFFFFFFF  }
0xc1: {  	_ =	task.clear_ibuf [dreg:s6], $0x2FFFF;
	_ =	strace $0x9FFFFFFF  }
0xc2: {  	(tm) =	ssettm $0x7FFFFFFF  }
0xc3: {  	_ =	shalt  }
tec
execute0_lowered:
.L_overlay_start_1:
0x0: {  	(tag) =	ssettag $0x1  }
0x1: {  	s6 =	rddreg [dreg:$0x0]  }
0x2: {  	s0 =	srdreg.scid;
	s2 =	rddreg [dreg:$0x1]  }
0x3: {  	s3 =	simm.s32 $0x0;
	s14 =	simm.s32 $0x80;
	s15 =	simm.s32 $0x1  }
0x4: {  	s16 =	simm.s32 $0x2;
	s5 =	sand.u32 $0x1, s0;
	s0 =	stileid.u32  }
0x5: {  	s17 =	simm.s32 $0x0;
	[smem:$0x7FF] =	sst s3;
	s8 =	smul.u32 $0x1940, s0  }
0x6: {  	s4 =	sadd.s32 $0x14A00, s6;
	s1 =	sshll.u32 s5, $0x4;
	s9 =	smul.u32 $0x19400, s5  }
0x7: {  	s5 =	ssub.s32 $0x2, s5;
	s12 =	sshll.u32 s0, $0x6;
	s1 =	sor.u32 s0, s1  }
0x8: {  	s11 =	sshrl.u32 s5, $0x1;
	s12 =	sor.u32 $0x1C03, s12;
	s7 =	smul.u32 $0xA00, s1  }
0x9: {  	s1 =	rddreg [dreg:$0x2];
	_ =	strace $0x80000047;
	s9 =	sadd.s32 s8, s9  }
0xa: {  	s10 =	sshrl.u32 s8, $0x3;
	s11 =	ssub.s32 s5, s11;
	s13 =	sadd.s32 s8, s2  }
0xb: {  	s9 =	sshrl.u32 s9, $0x3;
	s10 =	sadd.s32 s10, s6;
	s7 =	sadd.s32 s7, s6  }
0xc: {  	s13 =	sshrl.u32 s13, $0x3;
	s9 =	sadd.s32 s9, s6;
	s5 =	sadd.s32 $0x17E00, s7  }
0xd: {  	s6 =	sadd.s32 $0x2BE00, s7;
	s7 =	sadd.s32 $0x3FE00, s10;
	s8 =	sadd.s32 $0x43200, s9  }
0xe: {  	s9 =	smax.u32 s11, $0x1;
	s10 =	simm.s32 $0x3;
	s11 =	simm.s32 $0x5000  }
.LBB2_1:
0xf: {  	[tilespmem:s3], [sflag:$0x3] =	stream.linear.gather [hbm4b:s5+s3], $0x5000, $0x38;
	[tilespmem:$0x15940] =	vst v63  }
0x10: {  	_ =	swait.ge [sflag:s10], $0x5000  }
0x11: {  	[sflag:s10] =	ssyncset.done $0x0  }
0x12: {  	[sflag:s10] =	ssyncadd.s32 $0xFFFFB000  }
0x13: {  	[tilespmem:s11], [sflag:$0x3] =	stream.linear.gather [hbm4b:s6+s3], $0x5000, $0x38;
	[tilespmem:$0x15940] =	vst v63  }
0x14: {  	_ =	swait.ge [sflag:s10], $0x5000  }
0x15: {  	[sflag:s10] =	ssyncset.done $0x0  }
0x16: {  	[sflag:s10] =	ssyncadd.s32 $0xFFFFB000  }
0x17: {  	[spmem:s13], [sflag:s12] =	dma.local [hbm:s7], $0x328  }
0x18: {  	_ =	swait.ge [sflag:s10], $0x328  }
0x19: {  	[sflag:s10] =	ssyncset.done $0x0  }
0x1a: {  	s18 =	simm.s32 $0xA000;
	[sflag:s10] =	ssyncadd.s32 $0xFFFFFCD8  }
0x1b: {  	s19 =	simm.s32 $0xA000;
	s20 =	simm.s32 $0x0;
	[bflag:$0x0] =	sbarrier.arrive $0xFFFF  }
.LBB2_2:
0x1c: {  	p0 =	sne.s32 s20, $0x4E00  }
.Ltmp0:
0x1d: {  	_ = 	snop;
	(pc) =	sbr.rel @p0 .LBB2_2-.Ltmp0, $4  }
0x1e: {  	_ = 	snop  }
0x1f: {  	s21 =	sshra.s32 s20, $0x2  }
0x20: {  	[tilespmem:s19], [sflag:$0x1] =	stream.indirect.gather [hbm4b:s4+s14], $0x8, s21, s14, $0xb8;
	[tilespmem:$0x15940] =	vst v63  }
0x21: {  	s20 =	sadd.s32 $0x200, s20;
	s19 =	sadd.s32 $0x400, s19  }
0x22: {  	_ =	swait.ge [sflag:s15], $0x400  }
0x23: {  	[sflag:s15] =	ssyncset.done $0x0  }
0x24: {  	s19 =	simm.s32 $0x5000;
	[sflag:s15] =	ssyncadd.s32 $0xFFFFFC00  }
0x25: {  	[spmem:s2] =	stream.indirect.scatter.add.f32 [tilespmem:s18], [sflag:$0x2], $0x8, s19, s14, $0xb8;
	[tilespmem:$0x15940] =	vst v63  }
0x26: {  	s19 =	simm.s32 $0x200  }
.LBB2_4:
0x27: {  	_ =	swait.ge [sflag:s15], $0x400;
	p0 =	sne.s32 s19, $0x4E00  }
.Ltmp1:
0x28: {  	(pc) =	sbr.rel @p0 .LBB2_4-.Ltmp1, $4  }
0x29: {  	s20 =	sshra.s32 s19, $0x2  }
0x2a: {  	s19 =	sadd.s32 $0x200, s19;
	[sflag:s15] =	ssyncset.done $0x0  }
0x2b: {  	s18 =	sadd.s32 $0x400, s18;
	s20 =	sadd.s32 $0x5000, s20;
	[sflag:s15] =	ssyncadd.s32 $0xFFFFFC00  }
0x2c: {  	[spmem:s2] =	stream.indirect.scatter.add.f32 [tilespmem:s18], [sflag:$0x2], $0x8, s20, s14, $0xb8;
	[tilespmem:$0x15940] =	vst v63  }
0x2d: {  	_ =	swait.ge [sflag:s16], $0x400  }
0x2e: {  	s19 =	simm.s32 $0x27;
	[sflag:s16] =	ssyncset.done $0x0  }
.LBB2_6:
0x2f: {  	p0 =	sne.s32 s19, $0x1;
	s19 =	sadd.s32 $0xFFFFFFFF, s19;
	[sflag:s16] =	ssyncadd.s32 $0xFFFFFC00  }
.Ltmp2:
0x30: {  	(pc) =	sbr.rel @p0 .LBB2_6-.Ltmp2, $3  }
0x31: {  	_ =	sdelay $0x1  }
0x32: {  	_ =	swait.ge [sflag:s16], $0x400  }
0x33: {  	s18 =	simm.s32 $0xA000;
	[sflag:s16] =	ssyncset.done $0x0  }
0x34: {  	[sflag:s16] =	ssyncadd.s32 $0xFFFFFC00;
	s19 =	simm.s32 $0x1400  }
0x35: {  	[tilespmem:s18], [sflag:$0x1] =	stream.indirect.gather [hbm4b:s4+s14], $0x8, s19, s14, $0xb8;
	[tilespmem:$0x15940] =	vst v63  }
0x36: {  	s20 =	simm.s32 $0xA000;
	s19 =	simm.s32 $0x200  }
.LBB2_8:
0x37: {  	p0 =	sne.s32 s19, $0x4E00  }
.Ltmp3:
0x38: {  	_ = 	snop;
	(pc) =	sbr.rel @p0 .LBB2_8-.Ltmp3, $4  }
0x39: {  	_ = 	snop  }
0x3a: {  	s21 =	sshra.s32 s19, $0x2;
	s19 =	sadd.s32 $0x200, s19  }
0x3b: {  	s20 =	sadd.s32 $0x400, s20;
	s21 =	sadd.s32 $0x1400, s21  }
0x3c: {  	[tilespmem:s20], [sflag:$0x1] =	stream.indirect.gather [hbm4b:s4+s14], $0x8, s21, s14, $0xb8;
	[tilespmem:$0x15940] =	vst v63  }
0x3d: {  	_ =	swait.ge [sflag:s15], $0x400  }
0x3e: {  	[sflag:s15] =	ssyncset.done $0x0  }
0x3f: {  	s19 =	simm.s32 $0x6400;
	[sflag:s15] =	ssyncadd.s32 $0xFFFFFC00  }
0x40: {  	[spmem:s2] =	stream.indirect.scatter.add.f32 [tilespmem:s18], [sflag:$0x2], $0x8, s19, s14, $0xb8;
	[tilespmem:$0x15940] =	vst v63  }
0x41: {  	s19 =	simm.s32 $0x200  }
.LBB2_10:
0x42: {  	_ =	swait.ge [sflag:s15], $0x400;
	p0 =	sne.s32 s19, $0x4E00  }
.Ltmp4:
0x43: {  	(pc) =	sbr.rel @p0 .LBB2_10-.Ltmp4, $4  }
0x44: {  	s20 =	sshra.s32 s19, $0x2  }
0x45: {  	s19 =	sadd.s32 $0x200, s19;
	[sflag:s15] =	ssyncset.done $0x0  }
0x46: {  	s18 =	sadd.s32 $0x400, s18;
	s20 =	sadd.s32 $0x6400, s20;
	[sflag:s15] =	ssyncadd.s32 $0xFFFFFC00  }
0x47: {  	[spmem:s2] =	stream.indirect.scatter.add.f32 [tilespmem:s18], [sflag:$0x2], $0x8, s20, s14, $0xb8;
	[tilespmem:$0x15940] =	vst v63  }
0x48: {  	_ =	swait.ge [sflag:s16], $0x400  }
0x49: {  	s19 =	simm.s32 $0x27;
	[sflag:s16] =	ssyncset.done $0x0  }
.LBB2_12:
0x4a: {  	p0 =	sne.s32 s19, $0x1;
	s19 =	sadd.s32 $0xFFFFFFFF, s19;
	[sflag:s16] =	ssyncadd.s32 $0xFFFFFC00  }
.Ltmp5:
0x4b: {  	(pc) =	sbr.rel @p0 .LBB2_12-.Ltmp5, $3  }
0x4c: {  	_ =	sdelay $0x1  }
0x4d: {  	_ =	swait.ge [sflag:s16], $0x400  }
0x4e: {  	s18 =	simm.s32 $0xA000;
	[sflag:s16] =	ssyncset.done $0x0  }
0x4f: {  	[sflag:s16] =	ssyncadd.s32 $0xFFFFFC00;
	s19 =	simm.s32 $0x2800  }
0x50: {  	[tilespmem:s18], [sflag:$0x1] =	stream.indirect.gather [hbm4b:s4+s14], $0x8, s19, s14, $0xb8;
	[tilespmem:$0x15940] =	vst v63  }
0x51: {  	s20 =	simm.s32 $0xA000;
	s19 =	simm.s32 $0x200  }
.LBB2_14:
0x52: {  	p0 =	sne.s32 s19, $0x4E00  }
.Ltmp6:
0x53: {  	_ = 	snop;
	(pc) =	sbr.rel @p0 .LBB2_14-.Ltmp6, $4  }
0x54: {  	_ = 	snop  }
0x55: {  	s21 =	sshra.s32 s19, $0x2;
	s19 =	sadd.s32 $0x200, s19  }
0x56: {  	s20 =	sadd.s32 $0x400, s20;
	s21 =	sadd.s32 $0x2800, s21  }
0x57: {  	[tilespmem:s20], [sflag:$0x1] =	stream.indirect.gather [hbm4b:s4+s14], $0x8, s21, s14, $0xb8;
	[tilespmem:$0x15940] =	vst v63  }
0x58: {  	_ =	swait.ge [sflag:s15], $0x400  }
0x59: {  	[sflag:s15] =	ssyncset.done $0x0  }
0x5a: {  	s19 =	simm.s32 $0x7800;
	[sflag:s15] =	ssyncadd.s32 $0xFFFFFC00  }
0x5b: {  	[spmem:s2] =	stream.indirect.scatter.add.f32 [tilespmem:s18], [sflag:$0x2], $0x8, s19, s14, $0xb8;
	[tilespmem:$0x15940] =	vst v63  }
0x5c: {  	s19 =	simm.s32 $0x200  }
.LBB2_16:
0x5d: {  	_ =	swait.ge [sflag:s15], $0x400;
	p0 =	sne.s32 s19, $0x4E00  }
.Ltmp7:
0x5e: {  	(pc) =	sbr.rel @p0 .LBB2_16-.Ltmp7, $4  }
0x5f: {  	s20 =	sshra.s32 s19, $0x2  }
0x60: {  	s19 =	sadd.s32 $0x200, s19;
	[sflag:s15] =	ssyncset.done $0x0  }
0x61: {  	s18 =	sadd.s32 $0x400, s18;
	s20 =	sadd.s32 $0x7800, s20;
	[sflag:s15] =	ssyncadd.s32 $0xFFFFFC00  }
0x62: {  	[spmem:s2] =	stream.indirect.scatter.add.f32 [tilespmem:s18], [sflag:$0x2], $0x8, s20, s14, $0xb8;
	[tilespmem:$0x15940] =	vst v63  }
0x63: {  	_ =	swait.ge [sflag:s16], $0x400  }
0x64: {  	s19 =	simm.s32 $0x27;
	[sflag:s16] =	ssyncset.done $0x0  }
.LBB2_18:
0x65: {  	p0 =	sne.s32 s19, $0x1;
	s19 =	sadd.s32 $0xFFFFFFFF, s19;
	[sflag:s16] =	ssyncadd.s32 $0xFFFFFC00  }
.Ltmp8:
0x66: {  	(pc) =	sbr.rel @p0 .LBB2_18-.Ltmp8, $3  }
0x67: {  	_ =	sdelay $0x1  }
0x68: {  	_ =	swait.ge [sflag:s16], $0x400  }
0x69: {  	s18 =	simm.s32 $0xA000;
	[sflag:s16] =	ssyncset.done $0x0  }
0x6a: {  	[sflag:s16] =	ssyncadd.s32 $0xFFFFFC00;
	s19 =	simm.s32 $0x3C00  }
0x6b: {  	[tilespmem:s18], [sflag:$0x1] =	stream.indirect.gather [hbm4b:s4+s14], $0x8, s19, s14, $0xb8;
	[tilespmem:$0x15940] =	vst v63  }
0x6c: {  	s20 =	simm.s32 $0xA000;
	s19 =	simm.s32 $0x200  }
.LBB2_20:
0x6d: {  	p0 =	sne.s32 s19, $0x4E00  }
.Ltmp9:
0x6e: {  	_ = 	snop;
	(pc) =	sbr.rel @p0 .LBB2_20-.Ltmp9, $4  }
0x6f: {  	_ = 	snop  }
0x70: {  	s21 =	sshra.s32 s19, $0x2;
	s19 =	sadd.s32 $0x200, s19  }
0x71: {  	s20 =	sadd.s32 $0x400, s20;
	s21 =	sadd.s32 $0x3C00, s21  }
0x72: {  	[tilespmem:s20], [sflag:$0x1] =	stream.indirect.gather [hbm4b:s4+s14], $0x8, s21, s14, $0xb8;
	[tilespmem:$0x15940] =	vst v63  }
0x73: {  	_ =	swait.ge [sflag:s15], $0x400  }
0x74: {  	[sflag:s15] =	ssyncset.done $0x0  }
0x75: {  	s19 =	simm.s32 $0x8C00;
	[sflag:s15] =	ssyncadd.s32 $0xFFFFFC00  }
0x76: {  	[spmem:s2] =	stream.indirect.scatter.add.f32 [tilespmem:s18], [sflag:$0x2], $0x8, s19, s14, $0xb8;
	[tilespmem:$0x15940] =	vst v63  }
0x77: {  	s19 =	simm.s32 $0x200  }
.LBB2_22:
0x78: {  	_ =	swait.ge [sflag:s15], $0x400;
	p0 =	sne.s32 s19, $0x4E00  }
.Ltmp10:
0x79: {  	(pc) =	sbr.rel @p0 .LBB2_22-.Ltmp10, $4  }
0x7a: {  	s20 =	sshra.s32 s19, $0x2  }
0x7b: {  	s19 =	sadd.s32 $0x200, s19;
	[sflag:s15] =	ssyncset.done $0x0  }
0x7c: {  	s18 =	sadd.s32 $0x400, s18;
	s20 =	sadd.s32 $0x8C00, s20;
	[sflag:s15] =	ssyncadd.s32 $0xFFFFFC00  }
0x7d: {  	[spmem:s2] =	stream.indirect.scatter.add.f32 [tilespmem:s18], [sflag:$0x2], $0x8, s20, s14, $0xb8;
	[tilespmem:$0x15940] =	vst v63  }
0x7e: {  	_ =	swait.ge [sflag:s16], $0x400  }
0x7f: {  	s18 =	simm.s32 $0x27;
	[sflag:s16] =	ssyncset.done $0x0  }
.LBB2_24:
0x80: {  	p0 =	sne.s32 s18, $0x1;
	s18 =	sadd.s32 $0xFFFFFFFF, s18;
	[sflag:s16] =	ssyncadd.s32 $0xFFFFFC00  }
.Ltmp11:
0x81: {  	(pc) =	sbr.rel @p0 .LBB2_24-.Ltmp11, $3  }
0x82: {  	_ =	sdelay $0x1  }
0x83: {  	_ =	swait.ge [sflag:s16], $0x400  }
0x84: {  	[sflag:s16] =	ssyncset.done $0x0  }
0x85: {  	s17 =	sadd.s32 $0x1, s17  }
0x86: {  	[sflag:s16] =	ssyncadd.s32 $0xFFFFFC00;
	p0 =	sne.s32 s17, s9  }
.Ltmp12:
0x87: {  	[bflag:$0x0] =	sbarrier.arrive $0xFFFF;
	(pc) =	sbr.rel @p0 .LBB2_1-.Ltmp12, $4  }
0x88: {  	[hbm:s8], [sflag:s12] =	dma.local [spmem:s13], $0x328  }
0x89: {  	_ =	swait.ge [sflag:s10], $0x328  }
0x8a: {  	[sflag:s10] =	ssyncset.done $0x0  }
0x8b: {  	[sflag:s10] =	ssyncadd.s32 $0xFFFFFCD8  }
0x8c: {  	_ =	sfence.sel $0x180000  }
0x8d: {  	[bflag:$0x0] =	sbarrier.arrive $0xFFFF  }
0x8e: {  	p0 =	sne.s32 s0, $0x0;
	_ =	strace $0x90000047  }
0x8f: {  	s0 =	sadd.s32 @!p0 $0x100000, s1;
	[bflag:$0x2] =	sbarrier.arrive $0xFFFF  }
0x90: {  	[sflag:s0] =	ssyncadd.tile.s32 @!p0 $0x1;
	_ =	shalt  }
.Lfunc_end2:
_tile_overlayer_lowered:
.L_overlay_start_2:
0x91: {  	(tag) =	ssettag $0x2  }
0x92: {  	s0 =	rddreg [dreg:$0x0];
	s2 =	stileid.u32  }
0x93: {  	s1 =	rddreg [dreg:$0x1];
	p0 =	sne.s32 s2, $0x0  }
0x94: {  	s3 =	rddreg [dreg:$0x2];
	[bflag:$0x3] =	sbarrier.arrive $0xFFFF;
	s2 =	simm.s32 @!p0 $0x1C03  }
0x95: {  	[timem:s3], [sflag:s2] =	dma.local @!p0 [hbm:s0], s1  }
0x96: {  	s0 =	simm.s32 @!p0 $0x3  }
0x97: {  	_ =	swait.ge @!p0 [sflag:s0], s1  }
0x98: {  	s1 =	ssub.s32 @!p0 $0x0, s1;
	[sflag:s0] =	ssyncset.done @!p0 $0x0  }
0x99: {  	[sflag:s0] =	ssyncadd.s32 @!p0 s1  }
0x9a: {  	[bflag:$0x3] =	sbarrier.arrive $0xFFFF  }
0x9b: {  	_ =	shalt  }

</sc_bundles>
